<compile_context>
chip_gen: v7x
topology: tpu7x:2x2x1
jax: 0.10.2.dev20260603
libtpu: 0.0.44.dev20260713+nightly
codegen_flags: <defaults>
</compile_context>

<pallas_src>
import functools

import jax
import jax.numpy as jnp
from jax import lax
from jax.experimental import pallas as pl
from jax.experimental.pallas import tpu as pltpu
from jax.experimental.pallas import tpu_sc as plsc

E = 3_200_000
D = 16
V_DIR, V_TYPE, V_RING = 12, 27, 7
NV = V_DIR + V_TYPE + V_RING
NT2 = V_DIR * V_TYPE
NC, NS = 2, 16
NW = NC * NS
EPW = E // NW
CHUNK = 400
NCHUNK = EPW // CHUNK
GROUPS = CHUNK // 16


@functools.partial(
    pl.kernel,
    mesh=plsc.VectorSubcoreMesh(core_axis_name="c", subcore_axis_name="s"),
    out_type=jax.ShapeDtypeStruct((E, D), jnp.float32),
    scratch_types=[
        pltpu.VMEM((NV * D,), jnp.float32),
        pltpu.VMEM((NT2 * D,), jnp.float32),
        pltpu.VMEM((CHUNK,), jnp.int32),
        pltpu.VMEM((CHUNK,), jnp.int32),
        pltpu.VMEM((CHUNK,), jnp.int32),
        pltpu.VMEM((CHUNK,), jnp.int32),
        pltpu.VMEM((CHUNK,), jnp.int32),
        pltpu.VMEM((CHUNK,), jnp.int32),
        pltpu.VMEM((CHUNK, D), jnp.float32),
        pltpu.VMEM((CHUNK, D), jnp.float32),
        pltpu.SemaphoreType.DMA,
        pltpu.SemaphoreType.DMA,
        pltpu.SemaphoreType.DMA,
        pltpu.SemaphoreType.DMA,
    ],
)
def _sc_lookup(dir_hbm, type_hbm, ring_hbm, w_hbm, out_hbm,
               wv, tv,
               dirb0, typeb0, ringb0, dirb1, typeb1, ringb1,
               rows0, rows1, semin0, semin1, semout0, semout1):
    wid = lax.axis_index("s") * NC + lax.axis_index("c")
    tbase = wid * EPW

    pltpu.sync_copy(w_hbm, wv)

    def build_body(r, _):
        i = r // V_TYPE
        j = r - i * V_TYPE
        tv[pl.ds(r * D, D)] = (wv[pl.ds(i * D, D)]
                               + wv[pl.ds((V_DIR + j) * D, D)])
        return 0

    lax.fori_loop(0, NT2, build_body, 0)

    bufs = ((dirb0, typeb0, ringb0, rows0, semin0, semout0),
            (dirb1, typeb1, ringb1, rows1, semin1, semout1))

    def in_descs(ci, db, tb, rb, s):
        base = pl.multiple_of(tbase + ci * CHUNK, 8)
        return ((dir_hbm.at[pl.ds(base, CHUNK)], db, s),
                (type_hbm.at[pl.ds(base, CHUNK)], tb, s),
                (ring_hbm.at[pl.ds(base, CHUNK)], rb, s))

    def out_desc(ci, rw, s):
        base = pl.multiple_of(tbase + ci * CHUNK, 8)
        return (rw, out_hbm.at[pl.ds(base, CHUNK)], s)

    def compute(db, tb, rb, rw):
        @plsc.parallel_loop(0, GROUPS, unroll=2)
        def group_body(g):
            e0 = g * 16
            cv = (db[pl.ds(e0, 16)] * V_TYPE + tb[pl.ds(e0, 16)]) * D
            rv = (rb[pl.ds(e0, 16)] + (V_DIR + V_TYPE)) * D
            for u in range(16):
                rw[e0 + u] = tv[pl.ds(cv[u], D)] + wv[pl.ds(rv[u], D)]

    for desc in in_descs(0, dirb0, typeb0, ringb0, semin0):
        pltpu.async_copy(*desc)

    def pair_body(p, _):
        for b in range(2):
            db, tb, rb, rw, si, so = bufs[b]
            odb, otb, orb, _, osi, _ = bufs[1 - b]
            ci = p * 2 + b
            nci = ci + 1

            @pl.when(nci < NCHUNK)
            def _():
                for desc in in_descs(nci, odb, otb, orb, osi):
                    pltpu.async_copy(*desc)

            for desc in in_descs(ci, db, tb, rb, si):
                pltpu.make_async_copy(*desc).wait()

            @pl.when(ci >= 2)
            def _():
                pltpu.make_async_copy(*out_desc(ci, rw, so)).wait()

            compute(db, tb, rb, rw)
            pltpu.async_copy(*out_desc(ci, rw, so))
        return 0

    lax.fori_loop(0, NCHUNK // 2, pair_body, 0)

    pltpu.make_async_copy(*out_desc(NCHUNK - 2, rows0, semout0)).wait()
    pltpu.make_async_copy(*out_desc(NCHUNK - 1, rows1, semout1)).wait()


def kernel(bond_dir, bond_type, is_in_ring, W_bond_dir, W_bond_type, W_is_in_ring):
    wflat = jnp.concatenate([W_bond_dir.reshape(-1),
                             W_bond_type.reshape(-1),
                             W_is_in_ring.reshape(-1)])
    return _sc_lookup(bond_dir, bond_type, is_in_ring, wflat)

# --- scband reference (transcript-rebuilt; emitter-appended) ---
"""Pipeline reference for scband-bond-embedding-14860586844307 (READ-ONLY COPY).

The authoritative reference and input builder live on the scoring server;
editing this copy changes nothing except your own understanding.
"""

import jax, jax.numpy as jnp
import numpy as np

E = 3200000
D = 16
VOCABS = {"bond_dir": 12, "bond_type": 27, "is_in_ring": 7}

def _xavier(key, fan_in, fan_out):
    scale = jnp.sqrt(6.0 / (fan_in + fan_out))
    return jax.random.uniform(key, (fan_in, fan_out), dtype=jnp.float32, minval=-scale, maxval=scale)

def setup_inputs(seed: int = 0) -> dict:
    key = jax.random.key(seed)
    k0, k1, k2, k3, k4, k5 = jax.random.split(key, 6)
    inp = {}
    inp["bond_dir"] = jax.random.randint(k0, (E,), 0, VOCABS["bond_dir"], dtype=jnp.int32)
    inp["bond_type"] = jax.random.randint(k1, (E,), 0, VOCABS["bond_type"], dtype=jnp.int32)
    inp["is_in_ring"] = jax.random.randint(k2, (E,), 0, VOCABS["is_in_ring"], dtype=jnp.int32)
    inp["W_bond_dir"] = _xavier(k3, VOCABS["bond_dir"], D)
    inp["W_bond_type"] = _xavier(k4, VOCABS["bond_type"], D)
    inp["W_is_in_ring"] = _xavier(k5, VOCABS["is_in_ring"], D)
    return inp

def reference(bond_dir, bond_type, is_in_ring, W_bond_dir, W_bond_type, W_is_in_ring):
    # out_embed = sum of per-feature embedding lookups (gather -> add)
    out = jnp.take(W_bond_dir, bond_dir, axis=0)
    out = out + jnp.take(W_bond_type, bond_type, axis=0)
    out = out + jnp.take(W_is_in_ring, is_in_ring, axis=0)
    return out

if __name__ == "__main__":
    import jax
    _d = setup_inputs()
    print(jax.jit(kernel)(*tuple(_d.values())))

</pallas_src>

<mosaic_0001>
#map = affine_map<(d0, d1) -> (0)>
#map1 = affine_map<(d0, d1) -> (0, 0)>
module attributes {stable_mosaic.version = 14 : i64} {
  func.func @_sc_lookup(%arg0: i32, %arg1: i32, %arg2: memref<3200000xi32, #tpu.memory_space<hbm>>, %arg3: memref<3200000xi32, #tpu.memory_space<hbm>>, %arg4: memref<3200000xi32, #tpu.memory_space<hbm>>, %arg5: memref<736xf32, #tpu.memory_space<hbm>>, %arg6: memref<3200000x16xf32, #tpu.memory_space<hbm>>, %arg7: memref<736xf32, #tpu.memory_space<vmem>>, %arg8: memref<5184xf32, #tpu.memory_space<vmem>>, %arg9: memref<400xi32, #tpu.memory_space<vmem>>, %arg10: memref<400xi32, #tpu.memory_space<vmem>>, %arg11: memref<400xi32, #tpu.memory_space<vmem>>, %arg12: memref<400xi32, #tpu.memory_space<vmem>>, %arg13: memref<400xi32, #tpu.memory_space<vmem>>, %arg14: memref<400xi32, #tpu.memory_space<vmem>>, %arg15: memref<400x16xf32, #tpu.memory_space<vmem>>, %arg16: memref<400x16xf32, #tpu.memory_space<vmem>>, %arg17: memref<!tpu.dma_semaphore, #tpu.memory_space<semaphore_mem>>, %arg18: memref<!tpu.dma_semaphore, #tpu.memory_space<semaphore_mem>>, %arg19: memref<!tpu.dma_semaphore, #tpu.memory_space<semaphore_mem>>, %arg20: memref<!tpu.dma_semaphore, #tpu.memory_space<semaphore_mem>>) attributes {dimension_semantics = [#tpu.dimension_semantics<core_parallel>, #tpu.dimension_semantics<subcore_parallel>], iteration_bounds = array<i64: 2, 16>, scalar_prefetch = 0 : i64, scratch_operands = 14 : i64, tpu.core_type = #tpu.core_type<sc_vector_subcore>, window_params = [{transform_indices = #map}, {transform_indices = #map}, {transform_indices = #map}, {transform_indices = #map}, {transform_indices = #map1}]} {
    %mul3A = arith.constant 2 : i32
    %mul3A_0 = arith.muli %arg1, %mul3A : i32
    %add3A = arith.addi %mul3A_0, %arg0 : i32
    %mul3A_1 = arith.constant 100000 : i32
    %mul3A_2 = arith.muli %add3A, %mul3A_1 : i32
    "tpu.region"() ({
      %run_scoped3A = tpu.sem_alloc : memref<!tpu.dma_semaphore, #tpu.memory_space<semaphore_mem>>
      tpu.enqueue_dma source(%arg5 : memref<736xf32, #tpu.memory_space<hbm>>) target(%arg7 : memref<736xf32, #tpu.memory_space<vmem>>) target_semaphore(%run_scoped3A : memref<!tpu.dma_semaphore, #tpu.memory_space<semaphore_mem>>)
      tpu.wait_dma2 semaphore(%run_scoped3A : memref<!tpu.dma_semaphore, #tpu.memory_space<semaphore_mem>>) src(%arg5 : memref<736xf32, #tpu.memory_space<hbm>>) dst(%arg7 : memref<736xf32, #tpu.memory_space<vmem>>)
      tpu.yield
    }) : () -> ()
    %scan3A = arith.constant 0 : i32
    %scan3A_3 = arith.constant 0 : i32
    %scan3A_4 = arith.constant 324 : i32
    %scan3A_5 = arith.addi %scan3A_3, %scan3A_4 : i32
    %scan3A_6 = arith.constant 1 : i32
    %scan3A_7 = scf.for %scan3A_36 = %scan3A_3 to %scan3A_5 step %scan3A_6 iter_args(%scan3A_37 = %scan3A) -> (i32)  : i32 {
      %jit3A = arith.constant 27 : i32
      %div3A = arith.divsi %scan3A_36, %jit3A : i32
      %sign3A = arith.constant 0 : i32
      %sign3A_38 = arith.cmpi sgt, %scan3A_36, %sign3A : i32
      %sign3A_39 = arith.extui %sign3A_38 : i1 to i32
      %sign3A_40 = arith.constant 0 : i32
      %sign3A_41 = arith.cmpi slt, %scan3A_36, %sign3A_40 : i32
      %sign3A_42 = arith.extui %sign3A_41 : i1 to i32
      %sign3A_43 = arith.subi %sign3A_39, %sign3A_42 : i32
      %sign3A_44 = arith.constant 0 : i32
      %sign3A_45 = arith.cmpi sgt, %jit3A, %sign3A_44 : i32
      %sign3A_46 = arith.extui %sign3A_45 : i1 to i32
      %sign3A_47 = arith.constant 0 : i32
      %sign3A_48 = arith.cmpi slt, %jit3A, %sign3A_47 : i32
      %sign3A_49 = arith.extui %sign3A_48 : i1 to i32
      %sign3A_50 = arith.subi %sign3A_46, %sign3A_49 : i32
      %ne3A = arith.cmpi ne, %sign3A_43, %sign3A_50 : i32
      %rem3A = arith.remsi %scan3A_36, %jit3A : i32
      %ne3A_51 = arith.constant 0 : i32
      %ne3A_52 = arith.cmpi ne, %rem3A, %ne3A_51 : i32
      %and3A = arith.andi %ne3A, %ne3A_52 : i1
      %sub3A = arith.constant 1 : i32
      %sub3A_53 = arith.subi %div3A, %sub3A : i32
      %select_n3A = arith.select %and3A, %sub3A_53, %div3A : i32
      %mul3A_54 = arith.constant 27 : i32
      %mul3A_55 = arith.muli %select_n3A, %mul3A_54 : i32
      %sub3A_56 = arith.subi %scan3A_36, %mul3A_55 : i32
      %mul3A_57 = arith.constant 16 : i32
      %mul3A_58 = arith.muli %select_n3A, %mul3A_57 : i32
      %get3A = arith.index_cast %mul3A_58 : i32 to index
      %get3A_59 = tpu.vector_load %arg7[%get3A] {strides = array<i32>} : memref<736xf32, #tpu.memory_space<vmem>>, vector<16xf32>,
      %get3A_60 = vector.shape_cast %get3A_59 : vector<16xf32> to vector<16xf32>
      %add3A_61 = arith.constant 12 : i32
      %add3A_62 = arith.addi %add3A_61, %sub3A_56 : i32
      %mul3A_63 = arith.constant 16 : i32
      %mul3A_64 = arith.muli %add3A_62, %mul3A_63 : i32
      %get3A_65 = arith.index_cast %mul3A_64 : i32 to index
      %get3A_66 = tpu.vector_load %arg7[%get3A_65] {strides = array<i32>} : memref<736xf32, #tpu.memory_space<vmem>>, vector<16xf32>,
      %get3A_67 = vector.shape_cast %get3A_66 : vector<16xf32> to vector<16xf32>
      %add3A_68 = arith.addf %get3A_60, %get3A_67 : vector<16xf32>
      %mul3A_69 = arith.constant 16 : i32
      %mul3A_70 = arith.muli %scan3A_36, %mul3A_69 : i32
      %swap3A = arith.index_cast %mul3A_70 : i32 to index
      %swap3A_71 = tpu.vector_load %arg8[%swap3A] {strides = array<i32>} : memref<5184xf32, #tpu.memory_space<vmem>>, vector<16xf32>,
      %swap3A_72 = vector.shape_cast %swap3A_71 : vector<16xf32> to vector<16xf32>
      %swap3A_73 = vector.shape_cast %add3A_68 : vector<16xf32> to vector<16xf32>
      tpu.vector_store %arg8[%swap3A], %swap3A_73 {strides = array<i32>} : memref<5184xf32, #tpu.memory_space<vmem>>, vector<16xf32>,
      %scan3A_74 = arith.constant 0 : i32
      scf.yield %scan3A_74 : i32
    }
    %scan3A_8 = arith.constant 324 : i32
    %add3A_9 = arith.constant 0 : i32
    %add3A_10 = arith.addi %mul3A_2, %add3A_9 : i32
    %multiple_of3A = tpu.assume_multiple %add3A_10, 8 : i32
    %dma_start3A = tpu.memref_slice %arg2[%multiple_of3A] : memref<3200000xi32, #tpu.memory_space<hbm>> -> memref<400xi32, #tpu.memory_space<hbm>>
    %dma_start3A_11 = tpu.memref_slice %arg2[%multiple_of3A] : memref<3200000xi32, #tpu.memory_space<hbm>> -> memref<400xi32, #tpu.memory_space<hbm>>
    tpu.enqueue_dma source(%dma_start3A_11 : memref<400xi32, #tpu.memory_space<hbm>>) target(%arg9 : memref<400xi32, #tpu.memory_space<vmem>>) target_semaphore(%arg17 : memref<!tpu.dma_semaphore, #tpu.memory_space<semaphore_mem>>)
    %dma_start3A_12 = tpu.memref_slice %arg3[%multiple_of3A] : memref<3200000xi32, #tpu.memory_space<hbm>> -> memref<400xi32, #tpu.memory_space<hbm>>
    %dma_start3A_13 = tpu.memref_slice %arg3[%multiple_of3A] : memref<3200000xi32, #tpu.memory_space<hbm>> -> memref<400xi32, #tpu.memory_space<hbm>>
    tpu.enqueue_dma source(%dma_start3A_13 : memref<400xi32, #tpu.memory_space<hbm>>) target(%arg10 : memref<400xi32, #tpu.memory_space<vmem>>) target_semaphore(%arg17 : memref<!tpu.dma_semaphore, #tpu.memory_space<semaphore_mem>>)
    %dma_start3A_14 = tpu.memref_slice %arg4[%multiple_of3A] : memref<3200000xi32, #tpu.memory_space<hbm>> -> memref<400xi32, #tpu.memory_space<hbm>>
    %dma_start3A_15 = tpu.memref_slice %arg4[%multiple_of3A] : memref<3200000xi32, #tpu.memory_space<hbm>> -> memref<400xi32, #tpu.memory_space<hbm>>
    tpu.enqueue_dma source(%dma_start3A_15 : memref<400xi32, #tpu.memory_space<hbm>>) target(%arg11 : memref<400xi32, #tpu.memory_space<vmem>>) target_semaphore(%arg17 : memref<!tpu.dma_semaphore, #tpu.memory_space<semaphore_mem>>)
    %scan3A_16 = arith.constant 0 : i32
    %scan3A_17 = arith.constant 0 : i32
    %scan3A_18 = arith.constant 125 : i32
    %scan3A_19 = arith.addi %scan3A_17, %scan3A_18 : i32
    %scan3A_20 = arith.constant 1 : i32
    %scan3A_21 = scf.for %scan3A_36 = %scan3A_17 to %scan3A_19 step %scan3A_20 iter_args(%scan3A_37 = %scan3A_16) -> (i32)  : i32 {
      %mul3A_38 = arith.constant 2 : i32
      %mul3A_39 = arith.muli %scan3A_36, %mul3A_38 : i32
      %add3A_40 = arith.constant 0 : i32
      %add3A_41 = arith.addi %mul3A_39, %add3A_40 : i32
      %add3A_42 = arith.constant 1 : i32
      %add3A_43 = arith.addi %add3A_41, %add3A_42 : i32
      %lt3A = arith.constant 250 : i32
      %lt3A_44 = arith.cmpi slt, %add3A_43, %lt3A : i32
      %convert_element_type3A = arith.extui %lt3A_44 : i1 to i32
      %cond3A = arith.constant 0 : i32
      %cond3A_45 = arith.cmpi ne, %convert_element_type3A, %cond3A : i32
      scf.if %cond3A_45 {
        %mul3A_108 = arith.constant 400 : i32
        %mul3A_109 = arith.muli %add3A_43, %mul3A_108 : i32
        %add3A_110 = arith.addi %mul3A_2, %mul3A_109 : i32
        %multiple_of3A_111 = tpu.assume_multiple %add3A_110, 8 : i32
        %dma_start3A_112 = tpu.memref_slice %arg2[%multiple_of3A_111] : memref<3200000xi32, #tpu.memory_space<hbm>> -> memref<400xi32, #tpu.memory_space<hbm>>
        %dma_start3A_113 = tpu.memref_slice %arg2[%multiple_of3A_111] : memref<3200000xi32, #tpu.memory_space<hbm>> -> memref<400xi32, #tpu.memory_space<hbm>>
        tpu.enqueue_dma source(%dma_start3A_113 : memref<400xi32, #tpu.memory_space<hbm>>) target(%arg12 : memref<400xi32, #tpu.memory_space<vmem>>) target_semaphore(%arg18 : memref<!tpu.dma_semaphore, #tpu.memory_space<semaphore_mem>>)
        %dma_start3A_114 = tpu.memref_slice %arg3[%multiple_of3A_111] : memref<3200000xi32, #tpu.memory_space<hbm>> -> memref<400xi32, #tpu.memory_space<hbm>>
        %dma_start3A_115 = tpu.memref_slice %arg3[%multiple_of3A_111] : memref<3200000xi32, #tpu.memory_space<hbm>> -> memref<400xi32, #tpu.memory_space<hbm>>
        tpu.enqueue_dma source(%dma_start3A_115 : memref<400xi32, #tpu.memory_space<hbm>>) target(%arg13 : memref<400xi32, #tpu.memory_space<vmem>>) target_semaphore(%arg18 : memref<!tpu.dma_semaphore, #tpu.memory_space<semaphore_mem>>)
        %dma_start3A_116 = tpu.memref_slice %arg4[%multiple_of3A_111] : memref<3200000xi32, #tpu.memory_space<hbm>> -> memref<400xi32, #tpu.memory_space<hbm>>
        %dma_start3A_117 = tpu.memref_slice %arg4[%multiple_of3A_111] : memref<3200000xi32, #tpu.memory_space<hbm>> -> memref<400xi32, #tpu.memory_space<hbm>>
        tpu.enqueue_dma source(%dma_start3A_117 : memref<400xi32, #tpu.memory_space<hbm>>) target(%arg14 : memref<400xi32, #tpu.memory_space<vmem>>) target_semaphore(%arg18 : memref<!tpu.dma_semaphore, #tpu.memory_space<semaphore_mem>>)
      } else {
      }
      %mul3A_46 = arith.constant 400 : i32
      %mul3A_47 = arith.muli %add3A_41, %mul3A_46 : i32
      %add3A_48 = arith.addi %mul3A_2, %mul3A_47 : i32
      %multiple_of3A_49 = tpu.assume_multiple %add3A_48, 8 : i32
      %dma_wait3A_50 = tpu.memref_slice %arg2[%multiple_of3A_49] : memref<3200000xi32, #tpu.memory_space<hbm>> -> memref<400xi32, #tpu.memory_space<hbm>>
      %dma_wait3A_51 = tpu.memref_slice %arg2[%multiple_of3A_49] : memref<3200000xi32, #tpu.memory_space<hbm>> -> memref<400xi32, #tpu.memory_space<hbm>>
      tpu.wait_dma2 semaphore(%arg17 : memref<!tpu.dma_semaphore, #tpu.memory_space<semaphore_mem>>) src(%dma_wait3A_51 : memref<400xi32, #tpu.memory_space<hbm>>) dst(%arg9 : memref<400xi32, #tpu.memory_space<vmem>>)
      %dma_wait3A_52 = tpu.memref_slice %arg3[%multiple_of3A_49] : memref<3200000xi32, #tpu.memory_space<hbm>> -> memref<400xi32, #tpu.memory_space<hbm>>
      %dma_wait3A_53 = tpu.memref_slice %arg3[%multiple_of3A_49] : memref<3200000xi32, #tpu.memory_space<hbm>> -> memref<400xi32, #tpu.memory_space<hbm>>
      tpu.wait_dma2 semaphore(%arg17 : memref<!tpu.dma_semaphore, #tpu.memory_space<semaphore_mem>>) src(%dma_wait3A_53 : memref<400xi32, #tpu.memory_space<hbm>>) dst(%arg10 : memref<400xi32, #tpu.memory_space<vmem>>)
      %dma_wait3A_54 = tpu.memref_slice %arg4[%multiple_of3A_49] : memref<3200000xi32, #tpu.memory_space<hbm>> -> memref<400xi32, #tpu.memory_space<hbm>>
      %dma_wait3A_55 = tpu.memref_slice %arg4[%multiple_of3A_49] : memref<3200000xi32, #tpu.memory_space<hbm>> -> memref<400xi32, #tpu.memory_space<hbm>>
      tpu.wait_dma2 semaphore(%arg17 : memref<!tpu.dma_semaphore, #tpu.memory_space<semaphore_mem>>) src(%dma_wait3A_55 : memref<400xi32, #tpu.memory_space<hbm>>) dst(%arg11 : memref<400xi32, #tpu.memory_space<vmem>>)
      %ge3A = arith.constant 2 : i32
      %ge3A_56 = arith.cmpi sge, %add3A_41, %ge3A : i32
      %convert_element_type3A_57 = arith.extui %ge3A_56 : i1 to i32
      %cond3A_58 = arith.constant 0 : i32
      %cond3A_59 = arith.cmpi ne, %convert_element_type3A_57, %cond3A_58 : i32
      scf.if %cond3A_59 {
        %mul3A_108 = arith.constant 400 : i32
        %mul3A_109 = arith.muli %add3A_41, %mul3A_108 : i32
        %add3A_110 = arith.addi %mul3A_2, %mul3A_109 : i32
        %multiple_of3A_111 = tpu.assume_multiple %add3A_110, 8 : i32
        %dma_wait3A_112 = arith.constant 0 : i32
        %dma_wait3A_113 = tpu.memref_slice %arg6[%multiple_of3A_111, %dma_wait3A_112] : memref<3200000x16xf32, #tpu.memory_space<hbm>> -> memref<400x16xf32, #tpu.memory_space<hbm>>
        %dma_wait3A_114 = arith.constant 0 : i32
        %dma_wait3A_115 = tpu.memref_slice %arg6[%multiple_of3A_111, %dma_wait3A_114] : memref<3200000x16xf32, #tpu.memory_space<hbm>> -> memref<400x16xf32, #tpu.memory_space<hbm>>
        tpu.wait_dma2 semaphore(%arg19 : memref<!tpu.dma_semaphore, #tpu.memory_space<semaphore_mem>>) src(%arg15 : memref<400x16xf32, #tpu.memory_space<vmem>>) dst(%dma_wait3A_115 : memref<400x16xf32, #tpu.memory_space<hbm>>)
      } else {
      }
      %parallel_loop3A = arith.constant 0 : i32
      %parallel_loop3A_60 = arith.constant 25 : i32
      %parallel_loop3A_61 = arith.constant 1 : i32
      scf.for %parallel_loop3A_108 = %parallel_loop3A to %parallel_loop3A_60 step %parallel_loop3A_61  : i32 {
        %parallel_loop3A_109 = arith.constant 16 : i32
        %parallel_loop3A_110 = arith.muli %parallel_loop3A_108, %parallel_loop3A_109 : i32
        %parallel_loop3A_111 = arith.index_cast %parallel_loop3A_110 : i32 to index
        %parallel_loop3A_112 = tpu.vector_load %arg9[%parallel_loop3A_111] {strides = array<i32>} : memref<400xi32, #tpu.memory_space<vmem>>, vector<16xi32>,
        %parallel_loop3A_113 = vector.shape_cast %parallel_loop3A_112 : vector<16xi32> to vector<16xi32>
        %parallel_loop3A_114 = arith.constant 27 : i32
        %parallel_loop3A_115 = vector.broadcast %parallel_loop3A_114 : i32 to vector<16xi32>
        %parallel_loop3A_116 = arith.muli %parallel_loop3A_113, %parallel_loop3A_115 : vector<16xi32>
        %parallel_loop3A_117 = arith.index_cast %parallel_loop3A_110 : i32 to index
        %parallel_loop3A_118 = tpu.vector_load %arg10[%parallel_loop3A_117] {strides = array<i32>} : memref<400xi32, #tpu.memory_space<vmem>>, vector<16xi32>,
        %parallel_loop3A_119 = vector.shape_cast %parallel_loop3A_118 : vector<16xi32> to vector<16xi32>
        %parallel_loop3A_120 = arith.addi %parallel_loop3A_116, %parallel_loop3A_119 : vector<16xi32>
        %parallel_loop3A_121 = arith.constant 16 : i32
        %parallel_loop3A_122 = vector.broadcast %parallel_loop3A_121 : i32 to vector<16xi32>
        %parallel_loop3A_123 = arith.muli %parallel_loop3A_120, %parallel_loop3A_122 : vector<16xi32>
        %parallel_loop3A_124 = arith.index_cast %parallel_loop3A_110 : i32 to index
        %parallel_loop3A_125 = tpu.vector_load %arg11[%parallel_loop3A_124] {strides = array<i32>} : memref<400xi32, #tpu.memory_space<vmem>>, vector<16xi32>,
        %parallel_loop3A_126 = vector.shape_cast %parallel_loop3A_125 : vector<16xi32> to vector<16xi32>
        %parallel_loop3A_127 = arith.constant 39 : i32
        %parallel_loop3A_128 = vector.broadcast %parallel_loop3A_127 : i32 to vector<16xi32>
        %parallel_loop3A_129 = arith.addi %parallel_loop3A_126, %parallel_loop3A_128 : vector<16xi32>
        %parallel_loop3A_130 = arith.constant 16 : i32
        %parallel_loop3A_131 = vector.broadcast %parallel_loop3A_130 : i32 to vector<16xi32>
        %parallel_loop3A_132 = arith.muli %parallel_loop3A_129, %parallel_loop3A_131 : vector<16xi32>
        %parallel_loop3A_133 = vector.extract_strided_slice %parallel_loop3A_123 {offsets = [0], sizes = [1], strides = [1]} : vector<16xi32> to vector<1xi32>
        %parallel_loop3A_134 = vector.extract %parallel_loop3A_133[0] : i32 from vector<1xi32>
        %parallel_loop3A_135 = arith.index_cast %parallel_loop3A_134 : i32 to index
        %parallel_loop3A_136 = tpu.vector_load %arg8[%parallel_loop3A_135] {strides = array<i32>} : memref<5184xf32, #tpu.memory_space<vmem>>, vector<16xf32>,
        %parallel_loop3A_137 = vector.shape_cast %parallel_loop3A_136 : vector<16xf32> to vector<16xf32>
        %parallel_loop3A_138 = vector.extract_strided_slice %parallel_loop3A_132 {offsets = [0], sizes = [1], strides = [1]} : vector<16xi32> to vector<1xi32>
        %parallel_loop3A_139 = vector.extract %parallel_loop3A_138[0] : i32 from vector<1xi32>
        %parallel_loop3A_140 = arith.index_cast %parallel_loop3A_139 : i32 to index
        %parallel_loop3A_141 = tpu.vector_load %arg7[%parallel_loop3A_140] {strides = array<i32>} : memref<736xf32, #tpu.memory_space<vmem>>, vector<16xf32>,
        %parallel_loop3A_142 = vector.shape_cast %parallel_loop3A_141 : vector<16xf32> to vector<16xf32>
        %parallel_loop3A_143 = arith.addf %parallel_loop3A_137, %parallel_loop3A_142 : vector<16xf32>
        %parallel_loop3A_144 = arith.constant 0 : i32
        %parallel_loop3A_145 = arith.addi %parallel_loop3A_110, %parallel_loop3A_144 : i32
        %parallel_loop3A_146 = arith.index_cast %parallel_loop3A_145 : i32 to index
        %parallel_loop3A_147 = arith.constant 0 : index
        %parallel_loop3A_148 = tpu.vector_load %arg15[%parallel_loop3A_146, %parallel_loop3A_147] {strides = array<i32>} : memref<400x16xf32, #tpu.memory_space<vmem>>, vector<1x16xf32>,
        %parallel_loop3A_149 = vector.shape_cast %parallel_loop3A_148 : vector<1x16xf32> to vector<16xf32>
        %parallel_loop3A_150 = vector.shape_cast %parallel_loop3A_143 : vector<16xf32> to vector<1x16xf32>
        tpu.vector_store %arg15[%parallel_loop3A_146, %parallel_loop3A_147], %parallel_loop3A_150 {strides = array<i32>} : memref<400x16xf32, #tpu.memory_space<vmem>>, vector<1x16xf32>,
        %parallel_loop3A_151 = vector.extract_strided_slice %parallel_loop3A_123 {offsets = [1], sizes = [1], strides = [1]} : vector<16xi32> to vector<1xi32>
        %parallel_loop3A_152 = vector.extract %parallel_loop3A_151[0] : i32 from vector<1xi32>
        %parallel_loop3A_153 = arith.index_cast %parallel_loop3A_152 : i32 to index
        %parallel_loop3A_154 = tpu.vector_load %arg8[%parallel_loop3A_153] {strides = array<i32>} : memref<5184xf32, #tpu.memory_space<vmem>>, vector<16xf32>,
        %parallel_loop3A_155 = vector.shape_cast %parallel_loop3A_154 : vector<16xf32> to vector<16xf32>
        %parallel_loop3A_156 = vector.extract_strided_slice %parallel_loop3A_132 {offsets = [1], sizes = [1], strides = [1]} : vector<16xi32> to vector<1xi32>
        %parallel_loop3A_157 = vector.extract %parallel_loop3A_156[0] : i32 from vector<1xi32>
        %parallel_loop3A_158 = arith.index_cast %parallel_loop3A_157 : i32 to index
        %parallel_loop3A_159 = tpu.vector_load %arg7[%parallel_loop3A_158] {strides = array<i32>} : memref<736xf32, #tpu.memory_space<vmem>>, vector<16xf32>,
        %parallel_loop3A_160 = vector.shape_cast %parallel_loop3A_159 : vector<16xf32> to vector<16xf32>
        %parallel_loop3A_161 = arith.addf %parallel_loop3A_155, %parallel_loop3A_160 : vector<16xf32>
        %parallel_loop3A_162 = arith.constant 1 : i32
        %parallel_loop3A_163 = arith.addi %parallel_loop3A_110, %parallel_loop3A_162 : i32
        %parallel_loop3A_164 = arith.index_cast %parallel_loop3A_163 : i32 to index
        %parallel_loop3A_165 = arith.constant 0 : index
        %parallel_loop3A_166 = tpu.vector_load %arg15[%parallel_loop3A_164, %parallel_loop3A_165] {strides = array<i32>} : memref<400x16xf32, #tpu.memory_space<vmem>>, vector<1x16xf32>,
        %parallel_loop3A_167 = vector.shape_cast %parallel_loop3A_166 : vector<1x16xf32> to vector<16xf32>
        %parallel_loop3A_168 = vector.shape_cast %parallel_loop3A_161 : vector<16xf32> to vector<1x16xf32>
        tpu.vector_store %arg15[%parallel_loop3A_164, %parallel_loop3A_165], %parallel_loop3A_168 {strides = array<i32>} : memref<400x16xf32, #tpu.memory_space<vmem>>, vector<1x16xf32>,
        %parallel_loop3A_169 = vector.extract_strided_slice %parallel_loop3A_123 {offsets = [2], sizes = [1], strides = [1]} : vector<16xi32> to vector<1xi32>
        %parallel_loop3A_170 = vector.extract %parallel_loop3A_169[0] : i32 from vector<1xi32>
        %parallel_loop3A_171 = arith.index_cast %parallel_loop3A_170 : i32 to index
        %parallel_loop3A_172 = tpu.vector_load %arg8[%parallel_loop3A_171] {strides = array<i32>} : memref<5184xf32, #tpu.memory_space<vmem>>, vector<16xf32>,
        %parallel_loop3A_173 = vector.shape_cast %parallel_loop3A_172 : vector<16xf32> to vector<16xf32>
        %parallel_loop3A_174 = vector.extract_strided_slice %parallel_loop3A_132 {offsets = [2], sizes = [1], strides = [1]} : vector<16xi32> to vector<1xi32>
        %parallel_loop3A_175 = vector.extract %parallel_loop3A_174[0] : i32 from vector<1xi32>
        %parallel_loop3A_176 = arith.index_cast %parallel_loop3A_175 : i32 to index
        %parallel_loop3A_177 = tpu.vector_load %arg7[%parallel_loop3A_176] {strides = array<i32>} : memref<736xf32, #tpu.memory_space<vmem>>, vector<16xf32>,
        %parallel_loop3A_178 = vector.shape_cast %parallel_loop3A_177 : vector<16xf32> to vector<16xf32>
        %parallel_loop3A_179 = arith.addf %parallel_loop3A_173, %parallel_loop3A_178 : vector<16xf32>
        %parallel_loop3A_180 = arith.constant 2 : i32
        %parallel_loop3A_181 = arith.addi %parallel_loop3A_110, %parallel_loop3A_180 : i32
        %parallel_loop3A_182 = arith.index_cast %parallel_loop3A_181 : i32 to index
        %parallel_loop3A_183 = arith.constant 0 : index
        %parallel_loop3A_184 = tpu.vector_load %arg15[%parallel_loop3A_182, %parallel_loop3A_183] {strides = array<i32>} : memref<400x16xf32, #tpu.memory_space<vmem>>, vector<1x16xf32>,
        %parallel_loop3A_185 = vector.shape_cast %parallel_loop3A_184 : vector<1x16xf32> to vector<16xf32>
        %parallel_loop3A_186 = vector.shape_cast %parallel_loop3A_179 : vector<16xf32> to vector<1x16xf32>
        tpu.vector_store %arg15[%parallel_loop3A_182, %parallel_loop3A_183], %parallel_loop3A_186 {strides = array<i32>} : memref<400x16xf32, #tpu.memory_space<vmem>>, vector<1x16xf32>,
        %parallel_loop3A_187 = vector.extract_strided_slice %parallel_loop3A_123 {offsets = [3], sizes = [1], strides = [1]} : vector<16xi32> to vector<1xi32>
        %parallel_loop3A_188 = vector.extract %parallel_loop3A_187[0] : i32 from vector<1xi32>
        %parallel_loop3A_189 = arith.index_cast %parallel_loop3A_188 : i32 to index
        %parallel_loop3A_190 = tpu.vector_load %arg8[%parallel_loop3A_189] {strides = array<i32>} : memref<5184xf32, #tpu.memory_space<vmem>>, vector<16xf32>,
        %parallel_loop3A_191 = vector.shape_cast %parallel_loop3A_190 : vector<16xf32> to vector<16xf32>
        %parallel_loop3A_192 = vector.extract_strided_slice %parallel_loop3A_132 {offsets = [3], sizes = [1], strides = [1]} : vector<16xi32> to vector<1xi32>
        %parallel_loop3A_193 = vector.extract %parallel_loop3A_192[0] : i32 from vector<1xi32>
        %parallel_loop3A_194 = arith.index_cast %parallel_loop3A_193 : i32 to index
        %parallel_loop3A_195 = tpu.vector_load %arg7[%parallel_loop3A_194] {strides = array<i32>} : memref<736xf32, #tpu.memory_space<vmem>>, vector<16xf32>,
        %parallel_loop3A_196 = vector.shape_cast %parallel_loop3A_195 : vector<16xf32> to vector<16xf32>
        %parallel_loop3A_197 = arith.addf %parallel_loop3A_191, %parallel_loop3A_196 : vector<16xf32>
        %parallel_loop3A_198 = arith.constant 3 : i32
        %parallel_loop3A_199 = arith.addi %parallel_loop3A_110, %parallel_loop3A_198 : i32
        %parallel_loop3A_200 = arith.index_cast %parallel_loop3A_199 : i32 to index
        %parallel_loop3A_201 = arith.constant 0 : index
        %parallel_loop3A_202 = tpu.vector_load %arg15[%parallel_loop3A_200, %parallel_loop3A_201] {strides = array<i32>} : memref<400x16xf32, #tpu.memory_space<vmem>>, vector<1x16xf32>,
        %parallel_loop3A_203 = vector.shape_cast %parallel_loop3A_202 : vector<1x16xf32> to vector<16xf32>
        %parallel_loop3A_204 = vector.shape_cast %parallel_loop3A_197 : vector<16xf32> to vector<1x16xf32>
        tpu.vector_store %arg15[%parallel_loop3A_200, %parallel_loop3A_201], %parallel_loop3A_204 {strides = array<i32>} : memref<400x16xf32, #tpu.memory_space<vmem>>, vector<1x16xf32>,
        %parallel_loop3A_205 = vector.extract_strided_slice %parallel_loop3A_123 {offsets = [4], sizes = [1], strides = [1]} : vector<16xi32> to vector<1xi32>
        %parallel_loop3A_206 = vector.extract %parallel_loop3A_205[0] : i32 from vector<1xi32>
        %parallel_loop3A_207 = arith.index_cast %parallel_loop3A_206 : i32 to index
        %parallel_loop3A_208 = tpu.vector_load %arg8[%parallel_loop3A_207] {strides = array<i32>} : memref<5184xf32, #tpu.memory_space<vmem>>, vector<16xf32>,
        %parallel_loop3A_209 = vector.shape_cast %parallel_loop3A_208 : vector<16xf32> to vector<16xf32>
        %parallel_loop3A_210 = vector.extract_strided_slice %parallel_loop3A_132 {offsets = [4], sizes = [1], strides = [1]} : vector<16xi32> to vector<1xi32>
        %parallel_loop3A_211 = vector.extract %parallel_loop3A_210[0] : i32 from vector<1xi32>
        %parallel_loop3A_212 = arith.index_cast %parallel_loop3A_211 : i32 to index
        %parallel_loop3A_213 = tpu.vector_load %arg7[%parallel_loop3A_212] {strides = array<i32>} : memref<736xf32, #tpu.memory_space<vmem>>, vector<16xf32>,
        %parallel_loop3A_214 = vector.shape_cast %parallel_loop3A_213 : vector<16xf32> to vector<16xf32>
        %parallel_loop3A_215 = arith.addf %parallel_loop3A_209, %parallel_loop3A_214 : vector<16xf32>
        %parallel_loop3A_216 = arith.constant 4 : i32
        %parallel_loop3A_217 = arith.addi %parallel_loop3A_110, %parallel_loop3A_216 : i32
        %parallel_loop3A_218 = arith.index_cast %parallel_loop3A_217 : i32 to index
        %parallel_loop3A_219 = arith.constant 0 : index
        %parallel_loop3A_220 = tpu.vector_load %arg15[%parallel_loop3A_218, %parallel_loop3A_219] {strides = array<i32>} : memref<400x16xf32, #tpu.memory_space<vmem>>, vector<1x16xf32>,
        %parallel_loop3A_221 = vector.shape_cast %parallel_loop3A_220 : vector<1x16xf32> to vector<16xf32>
        %parallel_loop3A_222 = vector.shape_cast %parallel_loop3A_215 : vector<16xf32> to vector<1x16xf32>
        tpu.vector_store %arg15[%parallel_loop3A_218, %parallel_loop3A_219], %parallel_loop3A_222 {strides = array<i32>} : memref<400x16xf32, #tpu.memory_space<vmem>>, vector<1x16xf32>,
        %parallel_loop3A_223 = vector.extract_strided_slice %parallel_loop3A_123 {offsets = [5], sizes = [1], strides = [1]} : vector<16xi32> to vector<1xi32>
        %parallel_loop3A_224 = vector.extract %parallel_loop3A_223[0] : i32 from vector<1xi32>
        %parallel_loop3A_225 = arith.index_cast %parallel_loop3A_224 : i32 to index
        %parallel_loop3A_226 = tpu.vector_load %arg8[%parallel_loop3A_225] {strides = array<i32>} : memref<5184xf32, #tpu.memory_space<vmem>>, vector<16xf32>,
        %parallel_loop3A_227 = vector.shape_cast %parallel_loop3A_226 : vector<16xf32> to vector<16xf32>
        %parallel_loop3A_228 = vector.extract_strided_slice %parallel_loop3A_132 {offsets = [5], sizes = [1], strides = [1]} : vector<16xi32> to vector<1xi32>
        %parallel_loop3A_229 = vector.extract %parallel_loop3A_228[0] : i32 from vector<1xi32>
        %parallel_loop3A_230 = arith.index_cast %parallel_loop3A_229 : i32 to index
        %parallel_loop3A_231 = tpu.vector_load %arg7[%parallel_loop3A_230] {strides = array<i32>} : memref<736xf32, #tpu.memory_space<vmem>>, vector<16xf32>,
        %parallel_loop3A_232 = vector.shape_cast %parallel_loop3A_231 : vector<16xf32> to vector<16xf32>
        %parallel_loop3A_233 = arith.addf %parallel_loop3A_227, %parallel_loop3A_232 : vector<16xf32>
        %parallel_loop3A_234 = arith.constant 5 : i32
        %parallel_loop3A_235 = arith.addi %parallel_loop3A_110, %parallel_loop3A_234 : i32
        %parallel_loop3A_236 = arith.index_cast %parallel_loop3A_235 : i32 to index
        %parallel_loop3A_237 = arith.constant 0 : index
        %parallel_loop3A_238 = tpu.vector_load %arg15[%parallel_loop3A_236, %parallel_loop3A_237] {strides = array<i32>} : memref<400x16xf32, #tpu.memory_space<vmem>>, vector<1x16xf32>,
        %parallel_loop3A_239 = vector.shape_cast %parallel_loop3A_238 : vector<1x16xf32> to vector<16xf32>
        %parallel_loop3A_240 = vector.shape_cast %parallel_loop3A_233 : vector<16xf32> to vector<1x16xf32>
        tpu.vector_store %arg15[%parallel_loop3A_236, %parallel_loop3A_237], %parallel_loop3A_240 {strides = array<i32>} : memref<400x16xf32, #tpu.memory_space<vmem>>, vector<1x16xf32>,
        %parallel_loop3A_241 = vector.extract_strided_slice %parallel_loop3A_123 {offsets = [6], sizes = [1], strides = [1]} : vector<16xi32> to vector<1xi32>
        %parallel_loop3A_242 = vector.extract %parallel_loop3A_241[0] : i32 from vector<1xi32>
        %parallel_loop3A_243 = arith.index_cast %parallel_loop3A_242 : i32 to index
        %parallel_loop3A_244 = tpu.vector_load %arg8[%parallel_loop3A_243] {strides = array<i32>} : memref<5184xf32, #tpu.memory_space<vmem>>, vector<16xf32>,
        %parallel_loop3A_245 = vector.shape_cast %parallel_loop3A_244 : vector<16xf32> to vector<16xf32>
        %parallel_loop3A_246 = vector.extract_strided_slice %parallel_loop3A_132 {offsets = [6], sizes = [1], strides = [1]} : vector<16xi32> to vector<1xi32>
        %parallel_loop3A_247 = vector.extract %parallel_loop3A_246[0] : i32 from vector<1xi32>
        %parallel_loop3A_248 = arith.index_cast %parallel_loop3A_247 : i32 to index
        %parallel_loop3A_249 = tpu.vector_load %arg7[%parallel_loop3A_248] {strides = array<i32>} : memref<736xf32, #tpu.memory_space<vmem>>, vector<16xf32>,
        %parallel_loop3A_250 = vector.shape_cast %parallel_loop3A_249 : vector<16xf32> to vector<16xf32>
        %parallel_loop3A_251 = arith.addf %parallel_loop3A_245, %parallel_loop3A_250 : vector<16xf32>
        %parallel_loop3A_252 = arith.constant 6 : i32
        %parallel_loop3A_253 = arith.addi %parallel_loop3A_110, %parallel_loop3A_252 : i32
        %parallel_loop3A_254 = arith.index_cast %parallel_loop3A_253 : i32 to index
        %parallel_loop3A_255 = arith.constant 0 : index
        %parallel_loop3A_256 = tpu.vector_load %arg15[%parallel_loop3A_254, %parallel_loop3A_255] {strides = array<i32>} : memref<400x16xf32, #tpu.memory_space<vmem>>, vector<1x16xf32>,
        %parallel_loop3A_257 = vector.shape_cast %parallel_loop3A_256 : vector<1x16xf32> to vector<16xf32>
        %parallel_loop3A_258 = vector.shape_cast %parallel_loop3A_251 : vector<16xf32> to vector<1x16xf32>
        tpu.vector_store %arg15[%parallel_loop3A_254, %parallel_loop3A_255], %parallel_loop3A_258 {strides = array<i32>} : memref<400x16xf32, #tpu.memory_space<vmem>>, vector<1x16xf32>,
        %parallel_loop3A_259 = vector.extract_strided_slice %parallel_loop3A_123 {offsets = [7], sizes = [1], strides = [1]} : vector<16xi32> to vector<1xi32>
        %parallel_loop3A_260 = vector.extract %parallel_loop3A_259[0] : i32 from vector<1xi32>
        %parallel_loop3A_261 = arith.index_cast %parallel_loop3A_260 : i32 to index
        %parallel_loop3A_262 = tpu.vector_load %arg8[%parallel_loop3A_261] {strides = array<i32>} : memref<5184xf32, #tpu.memory_space<vmem>>, vector<16xf32>,
        %parallel_loop3A_263 = vector.shape_cast %parallel_loop3A_262 : vector<16xf32> to vector<16xf32>
        %parallel_loop3A_264 = vector.extract_strided_slice %parallel_loop3A_132 {offsets = [7], sizes = [1], strides = [1]} : vector<16xi32> to vector<1xi32>
        %parallel_loop3A_265 = vector.extract %parallel_loop3A_264[0] : i32 from vector<1xi32>
        %parallel_loop3A_266 = arith.index_cast %parallel_loop3A_265 : i32 to index
        %parallel_loop3A_267 = tpu.vector_load %arg7[%parallel_loop3A_266] {strides = array<i32>} : memref<736xf32, #tpu.memory_space<vmem>>, vector<16xf32>,
        %parallel_loop3A_268 = vector.shape_cast %parallel_loop3A_267 : vector<16xf32> to vector<16xf32>
        %parallel_loop3A_269 = arith.addf %parallel_loop3A_263, %parallel_loop3A_268 : vector<16xf32>
        %parallel_loop3A_270 = arith.constant 7 : i32
        %parallel_loop3A_271 = arith.addi %parallel_loop3A_110, %parallel_loop3A_270 : i32
        %parallel_loop3A_272 = arith.index_cast %parallel_loop3A_271 : i32 to index
        %parallel_loop3A_273 = arith.constant 0 : index
        %parallel_loop3A_274 = tpu.vector_load %arg15[%parallel_loop3A_272, %parallel_loop3A_273] {strides = array<i32>} : memref<400x16xf32, #tpu.memory_space<vmem>>, vector<1x16xf32>,
        %parallel_loop3A_275 = vector.shape_cast %parallel_loop3A_274 : vector<1x16xf32> to vector<16xf32>
        %parallel_loop3A_276 = vector.shape_cast %parallel_loop3A_269 : vector<16xf32> to vector<1x16xf32>
        tpu.vector_store %arg15[%parallel_loop3A_272, %parallel_loop3A_273], %parallel_loop3A_276 {strides = array<i32>} : memref<400x16xf32, #tpu.memory_space<vmem>>, vector<1x16xf32>,
        %parallel_loop3A_277 = vector.extract_strided_slice %parallel_loop3A_123 {offsets = [8], sizes = [1], strides = [1]} : vector<16xi32> to vector<1xi32>
        %parallel_loop3A_278 = vector.extract %parallel_loop3A_277[0] : i32 from vector<1xi32>
        %parallel_loop3A_279 = arith.index_cast %parallel_loop3A_278 : i32 to index
        %parallel_loop3A_280 = tpu.vector_load %arg8[%parallel_loop3A_279] {strides = array<i32>} : memref<5184xf32, #tpu.memory_space<vmem>>, vector<16xf32>,
        %parallel_loop3A_281 = vector.shape_cast %parallel_loop3A_280 : vector<16xf32> to vector<16xf32>
        %parallel_loop3A_282 = vector.extract_strided_slice %parallel_loop3A_132 {offsets = [8], sizes = [1], strides = [1]} : vector<16xi32> to vector<1xi32>
        %parallel_loop3A_283 = vector.extract %parallel_loop3A_282[0] : i32 from vector<1xi32>
        %parallel_loop3A_284 = arith.index_cast %parallel_loop3A_283 : i32 to index
        %parallel_loop3A_285 = tpu.vector_load %arg7[%parallel_loop3A_284] {strides = array<i32>} : memref<736xf32, #tpu.memory_space<vmem>>, vector<16xf32>,
        %parallel_loop3A_286 = vector.shape_cast %parallel_loop3A_285 : vector<16xf32> to vector<16xf32>
        %parallel_loop3A_287 = arith.addf %parallel_loop3A_281, %parallel_loop3A_286 : vector<16xf32>
        %parallel_loop3A_288 = arith.constant 8 : i32
        %parallel_loop3A_289 = arith.addi %parallel_loop3A_110, %parallel_loop3A_288 : i32
        %parallel_loop3A_290 = arith.index_cast %parallel_loop3A_289 : i32 to index
        %parallel_loop3A_291 = arith.constant 0 : index
        %parallel_loop3A_292 = tpu.vector_load %arg15[%parallel_loop3A_290, %parallel_loop3A_291] {strides = array<i32>} : memref<400x16xf32, #tpu.memory_space<vmem>>, vector<1x16xf32>,
        %parallel_loop3A_293 = vector.shape_cast %parallel_loop3A_292 : vector<1x16xf32> to vector<16xf32>
        %parallel_loop3A_294 = vector.shape_cast %parallel_loop3A_287 : vector<16xf32> to vector<1x16xf32>
        tpu.vector_store %arg15[%parallel_loop3A_290, %parallel_loop3A_291], %parallel_loop3A_294 {strides = array<i32>} : memref<400x16xf32, #tpu.memory_space<vmem>>, vector<1x16xf32>,
        %parallel_loop3A_295 = vector.extract_strided_slice %parallel_loop3A_123 {offsets = [9], sizes = [1], strides = [1]} : vector<16xi32> to vector<1xi32>
        %parallel_loop3A_296 = vector.extract %parallel_loop3A_295[0] : i32 from vector<1xi32>
        %parallel_loop3A_297 = arith.index_cast %parallel_loop3A_296 : i32 to index
        %parallel_loop3A_298 = tpu.vector_load %arg8[%parallel_loop3A_297] {strides = array<i32>} : memref<5184xf32, #tpu.memory_space<vmem>>, vector<16xf32>,
        %parallel_loop3A_299 = vector.shape_cast %parallel_loop3A_298 : vector<16xf32> to vector<16xf32>
        %parallel_loop3A_300 = vector.extract_strided_slice %parallel_loop3A_132 {offsets = [9], sizes = [1], strides = [1]} : vector<16xi32> to vector<1xi32>
        %parallel_loop3A_301 = vector.extract %parallel_loop3A_300[0] : i32 from vector<1xi32>
        %parallel_loop3A_302 = arith.index_cast %parallel_loop3A_301 : i32 to index
        %parallel_loop3A_303 = tpu.vector_load %arg7[%parallel_loop3A_302] {strides = array<i32>} : memref<736xf32, #tpu.memory_space<vmem>>, vector<16xf32>,
        %parallel_loop3A_304 = vector.shape_cast %parallel_loop3A_303 : vector<16xf32> to vector<16xf32>
        %parallel_loop3A_305 = arith.addf %parallel_loop3A_299, %parallel_loop3A_304 : vector<16xf32>
        %parallel_loop3A_306 = arith.constant 9 : i32
        %parallel_loop3A_307 = arith.addi %parallel_loop3A_110, %parallel_loop3A_306 : i32
        %parallel_loop3A_308 = arith.index_cast %parallel_loop3A_307 : i32 to index
        %parallel_loop3A_309 = arith.constant 0 : index
        %parallel_loop3A_310 = tpu.vector_load %arg15[%parallel_loop3A_308, %parallel_loop3A_309] {strides = array<i32>} : memref<400x16xf32, #tpu.memory_space<vmem>>, vector<1x16xf32>,
        %parallel_loop3A_311 = vector.shape_cast %parallel_loop3A_310 : vector<1x16xf32> to vector<16xf32>
        %parallel_loop3A_312 = vector.shape_cast %parallel_loop3A_305 : vector<16xf32> to vector<1x16xf32>
        tpu.vector_store %arg15[%parallel_loop3A_308, %parallel_loop3A_309], %parallel_loop3A_312 {strides = array<i32>} : memref<400x16xf32, #tpu.memory_space<vmem>>, vector<1x16xf32>,
        %parallel_loop3A_313 = vector.extract_strided_slice %parallel_loop3A_123 {offsets = [10], sizes = [1], strides = [1]} : vector<16xi32> to vector<1xi32>
        %parallel_loop3A_314 = vector.extract %parallel_loop3A_313[0] : i32 from vector<1xi32>
        %parallel_loop3A_315 = arith.index_cast %parallel_loop3A_314 : i32 to index
        %parallel_loop3A_316 = tpu.vector_load %arg8[%parallel_loop3A_315] {strides = array<i32>} : memref<5184xf32, #tpu.memory_space<vmem>>, vector<16xf32>,
        %parallel_loop3A_317 = vector.shape_cast %parallel_loop3A_316 : vector<16xf32> to vector<16xf32>
        %parallel_loop3A_318 = vector.extract_strided_slice %parallel_loop3A_132 {offsets = [10], sizes = [1], strides = [1]} : vector<16xi32> to vector<1xi32>
        %parallel_loop3A_319 = vector.extract %parallel_loop3A_318[0] : i32 from vector<1xi32>
        %parallel_loop3A_320 = arith.index_cast %parallel_loop3A_319 : i32 to index
        %parallel_loop3A_321 = tpu.vector_load %arg7[%parallel_loop3A_320] {strides = array<i32>} : memref<736xf32, #tpu.memory_space<vmem>>, vector<16xf32>,
        %parallel_loop3A_322 = vector.shape_cast %parallel_loop3A_321 : vector<16xf32> to vector<16xf32>
        %parallel_loop3A_323 = arith.addf %parallel_loop3A_317, %parallel_loop3A_322 : vector<16xf32>
        %parallel_loop3A_324 = arith.constant 10 : i32
        %parallel_loop3A_325 = arith.addi %parallel_loop3A_110, %parallel_loop3A_324 : i32
        %parallel_loop3A_326 = arith.index_cast %parallel_loop3A_325 : i32 to index
        %parallel_loop3A_327 = arith.constant 0 : index
        %parallel_loop3A_328 = tpu.vector_load %arg15[%parallel_loop3A_326, %parallel_loop3A_327] {strides = array<i32>} : memref<400x16xf32, #tpu.memory_space<vmem>>, vector<1x16xf32>,
        %parallel_loop3A_329 = vector.shape_cast %parallel_loop3A_328 : vector<1x16xf32> to vector<16xf32>
        %parallel_loop3A_330 = vector.shape_cast %parallel_loop3A_323 : vector<16xf32> to vector<1x16xf32>
        tpu.vector_store %arg15[%parallel_loop3A_326, %parallel_loop3A_327], %parallel_loop3A_330 {strides = array<i32>} : memref<400x16xf32, #tpu.memory_space<vmem>>, vector<1x16xf32>,
        %parallel_loop3A_331 = vector.extract_strided_slice %parallel_loop3A_123 {offsets = [11], sizes = [1], strides = [1]} : vector<16xi32> to vector<1xi32>
        %parallel_loop3A_332 = vector.extract %parallel_loop3A_331[0] : i32 from vector<1xi32>
        %parallel_loop3A_333 = arith.index_cast %parallel_loop3A_332 : i32 to index
        %parallel_loop3A_334 = tpu.vector_load %arg8[%parallel_loop3A_333] {strides = array<i32>} : memref<5184xf32, #tpu.memory_space<vmem>>, vector<16xf32>,
        %parallel_loop3A_335 = vector.shape_cast %parallel_loop3A_334 : vector<16xf32> to vector<16xf32>
        %parallel_loop3A_336 = vector.extract_strided_slice %parallel_loop3A_132 {offsets = [11], sizes = [1], strides = [1]} : vector<16xi32> to vector<1xi32>
        %parallel_loop3A_337 = vector.extract %parallel_loop3A_336[0] : i32 from vector<1xi32>
        %parallel_loop3A_338 = arith.index_cast %parallel_loop3A_337 : i32 to index
        %parallel_loop3A_339 = tpu.vector_load %arg7[%parallel_loop3A_338] {strides = array<i32>} : memref<736xf32, #tpu.memory_space<vmem>>, vector<16xf32>,
        %parallel_loop3A_340 = vector.shape_cast %parallel_loop3A_339 : vector<16xf32> to vector<16xf32>
        %parallel_loop3A_341 = arith.addf %parallel_loop3A_335, %parallel_loop3A_340 : vector<16xf32>
        %parallel_loop3A_342 = arith.constant 11 : i32
        %parallel_loop3A_343 = arith.addi %parallel_loop3A_110, %parallel_loop3A_342 : i32
        %parallel_loop3A_344 = arith.index_cast %parallel_loop3A_343 : i32 to index
        %parallel_loop3A_345 = arith.constant 0 : index
        %parallel_loop3A_346 = tpu.vector_load %arg15[%parallel_loop3A_344, %parallel_loop3A_345] {strides = array<i32>} : memref<400x16xf32, #tpu.memory_space<vmem>>, vector<1x16xf32>,
        %parallel_loop3A_347 = vector.shape_cast %parallel_loop3A_346 : vector<1x16xf32> to vector<16xf32>
        %parallel_loop3A_348 = vector.shape_cast %parallel_loop3A_341 : vector<16xf32> to vector<1x16xf32>
        tpu.vector_store %arg15[%parallel_loop3A_344, %parallel_loop3A_345], %parallel_loop3A_348 {strides = array<i32>} : memref<400x16xf32, #tpu.memory_space<vmem>>, vector<1x16xf32>,
        %parallel_loop3A_349 = vector.extract_strided_slice %parallel_loop3A_123 {offsets = [12], sizes = [1], strides = [1]} : vector<16xi32> to vector<1xi32>
        %parallel_loop3A_350 = vector.extract %parallel_loop3A_349[0] : i32 from vector<1xi32>
        %parallel_loop3A_351 = arith.index_cast %parallel_loop3A_350 : i32 to index
        %parallel_loop3A_352 = tpu.vector_load %arg8[%parallel_loop3A_351] {strides = array<i32>} : memref<5184xf32, #tpu.memory_space<vmem>>, vector<16xf32>,
        %parallel_loop3A_353 = vector.shape_cast %parallel_loop3A_352 : vector<16xf32> to vector<16xf32>
        %parallel_loop3A_354 = vector.extract_strided_slice %parallel_loop3A_132 {offsets = [12], sizes = [1], strides = [1]} : vector<16xi32> to vector<1xi32>
        %parallel_loop3A_355 = vector.extract %parallel_loop3A_354[0] : i32 from vector<1xi32>
        %parallel_loop3A_356 = arith.index_cast %parallel_loop3A_355 : i32 to index
        %parallel_loop3A_357 = tpu.vector_load %arg7[%parallel_loop3A_356] {strides = array<i32>} : memref<736xf32, #tpu.memory_space<vmem>>, vector<16xf32>,
        %parallel_loop3A_358 = vector.shape_cast %parallel_loop3A_357 : vector<16xf32> to vector<16xf32>
        %parallel_loop3A_359 = arith.addf %parallel_loop3A_353, %parallel_loop3A_358 : vector<16xf32>
        %parallel_loop3A_360 = arith.constant 12 : i32
        %parallel_loop3A_361 = arith.addi %parallel_loop3A_110, %parallel_loop3A_360 : i32
        %parallel_loop3A_362 = arith.index_cast %parallel_loop3A_361 : i32 to index
        %parallel_loop3A_363 = arith.constant 0 : index
        %parallel_loop3A_364 = tpu.vector_load %arg15[%parallel_loop3A_362, %parallel_loop3A_363] {strides = array<i32>} : memref<400x16xf32, #tpu.memory_space<vmem>>, vector<1x16xf32>,
        %parallel_loop3A_365 = vector.shape_cast %parallel_loop3A_364 : vector<1x16xf32> to vector<16xf32>
        %parallel_loop3A_366 = vector.shape_cast %parallel_loop3A_359 : vector<16xf32> to vector<1x16xf32>
        tpu.vector_store %arg15[%parallel_loop3A_362, %parallel_loop3A_363], %parallel_loop3A_366 {strides = array<i32>} : memref<400x16xf32, #tpu.memory_space<vmem>>, vector<1x16xf32>,
        %parallel_loop3A_367 = vector.extract_strided_slice %parallel_loop3A_123 {offsets = [13], sizes = [1], strides = [1]} : vector<16xi32> to vector<1xi32>
        %parallel_loop3A_368 = vector.extract %parallel_loop3A_367[0] : i32 from vector<1xi32>
        %parallel_loop3A_369 = arith.index_cast %parallel_loop3A_368 : i32 to index
        %parallel_loop3A_370 = tpu.vector_load %arg8[%parallel_loop3A_369] {strides = array<i32>} : memref<5184xf32, #tpu.memory_space<vmem>>, vector<16xf32>,
        %parallel_loop3A_371 = vector.shape_cast %parallel_loop3A_370 : vector<16xf32> to vector<16xf32>
        %parallel_loop3A_372 = vector.extract_strided_slice %parallel_loop3A_132 {offsets = [13], sizes = [1], strides = [1]} : vector<16xi32> to vector<1xi32>
        %parallel_loop3A_373 = vector.extract %parallel_loop3A_372[0] : i32 from vector<1xi32>
        %parallel_loop3A_374 = arith.index_cast %parallel_loop3A_373 : i32 to index
        %parallel_loop3A_375 = tpu.vector_load %arg7[%parallel_loop3A_374] {strides = array<i32>} : memref<736xf32, #tpu.memory_space<vmem>>, vector<16xf32>,
        %parallel_loop3A_376 = vector.shape_cast %parallel_loop3A_375 : vector<16xf32> to vector<16xf32>
        %parallel_loop3A_377 = arith.addf %parallel_loop3A_371, %parallel_loop3A_376 : vector<16xf32>
        %parallel_loop3A_378 = arith.constant 13 : i32
        %parallel_loop3A_379 = arith.addi %parallel_loop3A_110, %parallel_loop3A_378 : i32
        %parallel_loop3A_380 = arith.index_cast %parallel_loop3A_379 : i32 to index
        %parallel_loop3A_381 = arith.constant 0 : index
        %parallel_loop3A_382 = tpu.vector_load %arg15[%parallel_loop3A_380, %parallel_loop3A_381] {strides = array<i32>} : memref<400x16xf32, #tpu.memory_space<vmem>>, vector<1x16xf32>,
        %parallel_loop3A_383 = vector.shape_cast %parallel_loop3A_382 : vector<1x16xf32> to vector<16xf32>
        %parallel_loop3A_384 = vector.shape_cast %parallel_loop3A_377 : vector<16xf32> to vector<1x16xf32>
        tpu.vector_store %arg15[%parallel_loop3A_380, %parallel_loop3A_381], %parallel_loop3A_384 {strides = array<i32>} : memref<400x16xf32, #tpu.memory_space<vmem>>, vector<1x16xf32>,
        %parallel_loop3A_385 = vector.extract_strided_slice %parallel_loop3A_123 {offsets = [14], sizes = [1], strides = [1]} : vector<16xi32> to vector<1xi32>
        %parallel_loop3A_386 = vector.extract %parallel_loop3A_385[0] : i32 from vector<1xi32>
        %parallel_loop3A_387 = arith.index_cast %parallel_loop3A_386 : i32 to index
        %parallel_loop3A_388 = tpu.vector_load %arg8[%parallel_loop3A_387] {strides = array<i32>} : memref<5184xf32, #tpu.memory_space<vmem>>, vector<16xf32>,
        %parallel_loop3A_389 = vector.shape_cast %parallel_loop3A_388 : vector<16xf32> to vector<16xf32>
        %parallel_loop3A_390 = vector.extract_strided_slice %parallel_loop3A_132 {offsets = [14], sizes = [1], strides = [1]} : vector<16xi32> to vector<1xi32>
        %parallel_loop3A_391 = vector.extract %parallel_loop3A_390[0] : i32 from vector<1xi32>
        %parallel_loop3A_392 = arith.index_cast %parallel_loop3A_391 : i32 to index
        %parallel_loop3A_393 = tpu.vector_load %arg7[%parallel_loop3A_392] {strides = array<i32>} : memref<736xf32, #tpu.memory_space<vmem>>, vector<16xf32>,
        %parallel_loop3A_394 = vector.shape_cast %parallel_loop3A_393 : vector<16xf32> to vector<16xf32>
        %parallel_loop3A_395 = arith.addf %parallel_loop3A_389, %parallel_loop3A_394 : vector<16xf32>
        %parallel_loop3A_396 = arith.constant 14 : i32
        %parallel_loop3A_397 = arith.addi %parallel_loop3A_110, %parallel_loop3A_396 : i32
        %parallel_loop3A_398 = arith.index_cast %parallel_loop3A_397 : i32 to index
        %parallel_loop3A_399 = arith.constant 0 : index
        %parallel_loop3A_400 = tpu.vector_load %arg15[%parallel_loop3A_398, %parallel_loop3A_399] {strides = array<i32>} : memref<400x16xf32, #tpu.memory_space<vmem>>, vector<1x16xf32>,
        %parallel_loop3A_401 = vector.shape_cast %parallel_loop3A_400 : vector<1x16xf32> to vector<16xf32>
        %parallel_loop3A_402 = vector.shape_cast %parallel_loop3A_395 : vector<16xf32> to vector<1x16xf32>
        tpu.vector_store %arg15[%parallel_loop3A_398, %parallel_loop3A_399], %parallel_loop3A_402 {strides = array<i32>} : memref<400x16xf32, #tpu.memory_space<vmem>>, vector<1x16xf32>,
        %parallel_loop3A_403 = vector.extract_strided_slice %parallel_loop3A_123 {offsets = [15], sizes = [1], strides = [1]} : vector<16xi32> to vector<1xi32>
        %parallel_loop3A_404 = vector.extract %parallel_loop3A_403[0] : i32 from vector<1xi32>
        %parallel_loop3A_405 = arith.index_cast %parallel_loop3A_404 : i32 to index
        %parallel_loop3A_406 = tpu.vector_load %arg8[%parallel_loop3A_405] {strides = array<i32>} : memref<5184xf32, #tpu.memory_space<vmem>>, vector<16xf32>,
        %parallel_loop3A_407 = vector.shape_cast %parallel_loop3A_406 : vector<16xf32> to vector<16xf32>
        %parallel_loop3A_408 = vector.extract_strided_slice %parallel_loop3A_132 {offsets = [15], sizes = [1], strides = [1]} : vector<16xi32> to vector<1xi32>
        %parallel_loop3A_409 = vector.extract %parallel_loop3A_408[0] : i32 from vector<1xi32>
        %parallel_loop3A_410 = arith.index_cast %parallel_loop3A_409 : i32 to index
        %parallel_loop3A_411 = tpu.vector_load %arg7[%parallel_loop3A_410] {strides = array<i32>} : memref<736xf32, #tpu.memory_space<vmem>>, vector<16xf32>,
        %parallel_loop3A_412 = vector.shape_cast %parallel_loop3A_411 : vector<16xf32> to vector<16xf32>
        %parallel_loop3A_413 = arith.addf %parallel_loop3A_407, %parallel_loop3A_412 : vector<16xf32>
        %parallel_loop3A_414 = arith.constant 15 : i32
        %parallel_loop3A_415 = arith.addi %parallel_loop3A_110, %parallel_loop3A_414 : i32
        %parallel_loop3A_416 = arith.index_cast %parallel_loop3A_415 : i32 to index
        %parallel_loop3A_417 = arith.constant 0 : index
        %parallel_loop3A_418 = tpu.vector_load %arg15[%parallel_loop3A_416, %parallel_loop3A_417] {strides = array<i32>} : memref<400x16xf32, #tpu.memory_space<vmem>>, vector<1x16xf32>,
        %parallel_loop3A_419 = vector.shape_cast %parallel_loop3A_418 : vector<1x16xf32> to vector<16xf32>
        %parallel_loop3A_420 = vector.shape_cast %parallel_loop3A_413 : vector<16xf32> to vector<1x16xf32>
        tpu.vector_store %arg15[%parallel_loop3A_416, %parallel_loop3A_417], %parallel_loop3A_420 {strides = array<i32>} : memref<400x16xf32, #tpu.memory_space<vmem>>, vector<1x16xf32>,
      } {sc.loop_unroll_factor = 2 : i64, sc.parallel_access}
      %mul3A_62 = arith.constant 400 : i32
      %mul3A_63 = arith.muli %add3A_41, %mul3A_62 : i32
      %add3A_64 = arith.addi %mul3A_2, %mul3A_63 : i32
      %multiple_of3A_65 = tpu.assume_multiple %add3A_64, 8 : i32
      %dma_start3A_66 = arith.constant 0 : i32
      %dma_start3A_67 = tpu.memref_slice %arg6[%multiple_of3A_65, %dma_start3A_66] : memref<3200000x16xf32, #tpu.memory_space<hbm>> -> memref<400x16xf32, #tpu.memory_space<hbm>>
      %dma_start3A_68 = arith.constant 0 : i32
      %dma_start3A_69 = tpu.memref_slice %arg6[%multiple_of3A_65, %dma_start3A_68] : memref<3200000x16xf32, #tpu.memory_space<hbm>> -> memref<400x16xf32, #tpu.memory_space<hbm>>
      tpu.enqueue_dma source(%arg15 : memref<400x16xf32, #tpu.memory_space<vmem>>) target(%dma_start3A_69 : memref<400x16xf32, #tpu.memory_space<hbm>>) target_semaphore(%arg19 : memref<!tpu.dma_semaphore, #tpu.memory_space<semaphore_mem>>)
      %mul3A_70 = arith.constant 2 : i32
      %mul3A_71 = arith.muli %scan3A_36, %mul3A_70 : i32
      %add3A_72 = arith.constant 1 : i32
      %add3A_73 = arith.addi %mul3A_71, %add3A_72 : i32
      %add3A_74 = arith.constant 1 : i32
      %add3A_75 = arith.addi %add3A_73, %add3A_74 : i32
      %lt3A_76 = arith.constant 250 : i32
      %lt3A_77 = arith.cmpi slt, %add3A_75, %lt3A_76 : i32
      %convert_element_type3A_78 = arith.extui %lt3A_77 : i1 to i32
      %cond3A_79 = arith.constant 0 : i32
      %cond3A_80 = arith.cmpi ne, %convert_element_type3A_78, %cond3A_79 : i32
      scf.if %cond3A_80 {
        %mul3A_108 = arith.constant 400 : i32
        %mul3A_109 = arith.muli %add3A_75, %mul3A_108 : i32
        %add3A_110 = arith.addi %mul3A_2, %mul3A_109 : i32
        %multiple_of3A_111 = tpu.assume_multiple %add3A_110, 8 : i32
        %dma_start3A_112 = tpu.memref_slice %arg2[%multiple_of3A_111] : memref<3200000xi32, #tpu.memory_space<hbm>> -> memref<400xi32, #tpu.memory_space<hbm>>
        %dma_start3A_113 = tpu.memref_slice %arg2[%multiple_of3A_111] : memref<3200000xi32, #tpu.memory_space<hbm>> -> memref<400xi32, #tpu.memory_space<hbm>>
        tpu.enqueue_dma source(%dma_start3A_113 : memref<400xi32, #tpu.memory_space<hbm>>) target(%arg9 : memref<400xi32, #tpu.memory_space<vmem>>) target_semaphore(%arg17 : memref<!tpu.dma_semaphore, #tpu.memory_space<semaphore_mem>>)
        %dma_start3A_114 = tpu.memref_slice %arg3[%multiple_of3A_111] : memref<3200000xi32, #tpu.memory_space<hbm>> -> memref<400xi32, #tpu.memory_space<hbm>>
        %dma_start3A_115 = tpu.memref_slice %arg3[%multiple_of3A_111] : memref<3200000xi32, #tpu.memory_space<hbm>> -> memref<400xi32, #tpu.memory_space<hbm>>
        tpu.enqueue_dma source(%dma_start3A_115 : memref<400xi32, #tpu.memory_space<hbm>>) target(%arg10 : memref<400xi32, #tpu.memory_space<vmem>>) target_semaphore(%arg17 : memref<!tpu.dma_semaphore, #tpu.memory_space<semaphore_mem>>)
        %dma_start3A_116 = tpu.memref_slice %arg4[%multiple_of3A_111] : memref<3200000xi32, #tpu.memory_space<hbm>> -> memref<400xi32, #tpu.memory_space<hbm>>
        %dma_start3A_117 = tpu.memref_slice %arg4[%multiple_of3A_111] : memref<3200000xi32, #tpu.memory_space<hbm>> -> memref<400xi32, #tpu.memory_space<hbm>>
        tpu.enqueue_dma source(%dma_start3A_117 : memref<400xi32, #tpu.memory_space<hbm>>) target(%arg11 : memref<400xi32, #tpu.memory_space<vmem>>) target_semaphore(%arg17 : memref<!tpu.dma_semaphore, #tpu.memory_space<semaphore_mem>>)
      } else {
      }
      %mul3A_81 = arith.constant 400 : i32
      %mul3A_82 = arith.muli %add3A_73, %mul3A_81 : i32
      %add3A_83 = arith.addi %mul3A_2, %mul3A_82 : i32
      %multiple_of3A_84 = tpu.assume_multiple %add3A_83, 8 : i32
      %dma_wait3A_85 = tpu.memref_slice %arg2[%multiple_of3A_84] : memref<3200000xi32, #tpu.memory_space<hbm>> -> memref<400xi32, #tpu.memory_space<hbm>>
      %dma_wait3A_86 = tpu.memref_slice %arg2[%multiple_of3A_84] : memref<3200000xi32, #tpu.memory_space<hbm>> -> memref<400xi32, #tpu.memory_space<hbm>>
      tpu.wait_dma2 semaphore(%arg18 : memref<!tpu.dma_semaphore, #tpu.memory_space<semaphore_mem>>) src(%dma_wait3A_86 : memref<400xi32, #tpu.memory_space<hbm>>) dst(%arg12 : memref<400xi32, #tpu.memory_space<vmem>>)
      %dma_wait3A_87 = tpu.memref_slice %arg3[%multiple_of3A_84] : memref<3200000xi32, #tpu.memory_space<hbm>> -> memref<400xi32, #tpu.memory_space<hbm>>
      %dma_wait3A_88 = tpu.memref_slice %arg3[%multiple_of3A_84] : memref<3200000xi32, #tpu.memory_space<hbm>> -> memref<400xi32, #tpu.memory_space<hbm>>
      tpu.wait_dma2 semaphore(%arg18 : memref<!tpu.dma_semaphore, #tpu.memory_space<semaphore_mem>>) src(%dma_wait3A_88 : memref<400xi32, #tpu.memory_space<hbm>>) dst(%arg13 : memref<400xi32, #tpu.memory_space<vmem>>)
      %dma_wait3A_89 = tpu.memref_slice %arg4[%multiple_of3A_84] : memref<3200000xi32, #tpu.memory_space<hbm>> -> memref<400xi32, #tpu.memory_space<hbm>>
      %dma_wait3A_90 = tpu.memref_slice %arg4[%multiple_of3A_84] : memref<3200000xi32, #tpu.memory_space<hbm>> -> memref<400xi32, #tpu.memory_space<hbm>>
      tpu.wait_dma2 semaphore(%arg18 : memref<!tpu.dma_semaphore, #tpu.memory_space<semaphore_mem>>) src(%dma_wait3A_90 : memref<400xi32, #tpu.memory_space<hbm>>) dst(%arg14 : memref<400xi32, #tpu.memory_space<vmem>>)
      %ge3A_91 = arith.constant 2 : i32
      %ge3A_92 = arith.cmpi sge, %add3A_73, %ge3A_91 : i32
      %convert_element_type3A_93 = arith.extui %ge3A_92 : i1 to i32
      %cond3A_94 = arith.constant 0 : i32
      %cond3A_95 = arith.cmpi ne, %convert_element_type3A_93, %cond3A_94 : i32
      scf.if %cond3A_95 {
        %mul3A_108 = arith.constant 400 : i32
        %mul3A_109 = arith.muli %add3A_73, %mul3A_108 : i32
        %add3A_110 = arith.addi %mul3A_2, %mul3A_109 : i32
        %multiple_of3A_111 = tpu.assume_multiple %add3A_110, 8 : i32
        %dma_wait3A_112 = arith.constant 0 : i32
        %dma_wait3A_113 = tpu.memref_slice %arg6[%multiple_of3A_111, %dma_wait3A_112] : memref<3200000x16xf32, #tpu.memory_space<hbm>> -> memref<400x16xf32, #tpu.memory_space<hbm>>
        %dma_wait3A_114 = arith.constant 0 : i32
        %dma_wait3A_115 = tpu.memref_slice %arg6[%multiple_of3A_111, %dma_wait3A_114] : memref<3200000x16xf32, #tpu.memory_space<hbm>> -> memref<400x16xf32, #tpu.memory_space<hbm>>
        tpu.wait_dma2 semaphore(%arg20 : memref<!tpu.dma_semaphore, #tpu.memory_space<semaphore_mem>>) src(%arg16 : memref<400x16xf32, #tpu.memory_space<vmem>>) dst(%dma_wait3A_115 : memref<400x16xf32, #tpu.memory_space<hbm>>)
      } else {
      }
      %parallel_loop3A_96 = arith.constant 0 : i32
      %parallel_loop3A_97 = arith.constant 25 : i32
      %parallel_loop3A_98 = arith.constant 1 : i32
      scf.for %parallel_loop3A_108 = %parallel_loop3A_96 to %parallel_loop3A_97 step %parallel_loop3A_98  : i32 {
        %parallel_loop3A_109 = arith.constant 16 : i32
        %parallel_loop3A_110 = arith.muli %parallel_loop3A_108, %parallel_loop3A_109 : i32
        %parallel_loop3A_111 = arith.index_cast %parallel_loop3A_110 : i32 to index
        %parallel_loop3A_112 = tpu.vector_load %arg12[%parallel_loop3A_111] {strides = array<i32>} : memref<400xi32, #tpu.memory_space<vmem>>, vector<16xi32>,
        %parallel_loop3A_113 = vector.shape_cast %parallel_loop3A_112 : vector<16xi32> to vector<16xi32>
        %parallel_loop3A_114 = arith.constant 27 : i32
        %parallel_loop3A_115 = vector.broadcast %parallel_loop3A_114 : i32 to vector<16xi32>
        %parallel_loop3A_116 = arith.muli %parallel_loop3A_113, %parallel_loop3A_115 : vector<16xi32>
        %parallel_loop3A_117 = arith.index_cast %parallel_loop3A_110 : i32 to index
        %parallel_loop3A_118 = tpu.vector_load %arg13[%parallel_loop3A_117] {strides = array<i32>} : memref<400xi32, #tpu.memory_space<vmem>>, vector<16xi32>,
        %parallel_loop3A_119 = vector.shape_cast %parallel_loop3A_118 : vector<16xi32> to vector<16xi32>
        %parallel_loop3A_120 = arith.addi %parallel_loop3A_116, %parallel_loop3A_119 : vector<16xi32>
        %parallel_loop3A_121 = arith.constant 16 : i32
        %parallel_loop3A_122 = vector.broadcast %parallel_loop3A_121 : i32 to vector<16xi32>
        %parallel_loop3A_123 = arith.muli %parallel_loop3A_120, %parallel_loop3A_122 : vector<16xi32>
        %parallel_loop3A_124 = arith.index_cast %parallel_loop3A_110 : i32 to index
        %parallel_loop3A_125 = tpu.vector_load %arg14[%parallel_loop3A_124] {strides = array<i32>} : memref<400xi32, #tpu.memory_space<vmem>>, vector<16xi32>,
        %parallel_loop3A_126 = vector.shape_cast %parallel_loop3A_125 : vector<16xi32> to vector<16xi32>
        %parallel_loop3A_127 = arith.constant 39 : i32
        %parallel_loop3A_128 = vector.broadcast %parallel_loop3A_127 : i32 to vector<16xi32>
        %parallel_loop3A_129 = arith.addi %parallel_loop3A_126, %parallel_loop3A_128 : vector<16xi32>
        %parallel_loop3A_130 = arith.constant 16 : i32
        %parallel_loop3A_131 = vector.broadcast %parallel_loop3A_130 : i32 to vector<16xi32>
        %parallel_loop3A_132 = arith.muli %parallel_loop3A_129, %parallel_loop3A_131 : vector<16xi32>
        %parallel_loop3A_133 = vector.extract_strided_slice %parallel_loop3A_123 {offsets = [0], sizes = [1], strides = [1]} : vector<16xi32> to vector<1xi32>
        %parallel_loop3A_134 = vector.extract %parallel_loop3A_133[0] : i32 from vector<1xi32>
        %parallel_loop3A_135 = arith.index_cast %parallel_loop3A_134 : i32 to index
        %parallel_loop3A_136 = tpu.vector_load %arg8[%parallel_loop3A_135] {strides = array<i32>} : memref<5184xf32, #tpu.memory_space<vmem>>, vector<16xf32>,
        %parallel_loop3A_137 = vector.shape_cast %parallel_loop3A_136 : vector<16xf32> to vector<16xf32>
        %parallel_loop3A_138 = vector.extract_strided_slice %parallel_loop3A_132 {offsets = [0], sizes = [1], strides = [1]} : vector<16xi32> to vector<1xi32>
        %parallel_loop3A_139 = vector.extract %parallel_loop3A_138[0] : i32 from vector<1xi32>
        %parallel_loop3A_140 = arith.index_cast %parallel_loop3A_139 : i32 to index
        %parallel_loop3A_141 = tpu.vector_load %arg7[%parallel_loop3A_140] {strides = array<i32>} : memref<736xf32, #tpu.memory_space<vmem>>, vector<16xf32>,
        %parallel_loop3A_142 = vector.shape_cast %parallel_loop3A_141 : vector<16xf32> to vector<16xf32>
        %parallel_loop3A_143 = arith.addf %parallel_loop3A_137, %parallel_loop3A_142 : vector<16xf32>
        %parallel_loop3A_144 = arith.constant 0 : i32
        %parallel_loop3A_145 = arith.addi %parallel_loop3A_110, %parallel_loop3A_144 : i32
        %parallel_loop3A_146 = arith.index_cast %parallel_loop3A_145 : i32 to index
        %parallel_loop3A_147 = arith.constant 0 : index
        %parallel_loop3A_148 = tpu.vector_load %arg16[%parallel_loop3A_146, %parallel_loop3A_147] {strides = array<i32>} : memref<400x16xf32, #tpu.memory_space<vmem>>, vector<1x16xf32>,
        %parallel_loop3A_149 = vector.shape_cast %parallel_loop3A_148 : vector<1x16xf32> to vector<16xf32>
        %parallel_loop3A_150 = vector.shape_cast %parallel_loop3A_143 : vector<16xf32> to vector<1x16xf32>
        tpu.vector_store %arg16[%parallel_loop3A_146, %parallel_loop3A_147], %parallel_loop3A_150 {strides = array<i32>} : memref<400x16xf32, #tpu.memory_space<vmem>>, vector<1x16xf32>,
        %parallel_loop3A_151 = vector.extract_strided_slice %parallel_loop3A_123 {offsets = [1], sizes = [1], strides = [1]} : vector<16xi32> to vector<1xi32>
        %parallel_loop3A_152 = vector.extract %parallel_loop3A_151[0] : i32 from vector<1xi32>
        %parallel_loop3A_153 = arith.index_cast %parallel_loop3A_152 : i32 to index
        %parallel_loop3A_154 = tpu.vector_load %arg8[%parallel_loop3A_153] {strides = array<i32>} : memref<5184xf32, #tpu.memory_space<vmem>>, vector<16xf32>,
        %parallel_loop3A_155 = vector.shape_cast %parallel_loop3A_154 : vector<16xf32> to vector<16xf32>
        %parallel_loop3A_156 = vector.extract_strided_slice %parallel_loop3A_132 {offsets = [1], sizes = [1], strides = [1]} : vector<16xi32> to vector<1xi32>
        %parallel_loop3A_157 = vector.extract %parallel_loop3A_156[0] : i32 from vector<1xi32>
        %parallel_loop3A_158 = arith.index_cast %parallel_loop3A_157 : i32 to index
        %parallel_loop3A_159 = tpu.vector_load %arg7[%parallel_loop3A_158] {strides = array<i32>} : memref<736xf32, #tpu.memory_space<vmem>>, vector<16xf32>,
        %parallel_loop3A_160 = vector.shape_cast %parallel_loop3A_159 : vector<16xf32> to vector<16xf32>
        %parallel_loop3A_161 = arith.addf %parallel_loop3A_155, %parallel_loop3A_160 : vector<16xf32>
        %parallel_loop3A_162 = arith.constant 1 : i32
        %parallel_loop3A_163 = arith.addi %parallel_loop3A_110, %parallel_loop3A_162 : i32
        %parallel_loop3A_164 = arith.index_cast %parallel_loop3A_163 : i32 to index
        %parallel_loop3A_165 = arith.constant 0 : index
        %parallel_loop3A_166 = tpu.vector_load %arg16[%parallel_loop3A_164, %parallel_loop3A_165] {strides = array<i32>} : memref<400x16xf32, #tpu.memory_space<vmem>>, vector<1x16xf32>,
        %parallel_loop3A_167 = vector.shape_cast %parallel_loop3A_166 : vector<1x16xf32> to vector<16xf32>
        %parallel_loop3A_168 = vector.shape_cast %parallel_loop3A_161 : vector<16xf32> to vector<1x16xf32>
        tpu.vector_store %arg16[%parallel_loop3A_164, %parallel_loop3A_165], %parallel_loop3A_168 {strides = array<i32>} : memref<400x16xf32, #tpu.memory_space<vmem>>, vector<1x16xf32>,
        %parallel_loop3A_169 = vector.extract_strided_slice %parallel_loop3A_123 {offsets = [2], sizes = [1], strides = [1]} : vector<16xi32> to vector<1xi32>
        %parallel_loop3A_170 = vector.extract %parallel_loop3A_169[0] : i32 from vector<1xi32>
        %parallel_loop3A_171 = arith.index_cast %parallel_loop3A_170 : i32 to index
        %parallel_loop3A_172 = tpu.vector_load %arg8[%parallel_loop3A_171] {strides = array<i32>} : memref<5184xf32, #tpu.memory_space<vmem>>, vector<16xf32>,
        %parallel_loop3A_173 = vector.shape_cast %parallel_loop3A_172 : vector<16xf32> to vector<16xf32>
        %parallel_loop3A_174 = vector.extract_strided_slice %parallel_loop3A_132 {offsets = [2], sizes = [1], strides = [1]} : vector<16xi32> to vector<1xi32>
        %parallel_loop3A_175 = vector.extract %parallel_loop3A_174[0] : i32 from vector<1xi32>
        %parallel_loop3A_176 = arith.index_cast %parallel_loop3A_175 : i32 to index
        %parallel_loop3A_177 = tpu.vector_load %arg7[%parallel_loop3A_176] {strides = array<i32>} : memref<736xf32, #tpu.memory_space<vmem>>, vector<16xf32>,
        %parallel_loop3A_178 = vector.shape_cast %parallel_loop3A_177 : vector<16xf32> to vector<16xf32>
        %parallel_loop3A_179 = arith.addf %parallel_loop3A_173, %parallel_loop3A_178 : vector<16xf32>
        %parallel_loop3A_180 = arith.constant 2 : i32
        %parallel_loop3A_181 = arith.addi %parallel_loop3A_110, %parallel_loop3A_180 : i32
        %parallel_loop3A_182 = arith.index_cast %parallel_loop3A_181 : i32 to index
        %parallel_loop3A_183 = arith.constant 0 : index
        %parallel_loop3A_184 = tpu.vector_load %arg16[%parallel_loop3A_182, %parallel_loop3A_183] {strides = array<i32>} : memref<400x16xf32, #tpu.memory_space<vmem>>, vector<1x16xf32>,
        %parallel_loop3A_185 = vector.shape_cast %parallel_loop3A_184 : vector<1x16xf32> to vector<16xf32>
        %parallel_loop3A_186 = vector.shape_cast %parallel_loop3A_179 : vector<16xf32> to vector<1x16xf32>
        tpu.vector_store %arg16[%parallel_loop3A_182, %parallel_loop3A_183], %parallel_loop3A_186 {strides = array<i32>} : memref<400x16xf32, #tpu.memory_space<vmem>>, vector<1x16xf32>,
        %parallel_loop3A_187 = vector.extract_strided_slice %parallel_loop3A_123 {offsets = [3], sizes = [1], strides = [1]} : vector<16xi32> to vector<1xi32>
        %parallel_loop3A_188 = vector.extract %parallel_loop3A_187[0] : i32 from vector<1xi32>
        %parallel_loop3A_189 = arith.index_cast %parallel_loop3A_188 : i32 to index
        %parallel_loop3A_190 = tpu.vector_load %arg8[%parallel_loop3A_189] {strides = array<i32>} : memref<5184xf32, #tpu.memory_space<vmem>>, vector<16xf32>,
        %parallel_loop3A_191 = vector.shape_cast %parallel_loop3A_190 : vector<16xf32> to vector<16xf32>
        %parallel_loop3A_192 = vector.extract_strided_slice %parallel_loop3A_132 {offsets = [3], sizes = [1], strides = [1]} : vector<16xi32> to vector<1xi32>
        %parallel_loop3A_193 = vector.extract %parallel_loop3A_192[0] : i32 from vector<1xi32>
        %parallel_loop3A_194 = arith.index_cast %parallel_loop3A_193 : i32 to index
        %parallel_loop3A_195 = tpu.vector_load %arg7[%parallel_loop3A_194] {strides = array<i32>} : memref<736xf32, #tpu.memory_space<vmem>>, vector<16xf32>,
        %parallel_loop3A_196 = vector.shape_cast %parallel_loop3A_195 : vector<16xf32> to vector<16xf32>
        %parallel_loop3A_197 = arith.addf %parallel_loop3A_191, %parallel_loop3A_196 : vector<16xf32>
        %parallel_loop3A_198 = arith.constant 3 : i32
        %parallel_loop3A_199 = arith.addi %parallel_loop3A_110, %parallel_loop3A_198 : i32
        %parallel_loop3A_200 = arith.index_cast %parallel_loop3A_199 : i32 to index
        %parallel_loop3A_201 = arith.constant 0 : index
        %parallel_loop3A_202 = tpu.vector_load %arg16[%parallel_loop3A_200, %parallel_loop3A_201] {strides = array<i32>} : memref<400x16xf32, #tpu.memory_space<vmem>>, vector<1x16xf32>,
        %parallel_loop3A_203 = vector.shape_cast %parallel_loop3A_202 : vector<1x16xf32> to vector<16xf32>
        %parallel_loop3A_204 = vector.shape_cast %parallel_loop3A_197 : vector<16xf32> to vector<1x16xf32>
        tpu.vector_store %arg16[%parallel_loop3A_200, %parallel_loop3A_201], %parallel_loop3A_204 {strides = array<i32>} : memref<400x16xf32, #tpu.memory_space<vmem>>, vector<1x16xf32>,
        %parallel_loop3A_205 = vector.extract_strided_slice %parallel_loop3A_123 {offsets = [4], sizes = [1], strides = [1]} : vector<16xi32> to vector<1xi32>
        %parallel_loop3A_206 = vector.extract %parallel_loop3A_205[0] : i32 from vector<1xi32>
        %parallel_loop3A_207 = arith.index_cast %parallel_loop3A_206 : i32 to index
        %parallel_loop3A_208 = tpu.vector_load %arg8[%parallel_loop3A_207] {strides = array<i32>} : memref<5184xf32, #tpu.memory_space<vmem>>, vector<16xf32>,
        %parallel_loop3A_209 = vector.shape_cast %parallel_loop3A_208 : vector<16xf32> to vector<16xf32>
        %parallel_loop3A_210 = vector.extract_strided_slice %parallel_loop3A_132 {offsets = [4], sizes = [1], strides = [1]} : vector<16xi32> to vector<1xi32>
        %parallel_loop3A_211 = vector.extract %parallel_loop3A_210[0] : i32 from vector<1xi32>
        %parallel_loop3A_212 = arith.index_cast %parallel_loop3A_211 : i32 to index
        %parallel_loop3A_213 = tpu.vector_load %arg7[%parallel_loop3A_212] {strides = array<i32>} : memref<736xf32, #tpu.memory_space<vmem>>, vector<16xf32>,
        %parallel_loop3A_214 = vector.shape_cast %parallel_loop3A_213 : vector<16xf32> to vector<16xf32>
        %parallel_loop3A_215 = arith.addf %parallel_loop3A_209, %parallel_loop3A_214 : vector<16xf32>
        %parallel_loop3A_216 = arith.constant 4 : i32
        %parallel_loop3A_217 = arith.addi %parallel_loop3A_110, %parallel_loop3A_216 : i32
        %parallel_loop3A_218 = arith.index_cast %parallel_loop3A_217 : i32 to index
        %parallel_loop3A_219 = arith.constant 0 : index
        %parallel_loop3A_220 = tpu.vector_load %arg16[%parallel_loop3A_218, %parallel_loop3A_219] {strides = array<i32>} : memref<400x16xf32, #tpu.memory_space<vmem>>, vector<1x16xf32>,
        %parallel_loop3A_221 = vector.shape_cast %parallel_loop3A_220 : vector<1x16xf32> to vector<16xf32>
        %parallel_loop3A_222 = vector.shape_cast %parallel_loop3A_215 : vector<16xf32> to vector<1x16xf32>
        tpu.vector_store %arg16[%parallel_loop3A_218, %parallel_loop3A_219], %parallel_loop3A_222 {strides = array<i32>} : memref<400x16xf32, #tpu.memory_space<vmem>>, vector<1x16xf32>,
        %parallel_loop3A_223 = vector.extract_strided_slice %parallel_loop3A_123 {offsets = [5], sizes = [1], strides = [1]} : vector<16xi32> to vector<1xi32>
        %parallel_loop3A_224 = vector.extract %parallel_loop3A_223[0] : i32 from vector<1xi32>
        %parallel_loop3A_225 = arith.index_cast %parallel_loop3A_224 : i32 to index
        %parallel_loop3A_226 = tpu.vector_load %arg8[%parallel_loop3A_225] {strides = array<i32>} : memref<5184xf32, #tpu.memory_space<vmem>>, vector<16xf32>,
        %parallel_loop3A_227 = vector.shape_cast %parallel_loop3A_226 : vector<16xf32> to vector<16xf32>
        %parallel_loop3A_228 = vector.extract_strided_slice %parallel_loop3A_132 {offsets = [5], sizes = [1], strides = [1]} : vector<16xi32> to vector<1xi32>
        %parallel_loop3A_229 = vector.extract %parallel_loop3A_228[0] : i32 from vector<1xi32>
        %parallel_loop3A_230 = arith.index_cast %parallel_loop3A_229 : i32 to index
        %parallel_loop3A_231 = tpu.vector_load %arg7[%parallel_loop3A_230] {strides = array<i32>} : memref<736xf32, #tpu.memory_space<vmem>>, vector<16xf32>,
        %parallel_loop3A_232 = vector.shape_cast %parallel_loop3A_231 : vector<16xf32> to vector<16xf32>
        %parallel_loop3A_233 = arith.addf %parallel_loop3A_227, %parallel_loop3A_232 : vector<16xf32>
        %parallel_loop3A_234 = arith.constant 5 : i32
        %parallel_loop3A_235 = arith.addi %parallel_loop3A_110, %parallel_loop3A_234 : i32
        %parallel_loop3A_236 = arith.index_cast %parallel_loop3A_235 : i32 to index
        %parallel_loop3A_237 = arith.constant 0 : index
        %parallel_loop3A_238 = tpu.vector_load %arg16[%parallel_loop3A_236, %parallel_loop3A_237] {strides = array<i32>} : memref<400x16xf32, #tpu.memory_space<vmem>>, vector<1x16xf32>,
        %parallel_loop3A_239 = vector.shape_cast %parallel_loop3A_238 : vector<1x16xf32> to vector<16xf32>
        %parallel_loop3A_240 = vector.shape_cast %parallel_loop3A_233 : vector<16xf32> to vector<1x16xf32>
        tpu.vector_store %arg16[%parallel_loop3A_236, %parallel_loop3A_237], %parallel_loop3A_240 {strides = array<i32>} : memref<400x16xf32, #tpu.memory_space<vmem>>, vector<1x16xf32>,
        %parallel_loop3A_241 = vector.extract_strided_slice %parallel_loop3A_123 {offsets = [6], sizes = [1], strides = [1]} : vector<16xi32> to vector<1xi32>
        %parallel_loop3A_242 = vector.extract %parallel_loop3A_241[0] : i32 from vector<1xi32>
        %parallel_loop3A_243 = arith.index_cast %parallel_loop3A_242 : i32 to index
        %parallel_loop3A_244 = tpu.vector_load %arg8[%parallel_loop3A_243] {strides = array<i32>} : memref<5184xf32, #tpu.memory_space<vmem>>, vector<16xf32>,
        %parallel_loop3A_245 = vector.shape_cast %parallel_loop3A_244 : vector<16xf32> to vector<16xf32>
        %parallel_loop3A_246 = vector.extract_strided_slice %parallel_loop3A_132 {offsets = [6], sizes = [1], strides = [1]} : vector<16xi32> to vector<1xi32>
        %parallel_loop3A_247 = vector.extract %parallel_loop3A_246[0] : i32 from vector<1xi32>
        %parallel_loop3A_248 = arith.index_cast %parallel_loop3A_247 : i32 to index
        %parallel_loop3A_249 = tpu.vector_load %arg7[%parallel_loop3A_248] {strides = array<i32>} : memref<736xf32, #tpu.memory_space<vmem>>, vector<16xf32>,
        %parallel_loop3A_250 = vector.shape_cast %parallel_loop3A_249 : vector<16xf32> to vector<16xf32>
        %parallel_loop3A_251 = arith.addf %parallel_loop3A_245, %parallel_loop3A_250 : vector<16xf32>
        %parallel_loop3A_252 = arith.constant 6 : i32
        %parallel_loop3A_253 = arith.addi %parallel_loop3A_110, %parallel_loop3A_252 : i32
        %parallel_loop3A_254 = arith.index_cast %parallel_loop3A_253 : i32 to index
        %parallel_loop3A_255 = arith.constant 0 : index
        %parallel_loop3A_256 = tpu.vector_load %arg16[%parallel_loop3A_254, %parallel_loop3A_255] {strides = array<i32>} : memref<400x16xf32, #tpu.memory_space<vmem>>, vector<1x16xf32>,
        %parallel_loop3A_257 = vector.shape_cast %parallel_loop3A_256 : vector<1x16xf32> to vector<16xf32>
        %parallel_loop3A_258 = vector.shape_cast %parallel_loop3A_251 : vector<16xf32> to vector<1x16xf32>
        tpu.vector_store %arg16[%parallel_loop3A_254, %parallel_loop3A_255], %parallel_loop3A_258 {strides = array<i32>} : memref<400x16xf32, #tpu.memory_space<vmem>>, vector<1x16xf32>,
        %parallel_loop3A_259 = vector.extract_strided_slice %parallel_loop3A_123 {offsets = [7], sizes = [1], strides = [1]} : vector<16xi32> to vector<1xi32>
        %parallel_loop3A_260 = vector.extract %parallel_loop3A_259[0] : i32 from vector<1xi32>
        %parallel_loop3A_261 = arith.index_cast %parallel_loop3A_260 : i32 to index
        %parallel_loop3A_262 = tpu.vector_load %arg8[%parallel_loop3A_261] {strides = array<i32>} : memref<5184xf32, #tpu.memory_space<vmem>>, vector<16xf32>,
        %parallel_loop3A_263 = vector.shape_cast %parallel_loop3A_262 : vector<16xf32> to vector<16xf32>
        %parallel_loop3A_264 = vector.extract_strided_slice %parallel_loop3A_132 {offsets = [7], sizes = [1], strides = [1]} : vector<16xi32> to vector<1xi32>
        %parallel_loop3A_265 = vector.extract %parallel_loop3A_264[0] : i32 from vector<1xi32>
        %parallel_loop3A_266 = arith.index_cast %parallel_loop3A_265 : i32 to index
        %parallel_loop3A_267 = tpu.vector_load %arg7[%parallel_loop3A_266] {strides = array<i32>} : memref<736xf32, #tpu.memory_space<vmem>>, vector<16xf32>,
        %parallel_loop3A_268 = vector.shape_cast %parallel_loop3A_267 : vector<16xf32> to vector<16xf32>
        %parallel_loop3A_269 = arith.addf %parallel_loop3A_263, %parallel_loop3A_268 : vector<16xf32>
        %parallel_loop3A_270 = arith.constant 7 : i32
        %parallel_loop3A_271 = arith.addi %parallel_loop3A_110, %parallel_loop3A_270 : i32
        %parallel_loop3A_272 = arith.index_cast %parallel_loop3A_271 : i32 to index
        %parallel_loop3A_273 = arith.constant 0 : index
        %parallel_loop3A_274 = tpu.vector_load %arg16[%parallel_loop3A_272, %parallel_loop3A_273] {strides = array<i32>} : memref<400x16xf32, #tpu.memory_space<vmem>>, vector<1x16xf32>,
        %parallel_loop3A_275 = vector.shape_cast %parallel_loop3A_274 : vector<1x16xf32> to vector<16xf32>
        %parallel_loop3A_276 = vector.shape_cast %parallel_loop3A_269 : vector<16xf32> to vector<1x16xf32>
        tpu.vector_store %arg16[%parallel_loop3A_272, %parallel_loop3A_273], %parallel_loop3A_276 {strides = array<i32>} : memref<400x16xf32, #tpu.memory_space<vmem>>, vector<1x16xf32>,
        %parallel_loop3A_277 = vector.extract_strided_slice %parallel_loop3A_123 {offsets = [8], sizes = [1], strides = [1]} : vector<16xi32> to vector<1xi32>
        %parallel_loop3A_278 = vector.extract %parallel_loop3A_277[0] : i32 from vector<1xi32>
        %parallel_loop3A_279 = arith.index_cast %parallel_loop3A_278 : i32 to index
        %parallel_loop3A_280 = tpu.vector_load %arg8[%parallel_loop3A_279] {strides = array<i32>} : memref<5184xf32, #tpu.memory_space<vmem>>, vector<16xf32>,
        %parallel_loop3A_281 = vector.shape_cast %parallel_loop3A_280 : vector<16xf32> to vector<16xf32>
        %parallel_loop3A_282 = vector.extract_strided_slice %parallel_loop3A_132 {offsets = [8], sizes = [1], strides = [1]} : vector<16xi32> to vector<1xi32>
        %parallel_loop3A_283 = vector.extract %parallel_loop3A_282[0] : i32 from vector<1xi32>
        %parallel_loop3A_284 = arith.index_cast %parallel_loop3A_283 : i32 to index
        %parallel_loop3A_285 = tpu.vector_load %arg7[%parallel_loop3A_284] {strides = array<i32>} : memref<736xf32, #tpu.memory_space<vmem>>, vector<16xf32>,
        %parallel_loop3A_286 = vector.shape_cast %parallel_loop3A_285 : vector<16xf32> to vector<16xf32>
        %parallel_loop3A_287 = arith.addf %parallel_loop3A_281, %parallel_loop3A_286 : vector<16xf32>
        %parallel_loop3A_288 = arith.constant 8 : i32
        %parallel_loop3A_289 = arith.addi %parallel_loop3A_110, %parallel_loop3A_288 : i32
        %parallel_loop3A_290 = arith.index_cast %parallel_loop3A_289 : i32 to index
        %parallel_loop3A_291 = arith.constant 0 : index
        %parallel_loop3A_292 = tpu.vector_load %arg16[%parallel_loop3A_290, %parallel_loop3A_291] {strides = array<i32>} : memref<400x16xf32, #tpu.memory_space<vmem>>, vector<1x16xf32>,
        %parallel_loop3A_293 = vector.shape_cast %parallel_loop3A_292 : vector<1x16xf32> to vector<16xf32>
        %parallel_loop3A_294 = vector.shape_cast %parallel_loop3A_287 : vector<16xf32> to vector<1x16xf32>
        tpu.vector_store %arg16[%parallel_loop3A_290, %parallel_loop3A_291], %parallel_loop3A_294 {strides = array<i32>} : memref<400x16xf32, #tpu.memory_space<vmem>>, vector<1x16xf32>,
        %parallel_loop3A_295 = vector.extract_strided_slice %parallel_loop3A_123 {offsets = [9], sizes = [1], strides = [1]} : vector<16xi32> to vector<1xi32>
        %parallel_loop3A_296 = vector.extract %parallel_loop3A_295[0] : i32 from vector<1xi32>
        %parallel_loop3A_297 = arith.index_cast %parallel_loop3A_296 : i32 to index
        %parallel_loop3A_298 = tpu.vector_load %arg8[%parallel_loop3A_297] {strides = array<i32>} : memref<5184xf32, #tpu.memory_space<vmem>>, vector<16xf32>,
        %parallel_loop3A_299 = vector.shape_cast %parallel_loop3A_298 : vector<16xf32> to vector<16xf32>
        %parallel_loop3A_300 = vector.extract_strided_slice %parallel_loop3A_132 {offsets = [9], sizes = [1], strides = [1]} : vector<16xi32> to vector<1xi32>
        %parallel_loop3A_301 = vector.extract %parallel_loop3A_300[0] : i32 from vector<1xi32>
        %parallel_loop3A_302 = arith.index_cast %parallel_loop3A_301 : i32 to index
        %parallel_loop3A_303 = tpu.vector_load %arg7[%parallel_loop3A_302] {strides = array<i32>} : memref<736xf32, #tpu.memory_space<vmem>>, vector<16xf32>,
        %parallel_loop3A_304 = vector.shape_cast %parallel_loop3A_303 : vector<16xf32> to vector<16xf32>
        %parallel_loop3A_305 = arith.addf %parallel_loop3A_299, %parallel_loop3A_304 : vector<16xf32>
        %parallel_loop3A_306 = arith.constant 9 : i32
        %parallel_loop3A_307 = arith.addi %parallel_loop3A_110, %parallel_loop3A_306 : i32
        %parallel_loop3A_308 = arith.index_cast %parallel_loop3A_307 : i32 to index
        %parallel_loop3A_309 = arith.constant 0 : index
        %parallel_loop3A_310 = tpu.vector_load %arg16[%parallel_loop3A_308, %parallel_loop3A_309] {strides = array<i32>} : memref<400x16xf32, #tpu.memory_space<vmem>>, vector<1x16xf32>,
        %parallel_loop3A_311 = vector.shape_cast %parallel_loop3A_310 : vector<1x16xf32> to vector<16xf32>
        %parallel_loop3A_312 = vector.shape_cast %parallel_loop3A_305 : vector<16xf32> to vector<1x16xf32>
        tpu.vector_store %arg16[%parallel_loop3A_308, %parallel_loop3A_309], %parallel_loop3A_312 {strides = array<i32>} : memref<400x16xf32, #tpu.memory_space<vmem>>, vector<1x16xf32>,
        %parallel_loop3A_313 = vector.extract_strided_slice %parallel_loop3A_123 {offsets = [10], sizes = [1], strides = [1]} : vector<16xi32> to vector<1xi32>
        %parallel_loop3A_314 = vector.extract %parallel_loop3A_313[0] : i32 from vector<1xi32>
        %parallel_loop3A_315 = arith.index_cast %parallel_loop3A_314 : i32 to index
        %parallel_loop3A_316 = tpu.vector_load %arg8[%parallel_loop3A_315] {strides = array<i32>} : memref<5184xf32, #tpu.memory_space<vmem>>, vector<16xf32>,
        %parallel_loop3A_317 = vector.shape_cast %parallel_loop3A_316 : vector<16xf32> to vector<16xf32>
        %parallel_loop3A_318 = vector.extract_strided_slice %parallel_loop3A_132 {offsets = [10], sizes = [1], strides = [1]} : vector<16xi32> to vector<1xi32>
        %parallel_loop3A_319 = vector.extract %parallel_loop3A_318[0] : i32 from vector<1xi32>
        %parallel_loop3A_320 = arith.index_cast %parallel_loop3A_319 : i32 to index
        %parallel_loop3A_321 = tpu.vector_load %arg7[%parallel_loop3A_320] {strides = array<i32>} : memref<736xf32, #tpu.memory_space<vmem>>, vector<16xf32>,
        %parallel_loop3A_322 = vector.shape_cast %parallel_loop3A_321 : vector<16xf32> to vector<16xf32>
        %parallel_loop3A_323 = arith.addf %parallel_loop3A_317, %parallel_loop3A_322 : vector<16xf32>
        %parallel_loop3A_324 = arith.constant 10 : i32
        %parallel_loop3A_325 = arith.addi %parallel_loop3A_110, %parallel_loop3A_324 : i32
        %parallel_loop3A_326 = arith.index_cast %parallel_loop3A_325 : i32 to index
        %parallel_loop3A_327 = arith.constant 0 : index
        %parallel_loop3A_328 = tpu.vector_load %arg16[%parallel_loop3A_326, %parallel_loop3A_327] {strides = array<i32>} : memref<400x16xf32, #tpu.memory_space<vmem>>, vector<1x16xf32>,
        %parallel_loop3A_329 = vector.shape_cast %parallel_loop3A_328 : vector<1x16xf32> to vector<16xf32>
        %parallel_loop3A_330 = vector.shape_cast %parallel_loop3A_323 : vector<16xf32> to vector<1x16xf32>
        tpu.vector_store %arg16[%parallel_loop3A_326, %parallel_loop3A_327], %parallel_loop3A_330 {strides = array<i32>} : memref<400x16xf32, #tpu.memory_space<vmem>>, vector<1x16xf32>,
        %parallel_loop3A_331 = vector.extract_strided_slice %parallel_loop3A_123 {offsets = [11], sizes = [1], strides = [1]} : vector<16xi32> to vector<1xi32>
        %parallel_loop3A_332 = vector.extract %parallel_loop3A_331[0] : i32 from vector<1xi32>
        %parallel_loop3A_333 = arith.index_cast %parallel_loop3A_332 : i32 to index
        %parallel_loop3A_334 = tpu.vector_load %arg8[%parallel_loop3A_333] {strides = array<i32>} : memref<5184xf32, #tpu.memory_space<vmem>>, vector<16xf32>,
        %parallel_loop3A_335 = vector.shape_cast %parallel_loop3A_334 : vector<16xf32> to vector<16xf32>
        %parallel_loop3A_336 = vector.extract_strided_slice %parallel_loop3A_132 {offsets = [11], sizes = [1], strides = [1]} : vector<16xi32> to vector<1xi32>
        %parallel_loop3A_337 = vector.extract %parallel_loop3A_336[0] : i32 from vector<1xi32>
        %parallel_loop3A_338 = arith.index_cast %parallel_loop3A_337 : i32 to index
        %parallel_loop3A_339 = tpu.vector_load %arg7[%parallel_loop3A_338] {strides = array<i32>} : memref<736xf32, #tpu.memory_space<vmem>>, vector<16xf32>,
        %parallel_loop3A_340 = vector.shape_cast %parallel_loop3A_339 : vector<16xf32> to vector<16xf32>
        %parallel_loop3A_341 = arith.addf %parallel_loop3A_335, %parallel_loop3A_340 : vector<16xf32>
        %parallel_loop3A_342 = arith.constant 11 : i32
        %parallel_loop3A_343 = arith.addi %parallel_loop3A_110, %parallel_loop3A_342 : i32
        %parallel_loop3A_344 = arith.index_cast %parallel_loop3A_343 : i32 to index
        %parallel_loop3A_345 = arith.constant 0 : index
        %parallel_loop3A_346 = tpu.vector_load %arg16[%parallel_loop3A_344, %parallel_loop3A_345] {strides = array<i32>} : memref<400x16xf32, #tpu.memory_space<vmem>>, vector<1x16xf32>,
        %parallel_loop3A_347 = vector.shape_cast %parallel_loop3A_346 : vector<1x16xf32> to vector<16xf32>
        %parallel_loop3A_348 = vector.shape_cast %parallel_loop3A_341 : vector<16xf32> to vector<1x16xf32>
        tpu.vector_store %arg16[%parallel_loop3A_344, %parallel_loop3A_345], %parallel_loop3A_348 {strides = array<i32>} : memref<400x16xf32, #tpu.memory_space<vmem>>, vector<1x16xf32>,
        %parallel_loop3A_349 = vector.extract_strided_slice %parallel_loop3A_123 {offsets = [12], sizes = [1], strides = [1]} : vector<16xi32> to vector<1xi32>
        %parallel_loop3A_350 = vector.extract %parallel_loop3A_349[0] : i32 from vector<1xi32>
        %parallel_loop3A_351 = arith.index_cast %parallel_loop3A_350 : i32 to index
        %parallel_loop3A_352 = tpu.vector_load %arg8[%parallel_loop3A_351] {strides = array<i32>} : memref<5184xf32, #tpu.memory_space<vmem>>, vector<16xf32>,
        %parallel_loop3A_353 = vector.shape_cast %parallel_loop3A_352 : vector<16xf32> to vector<16xf32>
        %parallel_loop3A_354 = vector.extract_strided_slice %parallel_loop3A_132 {offsets = [12], sizes = [1], strides = [1]} : vector<16xi32> to vector<1xi32>
        %parallel_loop3A_355 = vector.extract %parallel_loop3A_354[0] : i32 from vector<1xi32>
        %parallel_loop3A_356 = arith.index_cast %parallel_loop3A_355 : i32 to index
        %parallel_loop3A_357 = tpu.vector_load %arg7[%parallel_loop3A_356] {strides = array<i32>} : memref<736xf32, #tpu.memory_space<vmem>>, vector<16xf32>,
        %parallel_loop3A_358 = vector.shape_cast %parallel_loop3A_357 : vector<16xf32> to vector<16xf32>
        %parallel_loop3A_359 = arith.addf %parallel_loop3A_353, %parallel_loop3A_358 : vector<16xf32>
        %parallel_loop3A_360 = arith.constant 12 : i32
        %parallel_loop3A_361 = arith.addi %parallel_loop3A_110, %parallel_loop3A_360 : i32
        %parallel_loop3A_362 = arith.index_cast %parallel_loop3A_361 : i32 to index
        %parallel_loop3A_363 = arith.constant 0 : index
        %parallel_loop3A_364 = tpu.vector_load %arg16[%parallel_loop3A_362, %parallel_loop3A_363] {strides = array<i32>} : memref<400x16xf32, #tpu.memory_space<vmem>>, vector<1x16xf32>,
        %parallel_loop3A_365 = vector.shape_cast %parallel_loop3A_364 : vector<1x16xf32> to vector<16xf32>
        %parallel_loop3A_366 = vector.shape_cast %parallel_loop3A_359 : vector<16xf32> to vector<1x16xf32>
        tpu.vector_store %arg16[%parallel_loop3A_362, %parallel_loop3A_363], %parallel_loop3A_366 {strides = array<i32>} : memref<400x16xf32, #tpu.memory_space<vmem>>, vector<1x16xf32>,
        %parallel_loop3A_367 = vector.extract_strided_slice %parallel_loop3A_123 {offsets = [13], sizes = [1], strides = [1]} : vector<16xi32> to vector<1xi32>
        %parallel_loop3A_368 = vector.extract %parallel_loop3A_367[0] : i32 from vector<1xi32>
        %parallel_loop3A_369 = arith.index_cast %parallel_loop3A_368 : i32 to index
        %parallel_loop3A_370 = tpu.vector_load %arg8[%parallel_loop3A_369] {strides = array<i32>} : memref<5184xf32, #tpu.memory_space<vmem>>, vector<16xf32>,
        %parallel_loop3A_371 = vector.shape_cast %parallel_loop3A_370 : vector<16xf32> to vector<16xf32>
        %parallel_loop3A_372 = vector.extract_strided_slice %parallel_loop3A_132 {offsets = [13], sizes = [1], strides = [1]} : vector<16xi32> to vector<1xi32>
        %parallel_loop3A_373 = vector.extract %parallel_loop3A_372[0] : i32 from vector<1xi32>
        %parallel_loop3A_374 = arith.index_cast %parallel_loop3A_373 : i32 to index
        %parallel_loop3A_375 = tpu.vector_load %arg7[%parallel_loop3A_374] {strides = array<i32>} : memref<736xf32, #tpu.memory_space<vmem>>, vector<16xf32>,
        %parallel_loop3A_376 = vector.shape_cast %parallel_loop3A_375 : vector<16xf32> to vector<16xf32>
        %parallel_loop3A_377 = arith.addf %parallel_loop3A_371, %parallel_loop3A_376 : vector<16xf32>
        %parallel_loop3A_378 = arith.constant 13 : i32
        %parallel_loop3A_379 = arith.addi %parallel_loop3A_110, %parallel_loop3A_378 : i32
        %parallel_loop3A_380 = arith.index_cast %parallel_loop3A_379 : i32 to index
        %parallel_loop3A_381 = arith.constant 0 : index
        %parallel_loop3A_382 = tpu.vector_load %arg16[%parallel_loop3A_380, %parallel_loop3A_381] {strides = array<i32>} : memref<400x16xf32, #tpu.memory_space<vmem>>, vector<1x16xf32>,
        %parallel_loop3A_383 = vector.shape_cast %parallel_loop3A_382 : vector<1x16xf32> to vector<16xf32>
        %parallel_loop3A_384 = vector.shape_cast %parallel_loop3A_377 : vector<16xf32> to vector<1x16xf32>
        tpu.vector_store %arg16[%parallel_loop3A_380, %parallel_loop3A_381], %parallel_loop3A_384 {strides = array<i32>} : memref<400x16xf32, #tpu.memory_space<vmem>>, vector<1x16xf32>,
        %parallel_loop3A_385 = vector.extract_strided_slice %parallel_loop3A_123 {offsets = [14], sizes = [1], strides = [1]} : vector<16xi32> to vector<1xi32>
        %parallel_loop3A_386 = vector.extract %parallel_loop3A_385[0] : i32 from vector<1xi32>
        %parallel_loop3A_387 = arith.index_cast %parallel_loop3A_386 : i32 to index
        %parallel_loop3A_388 = tpu.vector_load %arg8[%parallel_loop3A_387] {strides = array<i32>} : memref<5184xf32, #tpu.memory_space<vmem>>, vector<16xf32>,
        %parallel_loop3A_389 = vector.shape_cast %parallel_loop3A_388 : vector<16xf32> to vector<16xf32>
        %parallel_loop3A_390 = vector.extract_strided_slice %parallel_loop3A_132 {offsets = [14], sizes = [1], strides = [1]} : vector<16xi32> to vector<1xi32>
        %parallel_loop3A_391 = vector.extract %parallel_loop3A_390[0] : i32 from vector<1xi32>
        %parallel_loop3A_392 = arith.index_cast %parallel_loop3A_391 : i32 to index
        %parallel_loop3A_393 = tpu.vector_load %arg7[%parallel_loop3A_392] {strides = array<i32>} : memref<736xf32, #tpu.memory_space<vmem>>, vector<16xf32>,
        %parallel_loop3A_394 = vector.shape_cast %parallel_loop3A_393 : vector<16xf32> to vector<16xf32>
        %parallel_loop3A_395 = arith.addf %parallel_loop3A_389, %parallel_loop3A_394 : vector<16xf32>
        %parallel_loop3A_396 = arith.constant 14 : i32
        %parallel_loop3A_397 = arith.addi %parallel_loop3A_110, %parallel_loop3A_396 : i32
        %parallel_loop3A_398 = arith.index_cast %parallel_loop3A_397 : i32 to index
        %parallel_loop3A_399 = arith.constant 0 : index
        %parallel_loop3A_400 = tpu.vector_load %arg16[%parallel_loop3A_398, %parallel_loop3A_399] {strides = array<i32>} : memref<400x16xf32, #tpu.memory_space<vmem>>, vector<1x16xf32>,
        %parallel_loop3A_401 = vector.shape_cast %parallel_loop3A_400 : vector<1x16xf32> to vector<16xf32>
        %parallel_loop3A_402 = vector.shape_cast %parallel_loop3A_395 : vector<16xf32> to vector<1x16xf32>
        tpu.vector_store %arg16[%parallel_loop3A_398, %parallel_loop3A_399], %parallel_loop3A_402 {strides = array<i32>} : memref<400x16xf32, #tpu.memory_space<vmem>>, vector<1x16xf32>,
        %parallel_loop3A_403 = vector.extract_strided_slice %parallel_loop3A_123 {offsets = [15], sizes = [1], strides = [1]} : vector<16xi32> to vector<1xi32>
        %parallel_loop3A_404 = vector.extract %parallel_loop3A_403[0] : i32 from vector<1xi32>
        %parallel_loop3A_405 = arith.index_cast %parallel_loop3A_404 : i32 to index
        %parallel_loop3A_406 = tpu.vector_load %arg8[%parallel_loop3A_405] {strides = array<i32>} : memref<5184xf32, #tpu.memory_space<vmem>>, vector<16xf32>,
        %parallel_loop3A_407 = vector.shape_cast %parallel_loop3A_406 : vector<16xf32> to vector<16xf32>
        %parallel_loop3A_408 = vector.extract_strided_slice %parallel_loop3A_132 {offsets = [15], sizes = [1], strides = [1]} : vector<16xi32> to vector<1xi32>
        %parallel_loop3A_409 = vector.extract %parallel_loop3A_408[0] : i32 from vector<1xi32>
        %parallel_loop3A_410 = arith.index_cast %parallel_loop3A_409 : i32 to index
        %parallel_loop3A_411 = tpu.vector_load %arg7[%parallel_loop3A_410] {strides = array<i32>} : memref<736xf32, #tpu.memory_space<vmem>>, vector<16xf32>,
        %parallel_loop3A_412 = vector.shape_cast %parallel_loop3A_411 : vector<16xf32> to vector<16xf32>
        %parallel_loop3A_413 = arith.addf %parallel_loop3A_407, %parallel_loop3A_412 : vector<16xf32>
        %parallel_loop3A_414 = arith.constant 15 : i32
        %parallel_loop3A_415 = arith.addi %parallel_loop3A_110, %parallel_loop3A_414 : i32
        %parallel_loop3A_416 = arith.index_cast %parallel_loop3A_415 : i32 to index
        %parallel_loop3A_417 = arith.constant 0 : index
        %parallel_loop3A_418 = tpu.vector_load %arg16[%parallel_loop3A_416, %parallel_loop3A_417] {strides = array<i32>} : memref<400x16xf32, #tpu.memory_space<vmem>>, vector<1x16xf32>,
        %parallel_loop3A_419 = vector.shape_cast %parallel_loop3A_418 : vector<1x16xf32> to vector<16xf32>
        %parallel_loop3A_420 = vector.shape_cast %parallel_loop3A_413 : vector<16xf32> to vector<1x16xf32>
        tpu.vector_store %arg16[%parallel_loop3A_416, %parallel_loop3A_417], %parallel_loop3A_420 {strides = array<i32>} : memref<400x16xf32, #tpu.memory_space<vmem>>, vector<1x16xf32>,
      } {sc.loop_unroll_factor = 2 : i64, sc.parallel_access}
      %mul3A_99 = arith.constant 400 : i32
      %mul3A_100 = arith.muli %add3A_73, %mul3A_99 : i32
      %add3A_101 = arith.addi %mul3A_2, %mul3A_100 : i32
      %multiple_of3A_102 = tpu.assume_multiple %add3A_101, 8 : i32
      %dma_start3A_103 = arith.constant 0 : i32
      %dma_start3A_104 = tpu.memref_slice %arg6[%multiple_of3A_102, %dma_start3A_103] : memref<3200000x16xf32, #tpu.memory_space<hbm>> -> memref<400x16xf32, #tpu.memory_space<hbm>>
      %dma_start3A_105 = arith.constant 0 : i32
      %dma_start3A_106 = tpu.memref_slice %arg6[%multiple_of3A_102, %dma_start3A_105] : memref<3200000x16xf32, #tpu.memory_space<hbm>> -> memref<400x16xf32, #tpu.memory_space<hbm>>
      tpu.enqueue_dma source(%arg16 : memref<400x16xf32, #tpu.memory_space<vmem>>) target(%dma_start3A_106 : memref<400x16xf32, #tpu.memory_space<hbm>>) target_semaphore(%arg20 : memref<!tpu.dma_semaphore, #tpu.memory_space<semaphore_mem>>)
      %scan3A_107 = arith.constant 0 : i32
      scf.yield %scan3A_107 : i32
    }
    %scan3A_22 = arith.constant 125 : i32
    %add3A_23 = arith.constant 99200 : i32
    %add3A_24 = arith.addi %mul3A_2, %add3A_23 : i32
    %multiple_of3A_25 = tpu.assume_multiple %add3A_24, 8 : i32
    %dma_wait3A = arith.constant 0 : i32
    %dma_wait3A_26 = tpu.memref_slice %arg6[%multiple_of3A_25, %dma_wait3A] : memref<3200000x16xf32, #tpu.memory_space<hbm>> -> memref<400x16xf32, #tpu.memory_space<hbm>>
    %dma_wait3A_27 = arith.constant 0 : i32
    %dma_wait3A_28 = tpu.memref_slice %arg6[%multiple_of3A_25, %dma_wait3A_27] : memref<3200000x16xf32, #tpu.memory_space<hbm>> -> memref<400x16xf32, #tpu.memory_space<hbm>>
    tpu.wait_dma2 semaphore(%arg19 : memref<!tpu.dma_semaphore, #tpu.memory_space<semaphore_mem>>) src(%arg15 : memref<400x16xf32, #tpu.memory_space<vmem>>) dst(%dma_wait3A_28 : memref<400x16xf32, #tpu.memory_space<hbm>>)
    %add3A_29 = arith.constant 99600 : i32
    %add3A_30 = arith.addi %mul3A_2, %add3A_29 : i32
    %multiple_of3A_31 = tpu.assume_multiple %add3A_30, 8 : i32
    %dma_wait3A_32 = arith.constant 0 : i32
    %dma_wait3A_33 = tpu.memref_slice %arg6[%multiple_of3A_31, %dma_wait3A_32] : memref<3200000x16xf32, #tpu.memory_space<hbm>> -> memref<400x16xf32, #tpu.memory_space<hbm>>
    %dma_wait3A_34 = arith.constant 0 : i32
    %dma_wait3A_35 = tpu.memref_slice %arg6[%multiple_of3A_31, %dma_wait3A_34] : memref<3200000x16xf32, #tpu.memory_space<hbm>> -> memref<400x16xf32, #tpu.memory_space<hbm>>
    tpu.wait_dma2 semaphore(%arg20 : memref<!tpu.dma_semaphore, #tpu.memory_space<semaphore_mem>>) src(%arg16 : memref<400x16xf32, #tpu.memory_space<vmem>>) dst(%dma_wait3A_35 : memref<400x16xf32, #tpu.memory_space<hbm>>)
    return
  }
}

</mosaic_0001>

<sc_bundles>
// kernel: kernel.3.cloned.1.call-start
scs
__scs_entry_jumppad:
0x0: {  	(pc) =	sbr.rel $0x88, $3  }
0x1: {  	(tag) =	ssettag $0x0;
	lr =	simm.s32 $0x1  }
0x2: {  	[smem:$0x3F9B] =	sst lr;
	_ =	strace $0xD0000000  }
0x3: {  	_ = 	snop  }
0x4: {  	_ = 	snop  }
0x5: {  	_ = 	snop  }
0x6: {  	_ = 	snop  }
0x7: {  	_ = 	snop  }
__scs_overlays_trampoline_lowered:
0x8: {  	[smem:$0x3FAA] =	sst s0  }
0x9: {  	[smem:$0x3FAB] =	sst s1  }
0xa: {  	[smem:$0x3FAC] =	sst s2  }
0xb: {  	[smem:$0x3FAD] =	sst s3  }
0xc: {  	[smem:$0x3FAE] =	sst s4  }
0xd: {  	[smem:$0x3FAF] =	sst s5  }
0xe: {  	[smem:$0x3FB0] =	sst s6  }
0xf: {  	[smem:$0x3FB1] =	sst s7  }
0x10: {  	[smem:$0x3FB2] =	sst s8  }
0x11: {  	[smem:$0x3FB3] =	sst s9;
	s0 =	simm.s32 @!p0 $0x0  }
0x12: {  	s1 =	sld [smem:$0x3F99];
	s0 =	simm.s32 @p0 $0x1  }
0x13: {  	[smem:$0x3FB4] =	sst s0;
	s0 =	simm.s32 @!p1 $0x0  }
0x14: {  	s2 =	sld [smem:$0x3F98];
	s0 =	simm.s32 @p1 $0x1  }
0x15: {  	[smem:$0x3FB5] =	sst s0;
	s0 =	simm.s32 @!p2 $0x0  }
0x16: {  	s3 =	sld [smem:$0x3FDB];
	s0 =	simm.s32 @p2 $0x1  }
0x17: {  	s4 =	simm.s32 $0x1BF5;
	[smem:$0x3FB7] =	sst s0  }
0x18: {  	s0 =	sld [smem:$0x3F9A];
	_ =	swait.ge [sflag:s4], $0x0  }
0x19: {  	s7 =	sld [smem:$0x3F9B]  }
0x1a: {  	s8 =	sadd.s32 $0xFFFFE003, lr  }
0x1b: {  	s9 =	sadd.s32 $0xFFFFFEF7, lr;
	s5 =	simm.s32 $0xFFFFFFFF;
	p2 =	slt.u32 s8, $0xFFFFF086  }
0x1c: {  	p1 =	slt.u32 s9, $0xF7A;
	s5 =	simm.s32 @!p2 $0x0  }
0x1d: {  	s5 =	simm.s32 @p1 $0x1;
	p0 =	seq.s32 s7, s2  }
0x1e: {  	s7 =	smul.u32 @!p0 $0xF7A, s2;
	p2 =	seq.s32 @!p0 s5, $0x0  }
0x1f: {  	s9 =	smul.u32 $0xF7A, s1;
	s8 =	simm.s32 @!p0 $0x1BF5;
	p2 =	por !p2, p0  }
0x20: {  	[sflag:s8] =	ssyncset.s32 @!p0 $0xFFFFF086;
	s6 =	sadd.s32 @!p0 s3, s7;
	s7 =	simm.s32 @!p0 $0x108  }
0x21: {  	s3 =	sadd.s32 s3, s9;
	s6 =	sadd.s32 @!p0 $0x88, s6;
	s7 =	simm.s32 @p2 $0x1082  }
0x22: {  	[simem:s7], [sflag:s8] =	dma.local @!p0 [hbm:s6], $0xF7A  }
0x23: {  	s9 =	sor.u32 $0xD0000000, s2;
	s6 =	simm.s32 $0x108;
	_ =	swait.ge @!p0 [sflag:s8], $0x0  }
0x24: {  	s3 =	sadd.s32 $0x88, s3;
	s6 =	simm.s32 @!p1 $0x1082;
	[sflag:s4] =	ssyncset.s32 $0xFFFFF086  }
0x25: {  	[simem:s6], [sflag:s4] =	dma.local [hbm:s3], $0xF7A  }
0x26: {  	[smem:$0x3F9B] =	sst s1;
	(tag) =	ssettag s2;
	_ =	strace s9  }
0x27: {  	s1 =	sld [smem:$0x3FAB]  }
0x28: {  	s2 =	sld [smem:$0x3FAC]  }
0x29: {  	s4 =	sld [smem:$0x3FAE]  }
0x2a: {  	p0 =	seq.s32 s5, $0x0;
	s5 =	sld [smem:$0x3FAF]  }
0x2b: {  	s6 =	sld [smem:$0x3FB0]  }
0x2c: {  	s7 =	sld [smem:$0x3FB1]  }
0x2d: {  	s3 =	simm.s32 $0x108;
	s8 =	sld [smem:$0x3FB2]  }
0x2e: {  	s3 =	simm.s32 @!p0 $0x1082;
	s9 =	sld [smem:$0x3FB3]  }
0x2f: {  	lr =	sadd.s32 s0, s3;
	s0 =	sld [smem:$0x3FAA]  }
0x30: {  	s3 =	sld [smem:$0x3FAD]  }
0x31: {  	[smem:$0x3FB6] =	sst s10  }
0x32: {  	s10 =	sld [smem:$0x3FB4];
	_ =	sdelay $0x3  }
0x33: {  	p0 =	seq.s32 s10, $0x1;
	s10 =	sld [smem:$0x3FB6];
	_ =	sdelay $0x3  }
0x34: {  	[smem:$0x3FB6] =	sst s10  }
0x35: {  	s10 =	sld [smem:$0x3FB5];
	_ =	sdelay $0x3  }
0x36: {  	p1 =	seq.s32 s10, $0x1;
	s10 =	sld [smem:$0x3FB6];
	_ =	sdelay $0x3  }
0x37: {  	[smem:$0x3FB6] =	sst s10  }
0x38: {  	s10 =	sld [smem:$0x3FB7]  }
0x39: {  	_ = 	snop;
	(pc) =	sbr.ind lr, $3  }
0x3a: {  	_ = 	snop  }
0x3b: {  	_ = 	snop  }
0x3c: {  	p2 =	seq.s32 s10, $0x1;
	s10 =	sld [smem:$0x3FB6]  }
0x3d: {  	_ =	shalt  }
0x3e: {  	_ =	shalt  }
0x3f: {  	_ =	shalt  }
0x40: {  	_ =	shalt  }
0x41: {  	_ =	shalt  }
0x42: {  	_ =	shalt  }
0x43: {  	_ =	shalt  }
0x44: {  	_ =	shalt  }
0x45: {  	_ =	shalt  }
0x46: {  	_ =	shalt  }
0x47: {  	_ =	shalt  }
0x48: {  	_ =	shalt  }
0x49: {  	_ =	shalt  }
0x4a: {  	_ =	shalt  }
0x4b: {  	_ =	shalt  }
0x4c: {  	_ =	shalt  }
0x4d: {  	_ =	shalt  }
0x4e: {  	_ =	shalt  }
0x4f: {  	_ =	shalt  }
0x50: {  	_ =	shalt  }
0x51: {  	_ =	shalt  }
0x52: {  	_ =	shalt  }
0x53: {  	_ =	shalt  }
0x54: {  	_ =	shalt  }
0x55: {  	_ =	shalt  }
0x56: {  	_ =	shalt  }
0x57: {  	_ =	shalt  }
0x58: {  	_ =	shalt  }
0x59: {  	_ =	shalt  }
0x5a: {  	_ =	shalt  }
0x5b: {  	_ =	shalt  }
0x5c: {  	_ =	shalt  }
0x5d: {  	_ =	shalt  }
0x5e: {  	_ =	shalt  }
0x5f: {  	_ =	shalt  }
0x60: {  	_ =	shalt  }
0x61: {  	_ =	shalt  }
0x62: {  	_ =	shalt  }
0x63: {  	_ =	shalt  }
0x64: {  	_ =	shalt  }
0x65: {  	_ =	shalt  }
0x66: {  	_ =	shalt  }
0x67: {  	_ =	shalt  }
0x68: {  	_ =	shalt  }
0x69: {  	_ =	shalt  }
0x6a: {  	_ =	shalt  }
0x6b: {  	_ =	shalt  }
0x6c: {  	_ =	shalt  }
0x6d: {  	_ =	shalt  }
0x6e: {  	_ =	shalt  }
0x6f: {  	_ =	shalt  }
0x70: {  	_ =	shalt  }
0x71: {  	_ =	shalt  }
0x72: {  	_ =	shalt  }
0x73: {  	_ =	shalt  }
0x74: {  	_ =	shalt  }
0x75: {  	_ =	shalt  }
0x76: {  	_ =	shalt  }
0x77: {  	_ =	shalt  }
0x78: {  	_ =	shalt  }
0x79: {  	_ =	shalt  }
0x7a: {  	_ =	shalt  }
0x7b: {  	_ =	shalt  }
0x7c: {  	_ =	shalt  }
0x7d: {  	_ =	shalt  }
0x7e: {  	_ =	shalt  }
0x7f: {  	_ =	shalt  }
0x80: {  	_ =	shalt  }
0x81: {  	_ =	shalt  }
0x82: {  	_ =	shalt  }
0x83: {  	_ =	shalt  }
0x84: {  	_ =	shalt  }
0x85: {  	_ =	shalt  }
0x86: {  	_ =	shalt  }
0x87: {  	_ =	shalt  }
.Lfunc_end0:
.L_simem_size_0:
called_computation_lowered:
.L_overlay_start_0:
0x88: {  	s2 =	sld [smem:$0x3FD9]  }
0x89: {  	s3 =	sld [smem:$0x3FFE];
	_ =	sdelay $0x1  }
0x8a: {  	s1 =	srdreg.scid  }
0x8b: {  	s0 =	sand.u32 $0x1, s1  }
0x8c: {  	s17 =	sshll.u32 s0, $0xA;
	s2 =	sadd.s32 s3, s2  }
0x8d: {  	s2 =	sadd.s32 s2, s17  }
0x8e: {  	[smem:$0x3FC2] =	sst s2  }
0x8f: {  	_ = 	snop  }
0x90: {  	s2 =	sld [smem:$0x3FC9]  }
0x91: {  	s18 =	sld [smem:$0x3FC8]  }
0x92: {  	s4 =	sld [smem:$0x3FC7]  }
0x93: {  	s5 =	sld [smem:$0x3FD0];
	(tm) =	ssettm $0x1  }
0x94: {  	s6 =	sld [smem:$0x3FFB];
	_ =	sdelay $0x3  }
0x95: {  	_ =	strace s6  }
0x96: {  	s6 =	sld [smem:$0x3FFC];
	_ =	sdelay $0x3  }
0x97: {  	_ =	strace s6  }
0x98: {  	s6 =	sld [smem:$0x3FFD];
	_ =	sdelay $0x3  }
0x99: {  	_ =	strace s6  }
0x9a: {  	_ =	strace $0x8FFFFFFF  }
0x9b: {  	s19 =	sld [smem:$0x3FDB];
	_ =	sdelay $0x1  }
0x9c: {  	s7 =	simm.s32 $_scs_section_size  }
0x9d: {  	s8 =	simm.s32 $_size__tile_overlayer_lowered;
	s9 =	simm.s32 $_tile_overlayer_lowered  }
0x9e: {  	s22 =	simm.s32 $0x1BFF;
	s21 =	sshll.u32 s9, $0x1;
	s6 =	sadd.s32 s7, s19  }
0x9f: {  	s10 =	simm.s32 $0x0;
	s20 =	sshll.u32 s8, $0x1;
	s8 =	sadd.s32 s21, s6  }
0xa0: {  	[timem:s10], [sflag:s22] =	dma.local [hbm:s8], s20  }
0xa1: {  	_ =	swait.ge [sflag:s22], s20  }
0xa2: {  	s7 =	ssub.s32 $0x0, s20;
	[sflag:s22] =	ssyncset.done $0x0  }
0xa3: {  	[sflag:s22] =	ssyncadd.s32 s7;
	_ =	sdelay $0x1  }
0xa4: {  	s23 =	simm.s32 $0x1B8B  }
0xa5: {  	_ =	swait.ge [sflag:s23], $0x1  }
0xa6: {  	[sflag:s23] =	ssyncset.done $0x0  }
0xa7: {  	s25 =	simm.s32 $0x1B8E;
	s24 =	sld [smem:$0x3FFE];
	[sflag:s23] =	ssyncadd.s32 $0xFFFFFFFF  }
0xa8: {  	s26 =	simm.s32 $execute0_lowered;
	[smem:$0x3FD2] =	sst s25  }
0xa9: {  	s8 =	sshll.u32 s26, $0x1;
	_ =	strace $0x80000046;
	[dreg:$0x1] =	wrdreg $0xFFFFFFFF  }
0xaa: {  	s28 =	simm.s32 $_size_execute0_lowered;
	s6 =	sadd.s32 s6, s8;
	[dreg:$0x0] =	wrdreg $0x0  }
0xab: {  	s8 =	sshll.u32 s28, $0x1;
	[dreg:$0x2] =	wrdreg s6  }
0xac: {  	[dreg:$0x3] =	wrdreg s8  }
0xad: {  	[dreg:$0x4] =	wrdreg $0xC0  }
0xae: {  	_ =	task [dreg:s10], $0x5FFFF  }
0xaf: {  	[dreg:$0x1] =	wrdreg $0xFFFFFFFF  }
0xb0: {  	[dreg:$0x0] =	wrdreg $0x60  }
0xb1: {  	[dreg:$0x2] =	wrdreg s2  }
0xb2: {  	[dreg:$0x3] =	wrdreg s18  }
0xb3: {  	[dreg:$0x4] =	wrdreg s4  }
0xb4: {  	[dreg:$0x5] =	wrdreg s5  }
0xb5: {  	[dreg:$0x6] =	wrdreg s24  }
0xb6: {  	[dreg:$0x7] =	wrdreg $0x9  }
0xb7: {  	_ =	task.clear_ibuf [dreg:s10], $0x8FFFF;
	_ =	strace $0x90000046  }
0xb8: {  	s29 =	simm.s32 $0x9;
	_ =	strace $0x80000048  }
0xb9: {  	_ =	swait.ge [sflag:s29], $0x1  }
0xba: {  	[sflag:s29] =	ssyncadd.s32 $0xFFFFFFFF  }
0xbb: {  	_ =	strace $0x90000048  }
0xbc: {  	_ =	sfence  }
0xbd: {  	s30 =	sld [smem:$0x0];
	_ =	sdelay $0x2  }
0xbe: {  	s31 =	sshll.u32 s1, $0xD;
	s1 =	sshrl.u32 s1, $0x2  }
0xbf: {  	s3 =	sand.u32 $0x4000, s31;
	s1 =	sadd.s32 s1, s30  }
0xc0: {  	s0 =	sor.u32 s3, s0;
	s1 =	sshll.u32 s1, $0x11  }
0xc1: {  	s0 =	sor.u32 s1, s0  }
0xc2: {  	s0 =	sadd.s32 $0x8F2B, s0  }
0xc3: {  	[sflag:s0] =	ssyncadd.remote.s32 $0x1  }
0xc4: {  	_ =	sfence.sel $0xFFFF  }
0xc5: {  	[dreg:$0x0] =	wrdreg $0xFFFFFFFF;
	(pc) =	sbr.abs _section_cstart, $3  }
0xc6: {  	[dreg:$0x1] =	wrdreg $0xFFFFFFFF  }
0xc7: {  	_ =	task.clear_ibuf [dreg:s10], $0x2FFFF;
	_ =	strace $0x9FFFFFFF  }
0xc8: {  	(tm) =	ssettm $0x7FFFFFFF  }
0xc9: {  	_ =	shalt  }
tec
execute0_lowered:
.L_overlay_start_1:
0x0: {  	(tag) =	ssettag $0x1  }
0x1: {  	s3 =	rddreg [dreg:$0x0]  }
0x2: {  	s4 =	rddreg [dreg:$0x1]  }
0x3: {  	s0 =	srdreg.scid;
	s2 =	stileid.u32  }
0x4: {  	s5 =	rddreg [dreg:$0x2];
	s0 =	sand.u32 $0x1, s0;
	s2 =	sshll.u32 s2, $0x1  }
0x5: {  	s1 =	rddreg [dreg:$0x4];
	s8 =	simm.s32 $0x0;
	s2 =	sor.u32 s0, s2  }
0x6: {  	[smem:$0x7FF] =	sst s8;
	s1 =	sadd.s32 $0x400, s1;
	s6 =	smul.u32 $0x186A0, s2  }
0x7: {  	_ =	strace $0x80000047;
	s0 =	ssub.s32 $0x2, s0;
	[dreg:$0x19] =	wrdreg s1  }
0x8: {  	s25 =	sshrl.u32 s0, $0x1;
	s30 =	sadd.s32 $0x190, s6;
	[dreg:$0x18] =	wrdreg s6  }
0x9: {  	s0 =	ssub.s32 s0, s25;
	s31 =	sadd.s32 $0x320, s6;
	[dreg:$0x1d] =	wrdreg s30  }
0xa: {  	s2 =	sshrl.u32 s6, $0x3;
	s0 =	smax.u32 s0, $0x1;
	[dreg:$0x1e] =	wrdreg s31  }
0xb: {  	s26 =	sadd.s32 s3, s2;
	[dreg:$0x1f] =	wrdreg s0  }
0xc: {  	s28 =	sadd.s32 s4, s2;
	[dreg:$0x1a] =	wrdreg s26  }
0xd: {  	s29 =	sadd.s32 s5, s2;
	[dreg:$0x1b] =	wrdreg s28  }
0xe: {  	s2 =	simm.s32 $0x0;
	[dreg:$0x1c] =	wrdreg s29  }
.LBB2_1:
0xf: {  	s0 =	smulhi.u32 $0x2F684BDB, s8  }
0x10: {  	s1 =	rddreg [dreg:$0x3];
	s22 =	smul.u32 $0x2F69, s8  }
0x11: {  	[tilespmem:s8], [sflag:$0x5] =	stream.linear.gather [hbm4b:s1+s8], $0x300, $0x38;
	[tilespmem:$0x1B380] =	vst v63  }
0x12: {  	s21 =	ssub.s32 $0x0, s0  }
0x13: {  	[smem:$0x7FD] =	sst s2;
	s23 =	sshrl.u32 s22, $0x10;
	s1 =	sshrl.u32 s21, $0x1  }
0x14: {  	s3 =	simm.s32 $0x5;
	s2 =	ssub.s32 $0x0, s23;
	s0 =	sadd.s32 s0, s1  }
0x15: {  	s24 =	simm.s32 $0x1;
	s2 =	sand.u32 $0xFFFE, s2;
	s0 =	sshrl.u32 s0, $0x4  }
0x16: {  	_ =	swait.ge [sflag:s3], $0x300;
	s2 =	sshrl.u32 s2, $0x1;
	s0 =	smul.u32 $0xFFFFF940, s0  }
0x17: {  	s4 =	smulhi.u32 $0x2F684BDB, s24;
	[sflag:s3] =	ssyncset.done $0x0;
	s1 =	sadd.s32 s23, s2  }
0x18: {  	[sflag:s3] =	ssyncadd.s32 $0xFFFFFD00;
	s1 =	sand.u32 $0xFFF0, s1;
	s0 =	sshra.s32 s0, $0x2  }
0x19: {  	v1 =	vld [tilespmem:s1+$0x0];
	s0 =	sadd.s32 $0xC0, s0  }
0x1a: {  	s25 =	ssub.s32 $0x1, s4;
	v0 =	vld [tilespmem:s0+$0x0]  }
0x1b: {  	s26 =	smul.u32 $0x2F69, s24;
	s0 =	sshrl.u32 s25, $0x1  }
0x1c: {  	s0 =	sadd.s32 s4, s0  }
0x1d: {  	s3 =	sshrl.u32 s26, $0x10;
	s0 =	sshrl.u32 s0, $0x4  }
0x1e: {  	s29 =	ssub.s32 $0x1, s3;
	s28 =	smul.u32 $0xFFFFF940, s0  }
0x1f: {  	s30 =	sand.u32 $0xFFFE, s29;
	s2 =	simm.s32 $0x2;
	v0 =	vadd.f32 v0, v1  }
0x20: {  	s4 =	sshrl.u32 s30, $0x1;
	s0 =	simm.s32 $0x300;
	s5 =	sshra.s32 s28, $0x2  }
0x21: {  	s31 =	sadd.s32 s3, s4;
	s4 =	smulhi.u32 $0x2F684BDB, s2;
	s6 =	sadd.s32 $0xD0, s5;
	[tilespmem:s0+$0x0] =	vst v0  }
0x22: {  	s1 =	simm.s32 $0xD0;
	s3 =	simm.s32 $0x3;
	s5 =	sand.u32 $0xFFF0, s31;
	v0 =	vld [tilespmem:s6+$0x0]  }
.LBB2_2:
0x23: {  	s6 =	ssub.s32 s2, s4  }
0x24: {  	p0 =	sne.s32 s3, $0x143;
	v1 =	vld [tilespmem:s5+$0x0];
	s5 =	sshrl.u32 s6, $0x1  }
0x25: {  	s6 =	smul.u32 $0x2F69, s2;
	s4 =	sadd.s32 s4, s5  }
0x26: {  	s4 =	sshrl.u32 s4, $0x4  }
0x27: {  	s5 =	sshrl.u32 s6, $0x10;
	s4 =	smul.u32 $0xFFFFF940, s4  }
.Ltmp0:
0x28: {  	s2 =	ssub.s32 s2, s5;
	(pc) =	sbr.rel @p0 .LBB2_2-.Ltmp0, $4  }
0x29: {  	s0 =	sadd.s32 $0x10, s0;
	s6 =	sand.u32 $0xFFFE, s2;
	v0 =	vadd.f32 v0, v1;
	s2 =	smov.u32 s3  }
0x2a: {  	s1 =	sadd.s32 $0x10, s1;
	s7 =	sshra.s32 s4, $0x2;
	s6 =	sshrl.u32 s6, $0x1  }
0x2b: {  	s4 =	smulhi.u32 $0x2F684BDB, s3;
	s7 =	sadd.s32 s7, s1;
	s5 =	sadd.s32 s5, s6;
	[tilespmem:s0+$0x0] =	vst v0  }
0x2c: {  	s3 =	sadd.s32 $0x1, s3;
	s5 =	sand.u32 $0xFFF0, s5;
	v0 =	vld [tilespmem:s7+$0x0]  }
0x2d: {  	s3 =	ssub.s32 s2, s4;
	v1 =	vld [tilespmem:s5+$0x0]  }
0x2e: {  	s22 =	smul.u32 $0x2F69, s2;
	s3 =	sshrl.u32 s3, $0x1  }
0x2f: {  	s3 =	sadd.s32 s4, s3  }
0x30: {  	s23 =	sshrl.u32 s22, $0x10;
	s3 =	sshrl.u32 s3, $0x4  }
0x31: {  	s24 =	ssub.s32 s2, s23;
	s3 =	smul.u32 $0xFFFFF940, s3  }
0x32: {  	s0 =	sadd.s32 $0x10, s0;
	s2 =	sand.u32 $0xFFFE, s24;
	v0 =	vadd.f32 v0, v1  }
0x33: {  	s1 =	sadd.s32 $0x10, s1;
	s2 =	sshrl.u32 s2, $0x1;
	s3 =	sshra.s32 s3, $0x2  }
0x34: {  	s2 =	sadd.s32 s23, s2;
	s1 =	sadd.s32 s3, s1;
	[tilespmem:s0+$0x0] =	vst v0  }
0x35: {  	s2 =	sand.u32 $0xFFF0, s2;
	v0 =	vld [tilespmem:s1+$0x0]  }
0x36: {  	v63 =	vld [tilespmem:s2+$0x0];
	_ =	sdelay $0x4  }
0x37: {  	v0 =	vadd.f32 v0, v63  }
0x38: {  	s0 =	sadd.s32 $0x10, s0  }
0x39: {  	s25 =	rddreg [dreg:$0x1a];
	s26 =	simm.s32 $0x1780;
	s3 =	simm.s32 $0x0;
	[tilespmem:s0+$0x0] =	vst v0  }
0x3a: {  	[tilespmem:s26], [sflag:$0x1] =	stream.linear.gather [hbm4b:s25+s3], $0x190, $0x38;
	[tilespmem:$0x1B380] =	vst v63  }
0x3b: {  	s28 =	rddreg [dreg:$0x1b];
	s29 =	simm.s32 $0x1980  }
0x3c: {  	[tilespmem:s29], [sflag:$0x1] =	stream.linear.gather [hbm4b:s28+s3], $0x190, $0x38;
	[tilespmem:$0x1B380] =	vst v63  }
0x3d: {  	s30 =	rddreg [dreg:$0x1c];
	s31 =	simm.s32 $0x1B80  }
0x3e: {  	[tilespmem:s31], [sflag:$0x1] =	stream.linear.gather [hbm4b:s30+s3], $0x190, $0x38;
	[tilespmem:$0x1B380] =	vst v63  }
.LBB2_4:
0x3f: {  	s1 =	smul.u32 $0x320, s3;
	s0 =	rddreg [dreg:$0x1d]  }
0x40: {  	s23 =	rddreg [dreg:$0x0]  }
0x41: {  	s24 =	rddreg [dreg:$0x1];
	s0 =	sadd.s32 s1, s0  }
0x42: {  	[smem:$0x7F9] =	sst s0;
	s0 =	sshrl.u32 s0, $0x3  }
0x43: {  	s2 =	simm.s32 $0x1D80;
	[smem:$0x7FB] =	sst s1;
	s1 =	sadd.s32 s23, s0  }
0x44: {  	[tilespmem:s2], [sflag:$0x2] =	stream.linear.gather [hbm4b:s1+s8], $0x190, $0x38;
	[tilespmem:$0x1B380] =	vst v63  }
0x45: {  	s25 =	simm.s32 $0x1F80;
	s26 =	rddreg [dreg:$0x2];
	s1 =	sadd.s32 s24, s0  }
0x46: {  	[tilespmem:s25], [sflag:$0x2] =	stream.linear.gather [hbm4b:s1+s8], $0x190, $0x38;
	[tilespmem:$0x1B380] =	vst v63  }
0x47: {  	s29 =	simm.s32 $0x2180;
	s0 =	sadd.s32 s26, s0;
	s1 =	simm.s32 $0x1  }
0x48: {  	[tilespmem:s29], [sflag:$0x2] =	stream.linear.gather [hbm4b:s0+s8], $0x190, $0x38;
	[tilespmem:$0x1B380] =	vst v63  }
0x49: {  	_ =	swait.ge [sflag:s1], $0x190  }
0x4a: {  	[sflag:s1] =	ssyncset.done $0x0  }
0x4b: {  	[sflag:s1] =	ssyncadd.s32 $0xFFFFFE70  }
0x4c: {  	_ =	swait.ge [sflag:s1], $0x190  }
0x4d: {  	[sflag:s1] =	ssyncset.done $0x0  }
0x4e: {  	[sflag:s1] =	ssyncadd.s32 $0xFFFFFE70  }
0x4f: {  	_ =	swait.ge [sflag:s1], $0x190  }
0x50: {  	p0 =	seq.s32 s3, $0x0;
	[sflag:s1] =	ssyncset.done $0x0  }
0x51: {  	s0 =	simm.s32 @!p0 $0x3;
	[smem:$0x7FA] =	sst s3;
	[sflag:s1] =	ssyncadd.s32 $0xFFFFFE70  }
0x52: {  	_ =	swait.ge @!p0 [sflag:s0], $0xC800  }
0x53: {  	[sflag:s0] =	ssyncset.done @!p0 $0x0  }
0x54: {  	s2 =	simm.s32 $0x1790;
	[sflag:s0] =	ssyncadd.s32 @!p0 $0xFFFF3800  }
0x55: {  	s3 =	simm.s32 $0x1B90;
	v0 =	vld [tilespmem:s2+$0x0]  }
0x56: {  	s4 =	simm.s32 $0x1990;
	v1 =	vld [tilespmem:s3+$0x0]  }
0x57: {  	v2 =	vld [tilespmem:s4+$0x0];
	_ =	sdelay $0x1  }
0x58: {  	v3 =	vld [tilespmem:s2+$0xFFFFFFF0]  }
0x59: {  	v4 =	vld [tilespmem:s4+$0xFFFFFFF0];
	v0 =	vmul.u32 $0x1B, v0  }
0x5a: {  	v5 =	vld [tilespmem:s3+$0xFFFFFFF0]  }
0x5b: {  	v1 =	vshll.u32 v1, $0x4;
	v0 =	vadd.s32 v2, v0  }
0x5c: {  	v2 =	vadd.s32 $0x270, v1;
	v0 =	vshll.u32 v0, $0x4  }
0x5d: {  	v1 =	vmul.u32 $0x1B, v3;
	(v2sf) =	vpush v2, $0x0;
	v3 =	vadd.s32 $0x300, v0  }
0x5e: {  	(v2sf) =	vpush v3, $0x0  }
0x5f: {  	v0 =	vadd.s32 v4, v1;
	v1 =	vshll.u32 v5, $0x4  }
0x60: {  	v0 =	vshll.u32 v0, $0x4;
	v1 =	vadd.s32 $0x270, v1  }
0x61: {  	v0 =	vadd.s32 $0x300, v0;
	(v2sf) =	vpush v1, $0x0  }
0x62: {  	(v2sf) =	vpush v0, $0x0  }
0x63: {  	(v2sf) =	vpush v0, $0x1  }
0x64: {  	(v2sf) =	vpush v1, $0x1  }
0x65: {  	(v2sf) =	vpush v0, $0x2  }
0x66: {  	(v2sf) =	vpush v3, $0x1  }
0x67: {  	(v2sf) =	vpush v2, $0x1;
	_ =	sdelay $0x2  }
0x68: {  	(v2sf) =	vpush v1, $0x2  }
0x69: {  	(v2sf) =	vpush v0, $0x3  }
0x6a: {  	(v2sf) =	vpush v1, $0x3;
	s5 =	spop (v2sf)  }
0x6b: {  	(v2sf) =	vpush v0, $0x4;
	v4 =	vld [tilespmem:s5+$0x0];
	s6 =	spop (v2sf)  }
0x6c: {  	(v2sf) =	vpush v1, $0x4;
	v5 =	vld [tilespmem:s6+$0x0]  }
0x6d: {  	(v2sf) =	vpush v3, $0x2  }
0x6e: {  	(v2sf) =	vpush v2, $0x2;
	s7 =	spop (v2sf)  }
0x6f: {  	s8 =	spop (v2sf)  }
0x70: {  	s5 =	spop (v2sf)  }
0x71: {  	(v2sf) =	vpush v0, $0x5;
	s9 =	spop (v2sf);
	v4 =	vadd.f32 v4, v5  }
0x72: {  	s31 =	simm.s32 $0x2B80;
	(v2sf) =	vpush v1, $0x5;
	s6 =	spop (v2sf)  }
0x73: {  	(v2sf) =	vpush v0, $0x6;
	s10 =	spop (v2sf);
	[tilespmem:s31+$0x0] =	vst v4  }
0x74: {  	(v2sf) =	vpush v1, $0x6;
	s11 =	spop (v2sf);
	v4 =	vld [tilespmem:s10+$0x0]  }
0x75: {  	(v2sf) =	vpush v0, $0x7;
	v5 =	vld [tilespmem:s11+$0x0]  }
0x76: {  	(v2sf) =	vpush v3, $0x3  }
0x77: {  	v6 =	vld [tilespmem:s7+$0x0];
	(v2sf) =	vpush v2, $0x3;
	s7 =	spop (v2sf)  }
0x78: {  	v7 =	vld [tilespmem:s8+$0x0];
	s12 =	spop (v2sf)  }
0x79: {  	s2 =	spop (v2sf)  }
0x7a: {  	(v2sf) =	vpush v1, $0x7;
	s19 =	spop (v2sf);
	v4 =	vadd.f32 v5, v4  }
0x7b: {  	(v2sf) =	vpush v0, $0x8;
	s18 =	spop (v2sf)  }
0x7c: {  	(v2sf) =	vpush v1, $0x8;
	s20 =	spop (v2sf);
	[tilespmem:s31+$0x80] =	vst v4  }
0x7d: {  	(v2sf) =	vpush v0, $0x9;
	s21 =	spop (v2sf);
	v4 =	vld [tilespmem:s20+$0x0]  }
0x7e: {  	(v2sf) =	vpush v1, $0x9;
	v5 =	vld [tilespmem:s21+$0x0]  }
0x7f: {  	(v2sf) =	vpush v3, $0x4  }
0x80: {  	v6 =	vadd.f32 v6, v7;
	s1 =	spop (v2sf);
	(v2sf) =	vpush v2, $0x4  }
0x81: {  	s17 =	spop (v2sf)  }
0x82: {  	[tilespmem:s31+$0xFFFFF800] =	vst v6;
	s4 =	spop (v2sf)  }
0x83: {  	v6 =	vld [tilespmem:s5+$0x0];
	(v2sf) =	vpush v0, $0xA;
	s16 =	spop (v2sf);
	v4 =	vadd.f32 v5, v4  }
0x84: {  	(v2sf) =	vpush v1, $0xA;
	s14 =	spop (v2sf);
	v5 =	vld [tilespmem:s9+$0x0]  }
0x85: {  	(v2sf) =	vpush v0, $0xB;
	s22 =	spop (v2sf);
	[tilespmem:s31+$0x100] =	vst v4  }
0x86: {  	(v2sf) =	vpush v1, $0xB;
	s23 =	spop (v2sf);
	v4 =	vld [tilespmem:s22+$0x0]  }
0x87: {  	(v2sf) =	vpush v0, $0xC;
	v7 =	vld [tilespmem:s23+$0x0]  }
0x88: {  	(v2sf) =	vpush v3, $0x5  }
0x89: {  	(v2sf) =	vpush v2, $0x5;
	s15 =	spop (v2sf);
	v5 =	vadd.f32 v5, v6  }
0x8a: {  	s13 =	spop (v2sf)  }
0x8b: {  	s11 =	spop (v2sf);
	[tilespmem:s31+$0xFFFFF880] =	vst v5  }
0x8c: {  	s0 =	spop (v2sf);
	v5 =	vld [tilespmem:s6+$0x0];
	v4 =	vadd.f32 v7, v4  }
0x8d: {  	(v2sf) =	vpush v1, $0xC;
	s10 =	spop (v2sf);
	v6 =	vld [tilespmem:s7+$0x0]  }
0x8e: {  	(v2sf) =	vpush v0, $0xD;
	s24 =	spop (v2sf);
	[tilespmem:s31+$0x180] =	vst v4  }
0x8f: {  	(v2sf) =	vpush v1, $0xD;
	s25 =	spop (v2sf);
	v4 =	vld [tilespmem:s24+$0x0]  }
0x90: {  	(v2sf) =	vpush v0, $0xE;
	v7 =	vld [tilespmem:s25+$0x0]  }
0x91: {  	(v2sf) =	vpush v1, $0xE  }
0x92: {  	(v2sf) =	vpush v3, $0x6;
	s9 =	spop (v2sf);
	v5 =	vadd.f32 v6, v5  }
0x93: {  	(v2sf) =	vpush v2, $0x6;
	s5 =	spop (v2sf)  }
0x94: {  	s29 =	spop (v2sf);
	[tilespmem:s31+$0xFFFFF900] =	vst v5  }
0x95: {  	s26 =	simm.s32 $0x17B0;
	s8 =	spop (v2sf);
	v5 =	vld [tilespmem:s12+$0x0];
	v4 =	vadd.f32 v7, v4  }
0x96: {  	s6 =	spop (v2sf);
	s12 =	simm.s32 $0x1BB0;
	v7 =	vld [tilespmem:s26+$0x0]  }
0x97: {  	s20 =	spop (v2sf);
	v6 =	vld [tilespmem:s12+$0x0];
	[tilespmem:s31+$0x200] =	vst v4  }
0x98: {  	(v2sf) =	vpush v0, $0xF;
	s21 =	spop (v2sf);
	v0 =	vld [tilespmem:s20+$0x0]  }
0x99: {  	(v2sf) =	vpush v1, $0xF;
	s20 =	simm.s32 $0x19B0;
	v1 =	vld [tilespmem:s21+$0x0]  }
0x9a: {  	v4 =	vld [tilespmem:s20+$0x0]  }
0x9b: {  	(v2sf) =	vpush v3, $0x7;
	v8 =	vld [tilespmem:s2+$0x0]  }
0x9c: {  	v9 =	vld [tilespmem:s26+$0xFFFFFFF0];
	(v2sf) =	vpush v2, $0x7;
	s7 =	spop (v2sf)  }
0x9d: {  	v11 =	vld [tilespmem:s12+$0xFFFFFFF0];
	s3 =	spop (v2sf);
	v7 =	vmul.u32 $0x1B, v7  }
0x9e: {  	v10 =	vld [tilespmem:s20+$0xFFFFFFF0];
	s2 =	spop (v2sf)  }
0x9f: {  	s12 =	spop (v2sf);
	v1 =	vadd.f32 v1, v0;
	v0 =	vadd.s32 v4, v7;
	v4 =	vshll.u32 v6, $0x4  }
0xa0: {  	v5 =	vadd.f32 v8, v5;
	s20 =	spop (v2sf);
	v6 =	vshll.u32 v0, $0x4;
	v0 =	vadd.s32 $0x270, v4  }
0xa1: {  	s21 =	spop (v2sf);
	[tilespmem:s31+$0x280] =	vst v1;
	v4 =	vmul.u32 $0x1B, v9;
	v1 =	vadd.s32 $0x300, v6;
	(v2sf) =	vpush v0, $0x0  }
0xa2: {  	s22 =	spop (v2sf);
	v6 =	vld [tilespmem:s21+$0x0];
	(v2sf) =	vpush v1, $0x0  }
0xa3: {  	[tilespmem:s31+$0xFFFFF980] =	vst v5;
	v5 =	vshll.u32 v11, $0x4;
	v7 =	vld [tilespmem:s22+$0x0];
	v4 =	vadd.s32 v10, v4;
	(v2sf) =	vpush v3, $0x8  }
0xa4: {  	v8 =	vld [tilespmem:s19+$0x0];
	v9 =	vshll.u32 v4, $0x4;
	v4 =	vadd.s32 $0x270, v5;
	(v2sf) =	vpush v2, $0x8  }
0xa5: {  	v10 =	vld [tilespmem:s18+$0x0];
	v5 =	vadd.s32 $0x300, v9;
	(v2sf) =	vpush v4, $0x0  }
0xa6: {  	(v2sf) =	vpush v5, $0x0  }
0xa7: {  	s23 =	spop (v2sf);
	(v2sf) =	vpush v5, $0x1  }
0xa8: {  	s24 =	spop (v2sf);
	[dreg:$0x8] =	wrdreg s23;
	v6 =	vadd.f32 v7, v6;
	(v2sf) =	vpush v4, $0x1  }
0xa9: {  	[dreg:$0x6] =	wrdreg s24;
	(v2sf) =	vpush v5, $0x2  }
0xaa: {  	s25 =	spop (v2sf);
	[tilespmem:s31+$0x300] =	vst v6;
	v6 =	vadd.f32 v10, v8;
	(v2sf) =	vpush v1, $0x1  }
0xab: {  	s26 =	spop (v2sf);
	v7 =	vld [tilespmem:s25+$0x0];
	(v2sf) =	vpush v0, $0x1  }
0xac: {  	v8 =	vld [tilespmem:s26+$0x0];
	[tilespmem:s31+$0xFFFFFA00] =	vst v6;
	(v2sf) =	vpush v3, $0x9  }
0xad: {  	v6 =	vld [tilespmem:s1+$0x0];
	(v2sf) =	vpush v2, $0x9  }
0xae: {  	v9 =	vld [tilespmem:s17+$0x0];
	(v2sf) =	vpush v4, $0x2  }
0xaf: {  	(v2sf) =	vpush v5, $0x3  }
0xb0: {  	(v2sf) =	vpush v4, $0x3;
	s19 =	spop (v2sf)  }
0xb1: {  	v7 =	vadd.f32 v8, v7;
	(v2sf) =	vpush v5, $0x4;
	s21 =	spop (v2sf)  }
0xb2: {  	v8 =	vld [tilespmem:s19+$0x0];
	(v2sf) =	vpush v4, $0x4;
	s22 =	spop (v2sf)  }
0xb3: {  	[tilespmem:s31+$0x380] =	vst v7;
	v6 =	vadd.f32 v9, v6;
	v10 =	vld [tilespmem:s21+$0x0];
	(v2sf) =	vpush v1, $0x2;
	s23 =	spop (v2sf)  }
0xb4: {  	v7 =	vld [tilespmem:s22+$0x0];
	s24 =	spop (v2sf);
	(v2sf) =	vpush v0, $0x2  }
0xb5: {  	[tilespmem:s31+$0xFFFFFA80] =	vst v6;
	v9 =	vld [tilespmem:s23+$0x0];
	s25 =	spop (v2sf);
	(v2sf) =	vpush v3, $0xA  }
0xb6: {  	v6 =	vld [tilespmem:s4+$0x0];
	s18 =	spop (v2sf);
	(v2sf) =	vpush v2, $0xA  }
0xb7: {  	v11 =	vld [tilespmem:s16+$0x0];
	s26 =	spop (v2sf);
	(v2sf) =	vpush v5, $0x5  }
0xb8: {  	v8 =	vadd.f32 v8, v10;
	s16 =	spop (v2sf);
	(v2sf) =	vpush v4, $0x5  }
0xb9: {  	s17 =	simm.s32 $0x3B80;
	v12 =	vld [tilespmem:s25+$0x0];
	(v2sf) =	vpush v5, $0x6;
	s19 =	spop (v2sf)  }
0xba: {  	v10 =	vld [tilespmem:s24+$0x0];
	[tilespmem:s17+$0x0] =	vst v8;
	v7 =	vadd.f32 v9, v7;
	(v2sf) =	vpush v4, $0x6;
	s21 =	spop (v2sf)  }
0xbb: {  	v8 =	vld [tilespmem:s19+$0x0];
	(v2sf) =	vpush v5, $0x7;
	s22 =	spop (v2sf)  }
0xbc: {  	v6 =	vadd.f32 v11, v6;
	v9 =	vld [tilespmem:s21+$0x0];
	[tilespmem:s31+$0x400] =	vst v7;
	(v2sf) =	vpush v1, $0x3;
	s23 =	spop (v2sf)  }
0xbd: {  	v7 =	vld [tilespmem:s22+$0x0];
	s24 =	spop (v2sf);
	(v2sf) =	vpush v0, $0x3  }
0xbe: {  	[tilespmem:s31+$0xFFFFFB00] =	vst v6;
	v11 =	vld [tilespmem:s23+$0x0];
	(v2sf) =	vpush v3, $0xB;
	s25 =	spop (v2sf)  }
0xbf: {  	v6 =	vadd.f32 v10, v12;
	v10 =	vld [tilespmem:s14+$0x0];
	(v2sf) =	vpush v2, $0xB;
	s14 =	spop (v2sf)  }
0xc0: {  	v12 =	vld [tilespmem:s15+$0x0];
	(v2sf) =	vpush v4, $0x7;
	s19 =	spop (v2sf)  }
0xc1: {  	[tilespmem:s17+$0xFFFFF800] =	vst v6;
	v6 =	vadd.f32 v9, v8;
	(v2sf) =	vpush v5, $0x8;
	s23 =	spop (v2sf)  }
0xc2: {  	v9 =	vld [tilespmem:s26+$0x0];
	(v2sf) =	vpush v4, $0x8;
	s26 =	spop (v2sf)  }
0xc3: {  	v8 =	vld [tilespmem:s18+$0x0];
	[tilespmem:s17+$0x80] =	vst v6;
	v6 =	vadd.f32 v11, v7;
	(v2sf) =	vpush v5, $0x9;
	s4 =	spop (v2sf)  }
0xc4: {  	v7 =	vld [tilespmem:s26+$0x0];
	(v2sf) =	vpush v4, $0x9;
	s15 =	spop (v2sf)  }
0xc5: {  	v10 =	vadd.f32 v12, v10;
	v11 =	vld [tilespmem:s4+$0x0];
	[tilespmem:s31+$0x480] =	vst v6;
	(v2sf) =	vpush v1, $0x4;
	s18 =	spop (v2sf)  }
0xc6: {  	v6 =	vld [tilespmem:s15+$0x0];
	(v2sf) =	vpush v0, $0x4;
	s1 =	spop (v2sf)  }
0xc7: {  	[tilespmem:s31+$0xFFFFFB80] =	vst v10;
	v12 =	vld [tilespmem:s18+$0x0];
	(v2sf) =	vpush v3, $0xC;
	s15 =	spop (v2sf)  }
0xc8: {  	v10 =	vld [tilespmem:s11+$0x0];
	v8 =	vadd.f32 v9, v8;
	(v2sf) =	vpush v2, $0xC;
	s4 =	spop (v2sf)  }
0xc9: {  	v9 =	vld [tilespmem:s13+$0x0];
	(v2sf) =	vpush v5, $0xA;
	s30 =	spop (v2sf)  }
0xca: {  	[tilespmem:s17+$0xFFFFF880] =	vst v8;
	v7 =	vadd.f32 v11, v7;
	(v2sf) =	vpush v4, $0xA;
	s18 =	spop (v2sf)  }
0xcb: {  	v8 =	vld [tilespmem:s16+$0x0];
	(v2sf) =	vpush v5, $0xB;
	s22 =	spop (v2sf)  }
0xcc: {  	v11 =	vld [tilespmem:s24+$0x0];
	[tilespmem:s17+$0x100] =	vst v7;
	v6 =	vadd.f32 v12, v6;
	s24 =	spop (v2sf)  }
0xcd: {  	v7 =	vld [tilespmem:s22+$0x0];
	(v2sf) =	vpush v4, $0xB;
	s26 =	spop (v2sf)  }
0xce: {  	v9 =	vadd.f32 v10, v9;
	v12 =	vld [tilespmem:s24+$0x0];
	(v2sf) =	vpush v5, $0xC;
	[tilespmem:s31+$0x500] =	vst v6;
	s13 =	spop (v2sf)  }
0xcf: {  	v6 =	vld [tilespmem:s26+$0x0];
	s21 =	spop (v2sf)  }
0xd0: {  	[tilespmem:s31+$0xFFFFFC00] =	vst v9;
	v10 =	vld [tilespmem:s13+$0x0];
	s24 =	spop (v2sf)  }
0xd1: {  	v9 =	vld [tilespmem:s0+$0x0];
	v8 =	vadd.f32 v11, v8;
	s22 =	spop (v2sf)  }
0xd2: {  	(v2sf) =	vpush v1, $0x5;
	v11 =	vld [tilespmem:s10+$0x0];
	s16 =	spop (v2sf)  }
0xd3: {  	(v2sf) =	vpush v0, $0x5;
	[tilespmem:s17+$0xFFFFF900] =	vst v8;
	s13 =	spop (v2sf)  }
0xd4: {  	(v2sf) =	vpush v3, $0xD;
	v7 =	vadd.f32 v12, v7;
	v12 =	vld [tilespmem:s14+$0x0];
	s14 =	spop (v2sf)  }
0xd5: {  	v8 =	vld [tilespmem:s25+$0x0];
	(v2sf) =	vpush v2, $0xD;
	v6 =	vadd.f32 v10, v6;
	s25 =	spop (v2sf)  }
0xd6: {  	[tilespmem:s17+$0x180] =	vst v7;
	(v2sf) =	vpush v4, $0xC;
	s26 =	spop (v2sf)  }
0xd7: {  	v9 =	vadd.f32 v11, v9;
	v7 =	vld [tilespmem:s14+$0x0];
	(v2sf) =	vpush v5, $0xD;
	[tilespmem:s31+$0x580] =	vst v6;
	s10 =	spop (v2sf)  }
0xd8: {  	(v2sf) =	vpush v4, $0xD;
	v11 =	vld [tilespmem:s10+$0x0];
	s10 =	spop (v2sf)  }
0xd9: {  	[tilespmem:s31+$0xFFFFFC80] =	vst v9;
	v10 =	vld [tilespmem:s25+$0x0];
	(v2sf) =	vpush v5, $0xE;
	s0 =	spop (v2sf)  }
0xda: {  	v9 =	vld [tilespmem:s9+$0x0];
	v8 =	vadd.f32 v12, v8;
	(v2sf) =	vpush v4, $0xE;
	s11 =	spop (v2sf)  }
0xdb: {  	v6 =	vld [tilespmem:s26+$0x0];
	[dreg:$0x11] =	wrdreg s11  }
0xdc: {  	(v2sf) =	vpush v1, $0x6;
	s14 =	spop (v2sf);
	[tilespmem:s17+$0xFFFFF980] =	vst v8  }
0xdd: {  	(v2sf) =	vpush v0, $0x6;
	v12 =	vld [tilespmem:s5+$0x0];
	s25 =	spop (v2sf);
	[dreg:$0x14] =	wrdreg s14  }
0xde: {  	(v2sf) =	vpush v3, $0xE;
	v8 =	vld [tilespmem:s19+$0x0];
	[dreg:$0xc] =	wrdreg s25  }
0xdf: {  	v7 =	vadd.f32 v10, v7;
	(v2sf) =	vpush v2, $0xE;
	s14 =	simm.s32 $0x1BD0;
	v10 =	vld [tilespmem:s23+$0x0]  }
0xe0: {  	(v2sf) =	vpush v5, $0xF;
	s25 =	simm.s32 $0x19D0;
	v13 =	vld [tilespmem:s14+$0x0]  }
0xe1: {  	s26 =	spop (v2sf);
	(v2sf) =	vpush v4, $0xF;
	[tilespmem:s17+$0x200] =	vst v7;
	v4 =	vld [tilespmem:s25+$0x0]  }
0xe2: {  	v6 =	vadd.f32 v11, v6;
	s9 =	spop (v2sf);
	s23 =	simm.s32 $0x17D0;
	v7 =	vld [tilespmem:s26+$0x0]  }
0xe3: {  	s11 =	spop (v2sf);
	v5 =	vld [tilespmem:s23+$0x0]  }
0xe4: {  	[tilespmem:s31+$0x600] =	vst v6;
	v11 =	vld [tilespmem:s9+$0x0];
	s19 =	spop (v2sf)  }
0xe5: {  	(v2sf) =	vpush v1, $0x7;
	v14 =	vld [tilespmem:s19+$0x0];
	s19 =	spop (v2sf)  }
0xe6: {  	v6 =	vld [tilespmem:s11+$0x0];
	(v2sf) =	vpush v0, $0x7;
	v8 =	vadd.f32 v10, v8;
	s26 =	spop (v2sf)  }
0xe7: {  	v10 =	vld [tilespmem:s23+$0xFFFFFFF0];
	[dreg:$0x10] =	wrdreg s26;
	s28 =	spop (v2sf)  }
0xe8: {  	(v2sf) =	vpush v3, $0xF;
	v3 =	vmul.u32 $0x1B, v5;
	v15 =	vld [tilespmem:s14+$0xFFFFFFF0];
	[tilespmem:s17+$0xFFFFFA00] =	vst v8;
	s11 =	spop (v2sf)  }
0xe9: {  	(v2sf) =	vpush v2, $0xF;
	v7 =	vadd.f32 v11, v7;
	v5 =	vld [tilespmem:s25+$0xFFFFFFF0];
	[dreg:$0xa] =	wrdreg s11;
	s14 =	spop (v2sf)  }
0xea: {  	v2 =	vadd.s32 v4, v3;
	v3 =	vshll.u32 v13, $0x4;
	v8 =	vld [tilespmem:s1+$0x0];
	[dreg:$0xd] =	wrdreg s14  }
0xeb: {  	v4 =	vshll.u32 v2, $0x4;
	v2 =	vadd.s32 $0x270, v3;
	v6 =	vadd.f32 v14, v6;
	s26 =	spop (v2sf);
	v11 =	vld [tilespmem:s15+$0x0];
	[tilespmem:s17+$0x280] =	vst v7  }
0xec: {  	v10 =	vmul.u32 $0x1B, v10;
	v3 =	vadd.s32 $0x300, v4;
	(v2sf) =	vpush v2, $0x0;
	s5 =	spop (v2sf);
	v7 =	vld [tilespmem:s26+$0x0]  }
0xed: {  	v9 =	vadd.f32 v12, v9;
	v13 =	vld [tilespmem:s5+$0x0];
	(v2sf) =	vpush v3, $0x0  }
0xee: {  	[tilespmem:s31+$0x680] =	vst v6;
	s9 =	spop (v2sf);
	v4 =	vadd.s32 v5, v10;
	v5 =	vshll.u32 v15, $0x4;
	(v2sf) =	vpush v1, $0x8  }
0xef: {  	v6 =	vld [tilespmem:s9+$0x0];
	s11 =	spop (v2sf);
	v10 =	vshll.u32 v4, $0x4;
	v4 =	vadd.s32 $0x270, v5;
	(v2sf) =	vpush v0, $0x8  }
0xf0: {  	[tilespmem:s31+$0xFFFFFD00] =	vst v9;
	v12 =	vld [tilespmem:s11+$0x0];
	v5 =	vadd.s32 $0x300, v10;
	(v2sf) =	vpush v4, $0x0  }
0xf1: {  	v9 =	vld [tilespmem:s29+$0x0];
	s14 =	spop (v2sf);
	v8 =	vadd.f32 v11, v8;
	(v2sf) =	vpush v5, $0x0  }
0xf2: {  	v10 =	vld [tilespmem:s8+$0x0];
	[dreg:$0x16] =	wrdreg s14;
	(v2sf) =	vpush v5, $0x1;
	v7 =	vadd.f32 v13, v7  }
0xf3: {  	s26 =	spop (v2sf);
	[tilespmem:s17+$0xFFFFFA80] =	vst v8;
	(v2sf) =	vpush v4, $0x1  }
0xf4: {  	s15 =	spop (v2sf);
	v11 =	vld [tilespmem:s4+$0x0];
	(v2sf) =	vpush v5, $0x2;
	[tilespmem:s17+$0x300] =	vst v7  }
0xf5: {  	s29 =	spop (v2sf);
	v6 =	vadd.f32 v12, v6;
	v7 =	vld [tilespmem:s15+$0x0];
	(v2sf) =	vpush v3, $0x1  }
0xf6: {  	v12 =	vld [tilespmem:s29+$0x0];
	(v2sf) =	vpush v2, $0x1  }
0xf7: {  	v13 =	vld [tilespmem:s30+$0x0];
	s4 =	spop (v2sf);
	v9 =	vadd.f32 v10, v9;
	[tilespmem:s31+$0x700] =	vst v6;
	(v2sf) =	vpush v1, $0x9  }
0xf8: {  	s5 =	spop (v2sf);
	v6 =	vld [tilespmem:s4+$0x0];
	(v2sf) =	vpush v0, $0x9  }
0xf9: {  	v8 =	vld [tilespmem:s5+$0x0];
	[tilespmem:s31+$0xFFFFFD80] =	vst v9;
	(v2sf) =	vpush v4, $0x2  }
0xfa: {  	v9 =	vld [tilespmem:s6+$0x0];
	(v2sf) =	vpush v5, $0x3  }
0xfb: {  	v10 =	vld [tilespmem:s7+$0x0];
	v7 =	vadd.f32 v12, v7;
	(v2sf) =	vpush v4, $0x3;
	s8 =	spop (v2sf)  }
0xfc: {  	v12 =	vld [tilespmem:s8+$0x0];
	(v2sf) =	vpush v5, $0x4;
	s9 =	spop (v2sf)  }
0xfd: {  	[tilespmem:s17+$0x380] =	vst v7;
	v14 =	vld [tilespmem:s9+$0x0];
	(v2sf) =	vpush v4, $0x4;
	s11 =	spop (v2sf)  }
0xfe: {  	v7 =	vld [tilespmem:s11+$0x0];
	(v2sf) =	vpush v3, $0x2;
	s14 =	spop (v2sf)  }
0xff: {  	v11 =	vadd.f32 v13, v11;
	v15 =	vld [tilespmem:s14+$0x0];
	(v2sf) =	vpush v2, $0x2;
	s15 =	spop (v2sf)  }
0x100: {  	v13 =	vld [tilespmem:s15+$0x0];
	(v2sf) =	vpush v1, $0xA;
	s29 =	spop (v2sf)  }
0x101: {  	[tilespmem:s17+$0xFFFFFB00] =	vst v11;
	v9 =	vadd.f32 v10, v9;
	v16 =	vld [tilespmem:s29+$0x0];
	(v2sf) =	vpush v0, $0xA;
	s4 =	spop (v2sf)  }
0x102: {  	v10 =	vld [tilespmem:s18+$0x0];
	v11 =	vadd.f32 v12, v14;
	s6 =	spop (v2sf)  }
0x103: {  	[tilespmem:s31+$0xFFFFFE00] =	vst v9;
	(v2sf) =	vpush v5, $0x5;
	v12 =	vld [tilespmem:s21+$0x0];
	s21 =	simm.s32 $0x4B80;
	s5 =	spop (v2sf)  }
0x104: {  	v9 =	vld [tilespmem:s3+$0x0];
	(v2sf) =	vpush v4, $0x5;
	[tilespmem:s21+$0x0] =	vst v11;
	v7 =	vadd.f32 v15, v7;
	s7 =	spop (v2sf)  }
0x105: {  	(v2sf) =	vpush v5, $0x6;
	v11 =	vld [tilespmem:s7+$0x0];
	s8 =	spop (v2sf)  }
0x106: {  	(v2sf) =	vpush v4, $0x6;
	v14 =	vld [tilespmem:s8+$0x0];
	v13 =	vadd.f32 v13, v16;
	[tilespmem:s17+$0x400] =	vst v7;
	s9 =	spop (v2sf)  }
0x107: {  	(v2sf) =	vpush v5, $0x7;
	v7 =	vld [tilespmem:s9+$0x0];
	s11 =	spop (v2sf)  }
0x108: {  	(v2sf) =	vpush v3, $0x3;
	v15 =	vld [tilespmem:s11+$0x0];
	[tilespmem:s21+$0xFFFFF800] =	vst v13;
	s14 =	spop (v2sf)  }
0x109: {  	v10 =	vadd.f32 v12, v10;
	(v2sf) =	vpush v2, $0x3;
	v12 =	vld [tilespmem:s4+$0x0];
	s15 =	spop (v2sf)  }
0x10a: {  	(v2sf) =	vpush v1, $0xB;
	v13 =	vld [tilespmem:s6+$0x0];
	s18 =	spop (v2sf)  }
0x10b: {  	v62 =	vld [tilespmem:s2+$0x0];
	[tilespmem:s17+$0xFFFFFB80] =	vst v10;
	v11 =	vadd.f32 v14, v11;
	s6 =	spop (v2sf)  }
0x10c: {  	v10 =	vld [tilespmem:s24+$0x0];
	s1 =	spop (v2sf)  }
0x10d: {  	(v2sf) =	vpush v0, $0xB;
	v14 =	vld [tilespmem:s22+$0x0];
	[tilespmem:s21+$0x80] =	vst v11;
	v7 =	vadd.f32 v15, v7;
	s22 =	spop (v2sf)  }
0x10e: {  	v11 =	vld [tilespmem:s22+$0x0];
	s24 =	spop (v2sf)  }
0x10f: {  	v12 =	vadd.f32 v13, v12;
	v15 =	vld [tilespmem:s24+$0x0];
	[tilespmem:s17+$0x480] =	vst v7;
	s29 =	spop (v2sf)  }
0x110: {  	(v2sf) =	vpush v4, $0x7;
	v7 =	vld [tilespmem:s29+$0x0];
	s4 =	spop (v2sf)  }
0x111: {  	(v2sf) =	vpush v5, $0x8;
	[tilespmem:s21+$0xFFFFF880] =	vst v12;
	v13 =	vld [tilespmem:s4+$0x0]  }
0x112: {  	v9 =	vadd.f32 v62, v9;
	(v2sf) =	vpush v4, $0x8;
	s30 =	spop (v2sf);
	v12 =	vld [tilespmem:s5+$0x0]  }
0x113: {  	(v2sf) =	vpush v5, $0x9;
	v10 =	vadd.f32 v14, v10;
	v14 =	vld [tilespmem:s14+$0x0];
	s5 =	spop (v2sf)  }
0x114: {  	[tilespmem:s31+$0xFFFFFE80] =	vst v9;
	(v2sf) =	vpush v4, $0x9;
	s24 =	spop (v2sf)  }
0x115: {  	v63 =	vld [tilespmem:s12+$0x0];
	(v2sf) =	vpush v3, $0x4;
	[tilespmem:s17+$0xFFFFFC00] =	vst v10;
	v11 =	vadd.f32 v15, v11;
	s4 =	spop (v2sf)  }
0x116: {  	(v2sf) =	vpush v2, $0x4;
	v10 =	vld [tilespmem:s16+$0x0];
	s8 =	spop (v2sf)  }
0x117: {  	(v2sf) =	vpush v1, $0xC;
	v15 =	vld [tilespmem:s13+$0x0];
	[tilespmem:s21+$0x100] =	vst v11;
	v7 =	vadd.f32 v13, v7;
	s9 =	spop (v2sf)  }
0x118: {  	(v2sf) =	vpush v0, $0xC;
	v12 =	vadd.f32 v14, v12;
	v9 =	vld [tilespmem:s9+$0x0];
	s11 =	spop (v2sf)  }
0x119: {  	(v2sf) =	vpush v5, $0xA;
	v11 =	vld [tilespmem:s11+$0x0];
	[tilespmem:s17+$0x500] =	vst v7;
	s12 =	spop (v2sf)  }
0x11a: {  	(v2sf) =	vpush v4, $0xA;
	[tilespmem:s21+$0xFFFFF900] =	vst v12;
	v7 =	vld [tilespmem:s12+$0x0]  }
0x11b: {  	(v2sf) =	vpush v5, $0xB;
	v12 =	vld [tilespmem:s15+$0x0]  }
0x11c: {  	(v2sf) =	vpush v4, $0xB;
	s13 =	spop (v2sf);
	v14 =	vld [tilespmem:s18+$0x0]  }
0x11d: {  	(v2sf) =	vpush v5, $0xC;
	v13 =	vld [tilespmem:s13+$0x0]  }
0x11e: {  	v6 =	vadd.f32 v8, v6;
	(v2sf) =	vpush v3, $0x5  }
0x11f: {  	v10 =	vadd.f32 v15, v10;
	(v2sf) =	vpush v2, $0x5;
	s22 =	spop (v2sf)  }
0x120: {  	[tilespmem:s31+$0x780] =	vst v6;
	(v2sf) =	vpush v1, $0xD;
	s12 =	spop (v2sf);
	v9 =	vadd.f32 v11, v9  }
0x121: {  	[tilespmem:s17+$0xFFFFFC80] =	vst v10;
	(v2sf) =	vpush v0, $0xD;
	s13 =	spop (v2sf);
	v12 =	vadd.f32 v14, v12  }
0x122: {  	v15 =	vld [tilespmem:s10+$0x0];
	(v2sf) =	vpush v4, $0xC;
	s2 =	spop (v2sf);
	[tilespmem:s21+$0x180] =	vst v9;
	v7 =	vadd.f32 v13, v7  }
0x123: {  	v11 =	vld [tilespmem:s0+$0x0];
	(v2sf) =	vpush v5, $0xD;
	s3 =	spop (v2sf);
	[tilespmem:s21+$0xFFFFF980] =	vst v12  }
0x124: {  	v17 =	vld [tilespmem:s20+$0x0];
	(v2sf) =	vpush v4, $0xD;
	s14 =	spop (v2sf);
	[tilespmem:s17+$0x580] =	vst v7  }
0x125: {  	v9 =	vld [tilespmem:s14+$0x0];
	(v2sf) =	vpush v5, $0xE;
	s15 =	spop (v2sf);
	s29 =	sld [smem:$0x7FB]  }
0x126: {  	v10 =	vld [tilespmem:s15+$0x0];
	(v2sf) =	vpush v4, $0xE;
	s16 =	spop (v2sf)  }
0x127: {  	v7 =	vld [tilespmem:s16+$0x0];
	(v2sf) =	vpush v3, $0x6;
	s18 =	spop (v2sf);
	s20 =	rddreg [dreg:$0x18]  }
0x128: {  	v13 =	vadd.f32 v11, v15;
	v11 =	vld [tilespmem:s6+$0x0];
	(v2sf) =	vpush v2, $0x6;
	s0 =	spop (v2sf);
	s6 =	sadd.s32 s20, s29  }
0x129: {  	s31 =	simm.s32 $0x1BF0;
	v8 =	vld [tilespmem:s18+$0x0];
	(v2sf) =	vpush v1, $0xE;
	s7 =	spop (v2sf);
	[smem:$0x7FC] =	sst s6  }
0x12a: {  	v6 =	vadd.f32 v17, v63;
	s15 =	simm.s32 $0x2B80;
	(v2sf) =	vpush v0, $0xE;
	s9 =	spop (v2sf);
	s6 =	simm.s32 $0x4;
	v12 =	vld [tilespmem:s1+$0x0];
	[tilespmem:s17+$0xFFFFFD00] =	vst v13  }
.LBB2_5:
0x12b: {  	_ =	sdelay $0x1  }
0x12c: {  	v13 =	vld [tilespmem:s31+$0x0];
	s25 =	sadd.s32 $0x20, s25;
	s14 =	spop (v2sf);
	v9 =	vadd.f32 v10, v9  }
0x12d: {  	(v2sf) =	vpush v5, $0xF;
	s23 =	sadd.s32 $0x20, s23;
	[tilespmem:s15+$0xFFFFFF00] =	vst v6;
	v5 =	vld [tilespmem:s25+$0x0];
	s1 =	spop (v2sf)  }
0x12e: {  	(v2sf) =	vpush v4, $0xF;
	v4 =	vld [tilespmem:s23+$0x0];
	s10 =	spop (v2sf);
	v6 =	vadd.f32 v8, v7;
	[tilespmem:s21+$0x200] =	vst v9  }
0x12f: {  	s18 =	smov.u32 s15;
	s15 =	spop (v2sf);
	v7 =	vld [tilespmem:s10+$0x0]  }
0x130: {  	v8 =	vadd.f32 v12, v11;
	s16 =	spop (v2sf);
	v9 =	vld [tilespmem:s15+$0x0];
	[tilespmem:s17+$0x600] =	vst v6  }
0x131: {  	s20 =	spop (v2sf);
	v6 =	vld [tilespmem:s16+$0x0]  }
0x132: {  	[tilespmem:s21+$0xFFFFFA00] =	vst v8;
	s11 =	spop (v2sf);
	v8 =	vld [tilespmem:s20+$0x0]  }
0x133: {  	(v2sf) =	vpush v3, $0x7;
	v10 =	vld [tilespmem:s23+$0xFFFFFFF0];
	s10 =	spop (v2sf)  }
0x134: {  	(v2sf) =	vpush v2, $0x7;
	v11 =	vld [tilespmem:s25+$0xFFFFFFF0];
	s15 =	spop (v2sf)  }
0x135: {  	(v2sf) =	vpush v1, $0xF;
	v1 =	vmovc v3;
	v3 =	vmul.u32 $0x1B, v4;
	v4 =	vld [tilespmem:s31+$0xFFFFFFF0];
	s16 =	spop (v2sf);
	v7 =	vadd.f32 v9, v7  }
0x136: {  	v12 =	vld [tilespmem:s5+$0x0];
	(v2sf) =	vpush v0, $0xF;
	s20 =	spop (v2sf)  }
0x137: {  	v9 =	vld [tilespmem:s30+$0x0];
	s29 =	spop (v2sf);
	v6 =	vadd.f32 v8, v6;
	[tilespmem:s21+$0x280] =	vst v7  }
0x138: {  	v0 =	vmov v2;
	v2 =	vadd.s32 v5, v3;
	v3 =	vshll.u32 v13, $0x4;
	v8 =	vld [tilespmem:s29+$0x0];
	s29 =	spop (v2sf)  }
0x139: {  	v5 =	vshll.u32 v2, $0x4;
	v2 =	vadd.s32 $0x270, v3;
	v7 =	vmul.u32 $0x1B, v10;
	v10 =	vld [tilespmem:s29+$0x0];
	[tilespmem:s17+$0x680] =	vst v6;
	s29 =	spop (v2sf)  }
0x13a: {  	v3 =	vadd.s32 $0x300, v5;
	(v2sf) =	vpush v2, $0x0;
	v6 =	vld [tilespmem:s29+$0x0];
	s29 =	spop (v2sf)  }
0x13b: {  	v4 =	vshll.u32 v4, $0x4;
	(v2sf) =	vpush v3, $0x0;
	v5 =	vadd.s32 v11, v7;
	v7 =	vld [tilespmem:s29+$0x0];
	s29 =	smov.u32 s28;
	s28 =	smov.u32 s26;
	s26 =	rddreg [dreg:$0x11]  }
0x13c: {  	v4 =	vadd.s32 $0x270, v4;
	(v2sf) =	vpush v1, $0x8;
	v11 =	vld [tilespmem:s26+$0x0];
	s26 =	smov.u32 s9  }
0x13d: {  	v5 =	vshll.u32 v5, $0x4;
	v9 =	vadd.f32 v12, v9;
	s30 =	spop (v2sf);
	(v2sf) =	vpush v0, $0x8;
	[dreg:$0x11] =	wrdreg s26  }
0x13e: {  	v5 =	vadd.s32 $0x300, v5;
	(v2sf) =	vpush v4, $0x0;
	s26 =	rddreg [dreg:$0x14]  }
0x13f: {  	s5 =	spop (v2sf);
	s9 =	rddreg [dreg:$0x16];
	(v2sf) =	vpush v5, $0x0;
	v12 =	vld [tilespmem:s26+$0x0];
	s26 =	smov.u32 s14;
	[tilespmem:s21+$0xFFFFFA80] =	vst v9  }
0x140: {  	(v2sf) =	vpush v5, $0x1;
	v8 =	vadd.f32 v10, v8;
	[dreg:$0x14] =	wrdreg s26;
	v10 =	vld [tilespmem:s24+$0x0]  }
0x141: {  	s26 =	rddreg [dreg:$0x8];
	(v2sf) =	vpush v4, $0x1;
	v13 =	vld [tilespmem:s4+$0x0]  }
0x142: {  	s24 =	spop (v2sf);
	v9 =	vld [tilespmem:s26+$0x0];
	s26 =	smov.u32 s9;
	(v2sf) =	vpush v5, $0x2;
	[tilespmem:s21+$0x300] =	vst v8;
	v6 =	vadd.f32 v7, v6  }
0x143: {  	[dreg:$0x8] =	wrdreg s26;
	(v2sf) =	vpush v3, $0x1;
	v7 =	vld [tilespmem:s24+$0x0];
	s26 =	spop (v2sf)  }
0x144: {  	s14 =	smov.u32 s30;
	(v2sf) =	vpush v2, $0x1;
	v8 =	vld [tilespmem:s26+$0x0];
	[tilespmem:s17+$0x700] =	vst v6;
	s9 =	spop (v2sf);
	v11 =	vadd.f32 v12, v11  }
0x145: {  	[dreg:$0x16] =	wrdreg s14;
	(v2sf) =	vpush v1, $0x9;
	v6 =	vld [tilespmem:s9+$0x0];
	s14 =	spop (v2sf)  }
0x146: {  	s24 =	rddreg [dreg:$0xc];
	(v2sf) =	vpush v0, $0x9;
	v10 =	vadd.f32 v13, v10;
	[tilespmem:s17+$0xFFFFFD80] =	vst v11;
	v11 =	vld [tilespmem:s14+$0x0]  }
0x147: {  	(v2sf) =	vpush v4, $0x2;
	v12 =	vld [tilespmem:s24+$0x0]  }
0x148: {  	(v2sf) =	vpush v5, $0x3;
	v13 =	vld [tilespmem:s19+$0x0];
	s19 =	smov.u32 s11;
	[tilespmem:s21+$0xFFFFFB00] =	vst v10;
	s11 =	rddreg [dreg:$0x6]  }
0x149: {  	s9 =	spop (v2sf);
	(v2sf) =	vpush v4, $0x3;
	v7 =	vadd.f32 v8, v7;
	v8 =	vld [tilespmem:s11+$0x0]  }
0x14a: {  	v10 =	vld [tilespmem:s9+$0x0];
	s24 =	spop (v2sf);
	(v2sf) =	vpush v5, $0x4  }
0x14b: {  	s26 =	smov.u32 s1;
	v14 =	vld [tilespmem:s24+$0x0];
	s4 =	spop (v2sf);
	(v2sf) =	vpush v4, $0x4;
	[tilespmem:s21+$0x380] =	vst v7  }
0x14c: {  	[dreg:$0xc] =	wrdreg s26;
	s26 =	smov.u32 s5;
	v6 =	vadd.f32 v11, v6;
	(v2sf) =	vpush v3, $0x2;
	v7 =	vld [tilespmem:s4+$0x0];
	s5 =	spop (v2sf)  }
0x14d: {  	s9 =	spop (v2sf);
	(v2sf) =	vpush v2, $0x2;
	v11 =	vld [tilespmem:s5+$0x0];
	v12 =	vadd.f32 v13, v12  }
0x14e: {  	[tilespmem:s17+$0x780] =	vst v6;
	v6 =	vld [tilespmem:s9+$0x0];
	s11 =	spop (v2sf);
	(v2sf) =	vpush v1, $0xA;
	v8 =	vadd.f32 v8, v9  }
0x14f: {  	s14 =	smov.u32 s28;
	v9 =	vld [tilespmem:s11+$0x0];
	s1 =	spop (v2sf);
	(v2sf) =	vpush v0, $0xA;
	[tilespmem:s17+$0xFFFFFE00] =	vst v12  }
0x150: {  	v10 =	vadd.f32 v10, v14;
	s5 =	spop (v2sf);
	(v2sf) =	vpush v5, $0x5;
	v12 =	vld [tilespmem:s8+$0x0];
	[tilespmem:s18+$0xFFFFFF80] =	vst v8;
	s18 =	smov.u32 s17;
	s17 =	smov.u32 s21  }
0x151: {  	s21 =	sadd.s32 $0x1000, s21;
	s4 =	spop (v2sf);
	(v2sf) =	vpush v4, $0x5;
	v8 =	vld [tilespmem:s22+$0x0];
	s22 =	rddreg [dreg:$0x10]  }
0x152: {  	[dreg:$0x6] =	wrdreg s14;
	[tilespmem:s21+$0x0] =	vst v10;
	(v2sf) =	vpush v5, $0x6;
	s14 =	spop (v2sf);
	v7 =	vadd.f32 v11, v7;
	v10 =	vld [tilespmem:s22+$0x0]  }
0x153: {  	s24 =	smov.u32 s10;
	v11 =	vld [tilespmem:s14+$0x0];
	(v2sf) =	vpush v4, $0x6;
	s10 =	spop (v2sf)  }
0x154: {  	v6 =	vadd.f32 v6, v9;
	v9 =	vld [tilespmem:s10+$0x0];
	(v2sf) =	vpush v5, $0x7;
	[tilespmem:s17+$0x400] =	vst v7;
	s11 =	spop (v2sf)  }
0x155: {  	(v2sf) =	vpush v3, $0x3;
	v7 =	vld [tilespmem:s11+$0x0];
	s14 =	spop (v2sf)  }
0x156: {  	[tilespmem:s21+$0xFFFFF800] =	vst v6;
	s22 =	spop (v2sf);
	(v2sf) =	vpush v2, $0x3;
	v6 =	vadd.f32 v8, v12;
	v8 =	vld [tilespmem:s14+$0x0]  }
0x157: {  	v12 =	vld [tilespmem:s1+$0x0];
	s1 =	spop (v2sf);
	(v2sf) =	vpush v1, $0xB  }
0x158: {  	v13 =	vld [tilespmem:s5+$0x0];
	s11 =	spop (v2sf);
	[tilespmem:s17+$0xFFFFFB80] =	vst v6;
	(v2sf) =	vpush v0, $0xB  }
0x159: {  	v6 =	vadd.f32 v9, v11;
	s10 =	spop (v2sf);
	v9 =	vld [tilespmem:s12+$0x0]  }
0x15a: {  	(v2sf) =	vpush v4, $0x7;
	v11 =	vld [tilespmem:s13+$0x0];
	s9 =	spop (v2sf)  }
0x15b: {  	[dreg:$0x10] =	wrdreg s24;
	(v2sf) =	vpush v5, $0x8;
	[tilespmem:s21+$0x80] =	vst v6;
	s24 =	spop (v2sf);
	v6 =	vadd.f32 v8, v7;
	v7 =	vld [tilespmem:s29+$0x0]  }
0x15c: {  	(v2sf) =	vpush v4, $0x8;
	v8 =	vld [tilespmem:s24+$0x0];
	s29 =	spop (v2sf)  }
0x15d: {  	(v2sf) =	vpush v5, $0x9;
	v12 =	vadd.f32 v13, v12;
	v13 =	vld [tilespmem:s29+$0x0];
	[tilespmem:s17+$0x480] =	vst v6;
	s8 =	spop (v2sf)  }
0x15e: {  	(v2sf) =	vpush v4, $0x9;
	v6 =	vld [tilespmem:s8+$0x0];
	s12 =	spop (v2sf)  }
0x15f: {  	(v2sf) =	vpush v3, $0x4;
	[tilespmem:s21+$0xFFFFF880] =	vst v12;
	v9 =	vadd.f32 v11, v9;
	s30 =	spop (v2sf);
	v11 =	vld [tilespmem:s12+$0x0]  }
0x160: {  	(v2sf) =	vpush v2, $0x4;
	v12 =	vld [tilespmem:s4+$0x0];
	s5 =	spop (v2sf);
	v7 =	vadd.f32 v7, v10  }
0x161: {  	(v2sf) =	vpush v1, $0xC;
	v10 =	vld [tilespmem:s22+$0x0];
	[tilespmem:s17+$0xFFFFFC00] =	vst v9;
	s24 =	spop (v2sf)  }
0x162: {  	(v2sf) =	vpush v0, $0xC;
	v9 =	vld [tilespmem:s2+$0x0];
	v8 =	vadd.f32 v13, v8;
	s4 =	spop (v2sf);
	[tilespmem:s18+$0xFFFFFE80] =	vst v7  }
0x163: {  	s14 =	rddreg [dreg:$0xa];
	(v2sf) =	vpush v5, $0xA;
	s8 =	spop (v2sf);
	v7 =	vld [tilespmem:s3+$0x0]  }
0x164: {  	(v2sf) =	vpush v4, $0xA;
	v13 =	vld [tilespmem:s14+$0x0];
	[tilespmem:s21+$0x100] =	vst v8;
	s13 =	spop (v2sf);
	v6 =	vadd.f32 v11, v6  }
0x165: {  	(v2sf) =	vpush v5, $0xB;
	v8 =	vld [tilespmem:s13+$0x0];
	s22 =	spop (v2sf)  }
0x166: {  	(v2sf) =	vpush v4, $0xB;
	v10 =	vadd.f32 v10, v12;
	v11 =	vld [tilespmem:s22+$0x0];
	[tilespmem:s17+$0x500] =	vst v6;
	s29 =	spop (v2sf)  }
0x167: {  	(v2sf) =	vpush v5, $0xC;
	v6 =	vld [tilespmem:s29+$0x0];
	s3 =	spop (v2sf)  }
0x168: {  	(v2sf) =	vpush v3, $0x5;
	[tilespmem:s21+$0xFFFFF900] =	vst v10;
	v7 =	vadd.f32 v7, v9;
	v9 =	vld [tilespmem:s3+$0x0]  }
0x169: {  	s22 =	spop (v2sf);
	(v2sf) =	vpush v2, $0x5;
	v10 =	vld [tilespmem:s1+$0x0]  }
0x16a: {  	v12 =	vld [tilespmem:s11+$0x0];
	s12 =	spop (v2sf);
	(v2sf) =	vpush v1, $0xD  }
0x16b: {  	s13 =	spop (v2sf);
	[tilespmem:s17+$0xFFFFFC80] =	vst v7;
	(v2sf) =	vpush v0, $0xD  }
0x16c: {  	s6 =	sadd.s32 $0x2, s6;
	v7 =	vadd.f32 v11, v8;
	s2 =	spop (v2sf);
	(v2sf) =	vpush v4, $0xC;
	v8 =	vld [tilespmem:s0+$0x0]  }
0x16d: {  	s28 =	smov.u32 s15;
	s14 =	rddreg [dreg:$0xd];
	v11 =	vld [tilespmem:s7+$0x0];
	s3 =	spop (v2sf);
	(v2sf) =	vpush v5, $0xD  }
0x16e: {  	s15 =	smov.u32 s18;
	s18 =	smov.u32 s16;
	v14 =	vld [tilespmem:s14+$0x0];
	[tilespmem:s21+$0x180] =	vst v7;
	(v2sf) =	vpush v4, $0xD;
	s11 =	spop (v2sf);
	v6 =	vadd.f32 v9, v6  }
0x16f: {  	p1 =	slt.u32 s6, $0x16;
	[dreg:$0xa] =	wrdreg s18;
	v12 =	vadd.f32 v12, v10;
	v9 =	vld [tilespmem:s11+$0x0];
	(v2sf) =	vpush v5, $0xE;
	s18 =	spop (v2sf)  }
.Ltmp1:
0x170: {  	s16 =	smov.u32 s20;
	v10 =	vld [tilespmem:s18+$0x0];
	(v2sf) =	vpush v4, $0xE;
	[tilespmem:s17+$0x580] =	vst v6;
	s20 =	spop (v2sf);
	(pc) =	sbr.rel @p1 .LBB2_5-.Ltmp1, $4  }
0x171: {  	[tilespmem:s21+$0xFFFFF980] =	vst v12;
	(v2sf) =	vpush v3, $0x6;
	v7 =	vld [tilespmem:s20+$0x0];
	s29 =	spop (v2sf)  }
0x172: {  	v15 =	vadd.f32 v11, v8;
	v11 =	vld [tilespmem:s10+$0x0];
	s0 =	spop (v2sf);
	(v2sf) =	vpush v2, $0x6  }
0x173: {  	v12 =	vld [tilespmem:s9+$0x0];
	s7 =	spop (v2sf);
	(v2sf) =	vpush v1, $0xE  }
0x174: {  	s31 =	sadd.s32 $0x20, s31;
	[dreg:$0xd] =	wrdreg s16;
	v6 =	vadd.f32 v14, v13;
	v8 =	vld [tilespmem:s29+$0x0];
	[tilespmem:s17+$0xFFFFFD00] =	vst v15;
	s9 =	spop (v2sf);
	(v2sf) =	vpush v0, $0xE  }
0x175: {  	v9 =	vadd.f32 v10, v9;
	s31 =	spop (v2sf)  }
0x176: {  	s18 =	spop (v2sf)  }
0x177: {  	[tilespmem:s21+$0x200] =	vst v9;
	s1 =	spop (v2sf)  }
0x178: {  	(v2sf) =	vpush v5, $0xF;
	v9 =	vld [tilespmem:s1+$0x0];
	v5 =	vadd.f32 v12, v11;
	s10 =	spop (v2sf)  }
0x179: {  	(v2sf) =	vpush v4, $0xF;
	v10 =	vld [tilespmem:s10+$0x0];
	s20 =	spop (v2sf)  }
0x17a: {  	(v2sf) =	vpush v3, $0x7;
	[tilespmem:s21+$0xFFFFFA00] =	vst v5;
	s23 =	spop (v2sf)  }
0x17b: {  	(v2sf) =	vpush v2, $0x7;
	v4 =	vld [tilespmem:s30+$0x0];
	s25 =	spop (v2sf)  }
0x17c: {  	v5 =	vld [tilespmem:s5+$0x0];
	s16 =	spop (v2sf)  }
0x17d: {  	s1 =	spop (v2sf)  }
0x17e: {  	v9 =	vadd.f32 v10, v9;
	s6 =	spop (v2sf)  }
0x17f: {  	s5 =	spop (v2sf)  }
0x180: {  	[tilespmem:s21+$0x280] =	vst v9;
	s10 =	spop (v2sf)  }
0x181: {  	(v2sf) =	vpush v1, $0xF;
	v1 =	vadd.f32 v5, v4;
	v9 =	vld [tilespmem:s10+$0x0];
	s11 =	spop (v2sf)  }
0x182: {  	(v2sf) =	vpush v0, $0xF;
	v4 =	vld [tilespmem:s11+$0x0]  }
0x183: {  	(v2sf) =	vpush v3, $0x8;
	[tilespmem:s21+$0xFFFFFA80] =	vst v1  }
0x184: {  	(v2sf) =	vpush v2, $0x8;
	v0 =	vld [tilespmem:s24+$0x0]  }
0x185: {  	s11 =	spop (v2sf);
	v1 =	vld [tilespmem:s4+$0x0]  }
0x186: {  	s24 =	spop (v2sf)  }
0x187: {  	s4 =	spop (v2sf);
	v4 =	vadd.f32 v4, v9  }
0x188: {  	s10 =	spop (v2sf)  }
0x189: {  	s14 =	spop (v2sf);
	[tilespmem:s21+$0x300] =	vst v4  }
0x18a: {  	v0 =	vadd.f32 v1, v0;
	v4 =	vld [tilespmem:s14+$0x0];
	s14 =	spop (v2sf)  }
0x18b: {  	v1 =	vld [tilespmem:s14+$0x0]  }
0x18c: {  	(v2sf) =	vpush v3, $0x9;
	[tilespmem:s21+$0xFFFFFB00] =	vst v0  }
0x18d: {  	(v2sf) =	vpush v2, $0x9;
	v0 =	vld [tilespmem:s8+$0x0]  }
0x18e: {  	v5 =	vld [tilespmem:s22+$0x0];
	_ =	sdelay $0x1  }
0x18f: {  	s22 =	spop (v2sf);
	v1 =	vadd.f32 v1, v4  }
0x190: {  	s8 =	spop (v2sf)  }
0x191: {  	s14 =	spop (v2sf);
	[tilespmem:s21+$0x380] =	vst v1  }
0x192: {  	v0 =	vadd.f32 v5, v0;
	v1 =	vld [tilespmem:s14+$0x0];
	s14 =	spop (v2sf)  }
0x193: {  	v4 =	vld [tilespmem:s14+$0x0]  }
0x194: {  	(v2sf) =	vpush v3, $0xA;
	[tilespmem:s21+$0xFFFFFB80] =	vst v0  }
0x195: {  	(v2sf) =	vpush v2, $0xA;
	v0 =	vld [tilespmem:s12+$0x0]  }
0x196: {  	v5 =	vld [tilespmem:s13+$0x0];
	_ =	sdelay $0x1  }
0x197: {  	v1 =	vadd.f32 v4, v1;
	_ =	sdelay $0x1  }
0x198: {  	s13 =	spop (v2sf);
	[tilespmem:s21+$0x400] =	vst v1  }
0x199: {  	s14 =	spop (v2sf);
	v0 =	vadd.f32 v5, v0;
	v1 =	vld [tilespmem:s13+$0x0]  }
0x19a: {  	v4 =	vld [tilespmem:s14+$0x0]  }
0x19b: {  	(v2sf) =	vpush v3, $0xB;
	[tilespmem:s21+$0xFFFFFC00] =	vst v0  }
0x19c: {  	(v2sf) =	vpush v2, $0xB;
	v0 =	vld [tilespmem:s2+$0x0]  }
0x19d: {  	v5 =	vld [tilespmem:s3+$0x0];
	_ =	sdelay $0x1  }
0x19e: {  	v1 =	vadd.f32 v4, v1;
	_ =	sdelay $0x1  }
0x19f: {  	s12 =	spop (v2sf);
	[tilespmem:s21+$0x480] =	vst v1  }
0x1a0: {  	s13 =	spop (v2sf);
	v0 =	vadd.f32 v5, v0;
	v1 =	vld [tilespmem:s12+$0x0]  }
0x1a1: {  	v4 =	vld [tilespmem:s13+$0x0]  }
0x1a2: {  	(v2sf) =	vpush v3, $0xC;
	[tilespmem:s21+$0xFFFFFC80] =	vst v0  }
0x1a3: {  	(v2sf) =	vpush v2, $0xC;
	v0 =	vld [tilespmem:s0+$0x0]  }
0x1a4: {  	v5 =	vld [tilespmem:s7+$0x0]  }
0x1a5: {  	s2 =	rddreg [dreg:$0x14]  }
0x1a6: {  	s14 =	rddreg [dreg:$0x11];
	v9 =	vld [tilespmem:s2+$0x0];
	v1 =	vadd.f32 v4, v1  }
0x1a7: {  	v4 =	vld [tilespmem:s14+$0x0]  }
0x1a8: {  	s3 =	spop (v2sf);
	[tilespmem:s21+$0x500] =	vst v1  }
0x1a9: {  	s7 =	spop (v2sf);
	v0 =	vadd.f32 v5, v0;
	v1 =	vld [tilespmem:s3+$0x0]  }
0x1aa: {  	v5 =	vld [tilespmem:s7+$0x0]  }
0x1ab: {  	(v2sf) =	vpush v3, $0xD;
	[tilespmem:s21+$0xFFFFFD00] =	vst v0  }
0x1ac: {  	(v2sf) =	vpush v2, $0xD;
	v0 =	vld [tilespmem:s9+$0x0];
	v4 =	vadd.f32 v9, v4  }
0x1ad: {  	v10 =	vld [tilespmem:s31+$0x0]  }
0x1ae: {  	[tilespmem:s17+$0xFFFFFD80] =	vst v4  }
0x1af: {  	v1 =	vadd.f32 v5, v1;
	s12 =	rddreg [dreg:$0xc];
	v5 =	vld [tilespmem:s19+$0x0]  }
0x1b0: {  	v4 =	vld [tilespmem:s12+$0x0]  }
0x1b1: {  	v7 =	vadd.f32 v8, v7;
	s13 =	spop (v2sf);
	[tilespmem:s21+$0x580] =	vst v1  }
0x1b2: {  	s14 =	spop (v2sf);
	v0 =	vadd.f32 v10, v0;
	v1 =	vld [tilespmem:s13+$0x0]  }
0x1b3: {  	[tilespmem:s17+$0x600] =	vst v7;
	v9 =	vld [tilespmem:s14+$0x0]  }
0x1b4: {  	(v2sf) =	vpush v3, $0xE;
	[tilespmem:s21+$0xFFFFFD80] =	vst v0;
	v7 =	vld [tilespmem:s20+$0x0]  }
0x1b5: {  	(v2sf) =	vpush v2, $0xE;
	v0 =	vld [tilespmem:s18+$0x0];
	v4 =	vadd.f32 v5, v4  }
0x1b6: {  	v5 =	vld [tilespmem:s25+$0x0]  }
0x1b7: {  	v8 =	vld [tilespmem:s23+$0x0];
	[tilespmem:s17+$0xFFFFFE00] =	vst v4  }
0x1b8: {  	v1 =	vadd.f32 v9, v1;
	s19 =	rddreg [dreg:$0x10];
	v9 =	vld [tilespmem:s28+$0x0]  }
0x1b9: {  	v4 =	vld [tilespmem:s19+$0x0]  }
0x1ba: {  	s20 =	spop (v2sf);
	[tilespmem:s21+$0x600] =	vst v1  }
0x1bb: {  	s23 =	spop (v2sf);
	v1 =	vld [tilespmem:s20+$0x0];
	v0 =	vadd.f32 v5, v0  }
0x1bc: {  	v5 =	vld [tilespmem:s23+$0x0]  }
0x1bd: {  	(v2sf) =	vpush v3, $0xF;
	v7 =	vadd.f32 v8, v7;
	[tilespmem:s21+$0xFFFFFE00] =	vst v0  }
0x1be: {  	(v2sf) =	vpush v2, $0xF;
	v0 =	vld [tilespmem:s16+$0x0];
	v2 =	vadd.f32 v9, v4  }
0x1bf: {  	[tilespmem:s17+$0x680] =	vst v7;
	v3 =	vld [tilespmem:s1+$0x0]  }
0x1c0: {  	v7 =	vld [tilespmem:s24+$0x0];
	[tilespmem:s17+$0xFFFFFE80] =	vst v2  }
0x1c1: {  	v4 =	vld [tilespmem:s11+$0x0];
	v1 =	vadd.f32 v5, v1;
	s25 =	rddreg [dreg:$0xa]  }
0x1c2: {  	s31 =	rddreg [dreg:$0xd];
	v2 =	vld [tilespmem:s25+$0x0]  }
0x1c3: {  	s1 =	spop (v2sf);
	[tilespmem:s21+$0x680] =	vst v1;
	v5 =	vld [tilespmem:s31+$0x0]  }
0x1c4: {  	s2 =	spop (v2sf);
	[tilespmem:s15+$0xFFFFFF00] =	vst v6;
	v1 =	vld [tilespmem:s1+$0x0];
	v0 =	vadd.f32 v3, v0  }
0x1c5: {  	v3 =	vld [tilespmem:s2+$0x0];
	s3 =	rddreg [dreg:$0x8]  }
0x1c6: {  	v6 =	vld [tilespmem:s3+$0x0];
	v4 =	vadd.f32 v7, v4;
	[tilespmem:s21+$0xFFFFFE80] =	vst v0  }
0x1c7: {  	v0 =	vld [tilespmem:s6+$0x0]  }
0x1c8: {  	[tilespmem:s17+$0x700] =	vst v4;
	v4 =	vld [tilespmem:s5+$0x0]  }
0x1c9: {  	v7 =	vld [tilespmem:s22+$0x0];
	v2 =	vadd.f32 v5, v2  }
0x1ca: {  	s6 =	rddreg [dreg:$0x6];
	v5 =	vld [tilespmem:s8+$0x0]  }
0x1cb: {  	v1 =	vadd.f32 v3, v1;
	v3 =	vld [tilespmem:s6+$0x0];
	[tilespmem:s17+$0xFFFFFF00] =	vst v2  }
0x1cc: {  	s7 =	rddreg [dreg:$0x16];
	v8 =	vld [tilespmem:s26+$0x0]  }
0x1cd: {  	s8 =	spop (v2sf);
	[tilespmem:s21+$0x700] =	vst v1;
	v0 =	vadd.f32 v4, v0;
	v2 =	vld [tilespmem:s7+$0x0]  }
0x1ce: {  	s9 =	spop (v2sf);
	v1 =	vld [tilespmem:s8+$0x0]  }
0x1cf: {  	v4 =	vld [tilespmem:s9+$0x0];
	[tilespmem:s21+$0xFFFFFF00] =	vst v0  }
0x1d0: {  	v0 =	vld [tilespmem:s4+$0x0]  }
0x1d1: {  	v9 =	vld [tilespmem:s10+$0x0]  }
0x1d2: {  	v5 =	vadd.f32 v5, v7  }
0x1d3: {  	v3 =	vadd.f32 v3, v6  }
0x1d4: {  	[tilespmem:s17+$0x780] =	vst v5;
	v1 =	vadd.f32 v4, v1  }
0x1d5: {  	[tilespmem:s15+$0xFFFFFF80] =	vst v3;
	v2 =	vadd.f32 v8, v2  }
0x1d6: {  	[tilespmem:s21+$0x780] =	vst v1;
	v0 =	vadd.f32 v9, v0  }
0x1d7: {  	[tilespmem:s17+$0xFFFFFF80] =	vst v2  }
0x1d8: {  	[tilespmem:s21+$0xFFFFFF80] =	vst v0  }
0x1d9: {  	v0 =	vld [tilespmem:$0x1900];
	_ =	sdelay $0x1  }
0x1da: {  	v1 =	vld [tilespmem:$0x1B00];
	_ =	sdelay $0x2  }
0x1db: {  	v2 =	vld [tilespmem:$0x1D00];
	v0 =	vmul.u32 $0x1B, v0;
	_ =	sdelay $0x1  }
0x1dc: {  	v0 =	vadd.s32 v1, v0  }
0x1dd: {  	v0 =	vshll.u32 v0, $0x4  }
0x1de: {  	v0 =	vadd.s32 $0x300, v0  }
0x1df: {  	v1 =	vshll.u32 v2, $0x4;
	(v2sf) =	vpush v0, $0x1  }
0x1e0: {  	v1 =	vadd.s32 $0x270, v1;
	(v2sf) =	vpush v0, $0x0  }
0x1e1: {  	(v2sf) =	vpush v1, $0x0;
	_ =	sdelay $0x8  }
0x1e2: {  	(v2sf) =	vpush v1, $0x1;
	_ =	sdelay $0x3  }
0x1e3: {  	s11 =	spop (v2sf)  }
0x1e4: {  	s12 =	spop (v2sf)  }
0x1e5: {  	v2 =	vld [tilespmem:s12+$0x0];
	s13 =	spop (v2sf)  }
0x1e6: {  	(v2sf) =	vpush v0, $0x3;
	v3 =	vld [tilespmem:s13+$0x0]  }
0x1e7: {  	(v2sf) =	vpush v0, $0x2  }
0x1e8: {  	(v2sf) =	vpush v1, $0x2;
	_ =	sdelay $0x2  }
0x1e9: {  	v2 =	vadd.f32 v3, v2;
	_ =	sdelay $0x1  }
0x1ea: {  	[tilespmem:$0xE380] =	vst v2  }
0x1eb: {  	s14 =	spop (v2sf);
	v2 =	vld [tilespmem:s11+$0x0]  }
0x1ec: {  	v3 =	vld [tilespmem:s14+$0x0];
	_ =	sdelay $0x1  }
0x1ed: {  	(v2sf) =	vpush v1, $0x3;
	_ =	sdelay $0x2  }
0x1ee: {  	v2 =	vadd.f32 v3, v2  }
0x1ef: {  	s15 =	spop (v2sf)  }
0x1f0: {  	s16 =	spop (v2sf);
	[tilespmem:$0xE400] =	vst v2  }
0x1f1: {  	s17 =	spop (v2sf);
	v2 =	vld [tilespmem:s16+$0x0]  }
0x1f2: {  	(v2sf) =	vpush v0, $0x5;
	v3 =	vld [tilespmem:s17+$0x0]  }
0x1f3: {  	(v2sf) =	vpush v0, $0x4  }
0x1f4: {  	(v2sf) =	vpush v1, $0x4;
	_ =	sdelay $0x2  }
0x1f5: {  	v2 =	vadd.f32 v3, v2;
	_ =	sdelay $0x1  }
0x1f6: {  	[tilespmem:$0xE480] =	vst v2  }
0x1f7: {  	s18 =	spop (v2sf);
	v2 =	vld [tilespmem:s15+$0x0]  }
0x1f8: {  	v3 =	vld [tilespmem:s18+$0x0];
	_ =	sdelay $0x1  }
0x1f9: {  	(v2sf) =	vpush v1, $0x5;
	_ =	sdelay $0x2  }
0x1fa: {  	v2 =	vadd.f32 v3, v2  }
0x1fb: {  	s19 =	spop (v2sf)  }
0x1fc: {  	s20 =	spop (v2sf);
	[tilespmem:$0xE500] =	vst v2  }
0x1fd: {  	s21 =	spop (v2sf);
	v2 =	vld [tilespmem:s20+$0x0]  }
0x1fe: {  	(v2sf) =	vpush v0, $0x7;
	v3 =	vld [tilespmem:s21+$0x0]  }
0x1ff: {  	(v2sf) =	vpush v0, $0x6  }
0x200: {  	(v2sf) =	vpush v1, $0x6;
	_ =	sdelay $0x2  }
0x201: {  	v2 =	vadd.f32 v3, v2;
	_ =	sdelay $0x1  }
0x202: {  	[tilespmem:$0xE580] =	vst v2  }
0x203: {  	s22 =	spop (v2sf);
	v2 =	vld [tilespmem:s19+$0x0]  }
0x204: {  	v3 =	vld [tilespmem:s22+$0x0];
	_ =	sdelay $0x1  }
0x205: {  	(v2sf) =	vpush v1, $0x7;
	_ =	sdelay $0x2  }
0x206: {  	v2 =	vadd.f32 v3, v2  }
0x207: {  	s23 =	spop (v2sf)  }
0x208: {  	s24 =	spop (v2sf);
	[tilespmem:$0xE600] =	vst v2  }
0x209: {  	s25 =	spop (v2sf);
	v2 =	vld [tilespmem:s24+$0x0]  }
0x20a: {  	(v2sf) =	vpush v0, $0x9;
	v3 =	vld [tilespmem:s25+$0x0]  }
0x20b: {  	(v2sf) =	vpush v0, $0x8  }
0x20c: {  	(v2sf) =	vpush v1, $0x8;
	_ =	sdelay $0x2  }
0x20d: {  	v2 =	vadd.f32 v3, v2;
	_ =	sdelay $0x1  }
0x20e: {  	[tilespmem:$0xE680] =	vst v2  }
0x20f: {  	s26 =	spop (v2sf);
	v2 =	vld [tilespmem:s23+$0x0]  }
0x210: {  	v3 =	vld [tilespmem:s26+$0x0];
	_ =	sdelay $0x1  }
0x211: {  	(v2sf) =	vpush v1, $0x9;
	_ =	sdelay $0x2  }
0x212: {  	v2 =	vadd.f32 v3, v2  }
0x213: {  	s31 =	spop (v2sf)  }
0x214: {  	s2 =	spop (v2sf);
	[tilespmem:$0xE700] =	vst v2  }
0x215: {  	s3 =	spop (v2sf);
	v2 =	vld [tilespmem:s2+$0x0]  }
0x216: {  	(v2sf) =	vpush v0, $0xB;
	v3 =	vld [tilespmem:s3+$0x0]  }
0x217: {  	(v2sf) =	vpush v0, $0xA  }
0x218: {  	(v2sf) =	vpush v1, $0xA;
	_ =	sdelay $0x2  }
0x219: {  	v2 =	vadd.f32 v3, v2;
	_ =	sdelay $0x1  }
0x21a: {  	[tilespmem:$0xE780] =	vst v2  }
0x21b: {  	s4 =	spop (v2sf);
	v2 =	vld [tilespmem:s31+$0x0]  }
0x21c: {  	v3 =	vld [tilespmem:s4+$0x0];
	_ =	sdelay $0x1  }
0x21d: {  	(v2sf) =	vpush v1, $0xB;
	_ =	sdelay $0x2  }
0x21e: {  	v2 =	vadd.f32 v3, v2  }
0x21f: {  	s5 =	spop (v2sf)  }
0x220: {  	s6 =	spop (v2sf);
	[tilespmem:$0xE800] =	vst v2  }
0x221: {  	s7 =	spop (v2sf);
	v2 =	vld [tilespmem:s6+$0x0]  }
0x222: {  	(v2sf) =	vpush v0, $0xD;
	v3 =	vld [tilespmem:s7+$0x0]  }
0x223: {  	(v2sf) =	vpush v0, $0xC  }
0x224: {  	(v2sf) =	vpush v1, $0xC;
	_ =	sdelay $0x2  }
0x225: {  	v2 =	vadd.f32 v3, v2;
	_ =	sdelay $0x1  }
0x226: {  	[tilespmem:$0xE880] =	vst v2  }
0x227: {  	s8 =	spop (v2sf);
	v2 =	vld [tilespmem:s5+$0x0]  }
0x228: {  	v3 =	vld [tilespmem:s8+$0x0];
	_ =	sdelay $0x1  }
0x229: {  	(v2sf) =	vpush v1, $0xD;
	_ =	sdelay $0x2  }
0x22a: {  	v2 =	vadd.f32 v3, v2  }
0x22b: {  	s9 =	spop (v2sf)  }
0x22c: {  	s10 =	spop (v2sf);
	[tilespmem:$0xE900] =	vst v2  }
0x22d: {  	s11 =	spop (v2sf);
	v2 =	vld [tilespmem:s10+$0x0]  }
0x22e: {  	(v2sf) =	vpush v0, $0xF;
	v3 =	vld [tilespmem:s11+$0x0]  }
0x22f: {  	(v2sf) =	vpush v0, $0xE  }
0x230: {  	(v2sf) =	vpush v1, $0xE;
	_ =	sdelay $0x2  }
0x231: {  	v0 =	vadd.f32 v3, v2;
	_ =	sdelay $0x1  }
0x232: {  	[tilespmem:$0xE980] =	vst v0  }
0x233: {  	s12 =	spop (v2sf);
	v0 =	vld [tilespmem:s9+$0x0]  }
0x234: {  	v2 =	vld [tilespmem:s12+$0x0];
	_ =	sdelay $0x1  }
0x235: {  	(v2sf) =	vpush v1, $0xF;
	_ =	sdelay $0x2  }
0x236: {  	v0 =	vadd.f32 v2, v0  }
0x237: {  	s13 =	spop (v2sf)  }
0x238: {  	s14 =	spop (v2sf);
	[tilespmem:$0xEA00] =	vst v0  }
0x239: {  	s15 =	spop (v2sf);
	v0 =	vld [tilespmem:s14+$0x0]  }
0x23a: {  	v1 =	vld [tilespmem:s15+$0x0];
	_ =	sdelay $0x4  }
0x23b: {  	v0 =	vadd.f32 v1, v0;
	_ =	sdelay $0x1  }
0x23c: {  	[tilespmem:$0xEA80] =	vst v0  }
0x23d: {  	s16 =	spop (v2sf);
	v0 =	vld [tilespmem:s13+$0x0]  }
0x23e: {  	v1 =	vld [tilespmem:s16+$0x0];
	_ =	sdelay $0x2  }
0x23f: {  	s17 =	sld [smem:$0x7FC]  }
0x240: {  	s1 =	sld [smem:$0x7FB]  }
0x241: {  	s18 =	rddreg [dreg:$0x19];
	v0 =	vadd.f32 v1, v0  }
0x242: {  	s0 =	sshll.u32 s17, $0x4;
	s21 =	sld [smem:$0x7FA]  }
0x243: {  	s0 =	sadd.s32 s18, s0;
	s20 =	simm.s32 $0x2380;
	s19 =	simm.s32 $0x0;
	[tilespmem:$0xEB00] =	vst v0  }
0x244: {  	[hbm4b:s0+s19] =	stream.linear.scatter [tilespmem:s20], [sflag:$0x3], $0xC800, $0x38;
	[tilespmem:$0x1B380] =	vst v63  }
0x245: {  	p1 =	seq.s32 s21, $0x7C;
	s0 =	rddreg [dreg:$0x1e]  }
0x246: {  	s0 =	sadd.s32 @!p1 s1, s0  }
0x247: {  	s1 =	rddreg [dreg:$0x0];
	s0 =	sshrl.u32 @!p1 s0, $0x3  }
0x248: {  	s2 =	simm.s32 @!p1 $0x0;
	s3 =	simm.s32 @!p1 $0x1780;
	s1 =	sadd.s32 @!p1 s1, s0  }
0x249: {  	[tilespmem:s3], [sflag:$0x1] =	stream.linear.gather @!p1 [hbm4b:s1+s2], $0x190, $0x38;
	[tilespmem:$0x1B380] =	vst v63  }
0x24a: {  	s1 =	rddreg [dreg:$0x1]  }
0x24b: {  	s3 =	simm.s32 @!p1 $0x1980;
	s1 =	sadd.s32 @!p1 s1, s0  }
0x24c: {  	[tilespmem:s3], [sflag:$0x1] =	stream.linear.gather @!p1 [hbm4b:s1+s2], $0x190, $0x38;
	[tilespmem:$0x1B380] =	vst v63  }
0x24d: {  	s1 =	rddreg [dreg:$0x2]  }
0x24e: {  	s22 =	simm.s32 $0x2;
	s0 =	sadd.s32 @!p1 s1, s0;
	s1 =	simm.s32 @!p1 $0x1B80  }
0x24f: {  	[tilespmem:s1], [sflag:$0x1] =	stream.linear.gather @!p1 [hbm4b:s0+s2], $0x190, $0x38;
	[tilespmem:$0x1B380] =	vst v63  }
0x250: {  	_ =	swait.ge [sflag:s22], $0x190  }
0x251: {  	[sflag:s22] =	ssyncset.done $0x0  }
0x252: {  	[sflag:s22] =	ssyncadd.s32 $0xFFFFFE70  }
0x253: {  	_ =	swait.ge [sflag:s22], $0x190  }
0x254: {  	[sflag:s22] =	ssyncset.done $0x0  }
0x255: {  	[sflag:s22] =	ssyncadd.s32 $0xFFFFFE70  }
0x256: {  	_ =	swait.ge [sflag:s22], $0x190  }
0x257: {  	[sflag:s22] =	ssyncset.done $0x0  }
0x258: {  	s0 =	simm.s32 @!p0 $0x4;
	[sflag:s22] =	ssyncadd.s32 $0xFFFFFE70  }
0x259: {  	_ =	swait.ge @!p0 [sflag:s0], $0xC800  }
0x25a: {  	[sflag:s0] =	ssyncset.done @!p0 $0x0  }
0x25b: {  	s23 =	simm.s32 $0x1D90;
	[sflag:s0] =	ssyncadd.s32 @!p0 $0xFFFF3800  }
0x25c: {  	s24 =	simm.s32 $0x2190;
	v0 =	vld [tilespmem:s23+$0x0]  }
0x25d: {  	s25 =	simm.s32 $0x1F90;
	v1 =	vld [tilespmem:s24+$0x0]  }
0x25e: {  	v2 =	vld [tilespmem:s25+$0x0];
	_ =	sdelay $0x1  }
0x25f: {  	v3 =	vld [tilespmem:s23+$0xFFFFFFF0]  }
0x260: {  	v4 =	vld [tilespmem:s25+$0xFFFFFFF0];
	v0 =	vmul.u32 $0x1B, v0  }
0x261: {  	v5 =	vld [tilespmem:s24+$0xFFFFFFF0]  }
0x262: {  	v1 =	vshll.u32 v1, $0x4;
	v0 =	vadd.s32 v2, v0  }
0x263: {  	v2 =	vadd.s32 $0x270, v1;
	v0 =	vshll.u32 v0, $0x4  }
0x264: {  	v1 =	vmul.u32 $0x1B, v3;
	(v2sf) =	vpush v2, $0x0;
	v3 =	vadd.s32 $0x300, v0  }
0x265: {  	(v2sf) =	vpush v3, $0x0  }
0x266: {  	v0 =	vadd.s32 v4, v1;
	v1 =	vshll.u32 v5, $0x4  }
0x267: {  	v0 =	vshll.u32 v0, $0x4;
	v1 =	vadd.s32 $0x270, v1  }
0x268: {  	v0 =	vadd.s32 $0x300, v0;
	(v2sf) =	vpush v1, $0x0  }
0x269: {  	(v2sf) =	vpush v0, $0x0  }
0x26a: {  	(v2sf) =	vpush v0, $0x1  }
0x26b: {  	(v2sf) =	vpush v1, $0x1  }
0x26c: {  	(v2sf) =	vpush v0, $0x2  }
0x26d: {  	(v2sf) =	vpush v3, $0x1  }
0x26e: {  	(v2sf) =	vpush v2, $0x1;
	_ =	sdelay $0x2  }
0x26f: {  	(v2sf) =	vpush v1, $0x2  }
0x270: {  	(v2sf) =	vpush v0, $0x3  }
0x271: {  	(v2sf) =	vpush v1, $0x3;
	s26 =	spop (v2sf)  }
0x272: {  	(v2sf) =	vpush v0, $0x4;
	v4 =	vld [tilespmem:s26+$0x0];
	s31 =	spop (v2sf)  }
0x273: {  	(v2sf) =	vpush v1, $0x4;
	v5 =	vld [tilespmem:s31+$0x0]  }
0x274: {  	(v2sf) =	vpush v3, $0x2  }
0x275: {  	(v2sf) =	vpush v2, $0x2;
	s1 =	spop (v2sf)  }
0x276: {  	s2 =	spop (v2sf)  }
0x277: {  	s3 =	spop (v2sf)  }
0x278: {  	(v2sf) =	vpush v0, $0x5;
	s5 =	spop (v2sf);
	v4 =	vadd.f32 v4, v5  }
0x279: {  	s31 =	simm.s32 $0xF380;
	(v2sf) =	vpush v1, $0x5;
	s6 =	spop (v2sf)  }
0x27a: {  	v6 =	vld [tilespmem:s1+$0x0];
	(v2sf) =	vpush v0, $0x6;
	s7 =	spop (v2sf);
	[tilespmem:s31+$0x0] =	vst v4  }
0x27b: {  	(v2sf) =	vpush v1, $0x6;
	s8 =	spop (v2sf);
	v4 =	vld [tilespmem:s7+$0x0]  }
0x27c: {  	(v2sf) =	vpush v0, $0x7;
	v5 =	vld [tilespmem:s8+$0x0]  }
0x27d: {  	v7 =	vld [tilespmem:s2+$0x0];
	(v2sf) =	vpush v3, $0x3  }
0x27e: {  	s9 =	spop (v2sf);
	(v2sf) =	vpush v2, $0x3  }
0x27f: {  	s12 =	spop (v2sf)  }
0x280: {  	s13 =	spop (v2sf)  }
0x281: {  	(v2sf) =	vpush v1, $0x7;
	s20 =	spop (v2sf);
	v4 =	vadd.f32 v5, v4  }
0x282: {  	(v2sf) =	vpush v0, $0x8;
	s19 =	spop (v2sf)  }
0x283: {  	(v2sf) =	vpush v1, $0x8;
	s18 =	spop (v2sf);
	[tilespmem:s31+$0x80] =	vst v4  }
0x284: {  	(v2sf) =	vpush v0, $0x9;
	s21 =	spop (v2sf);
	v4 =	vld [tilespmem:s18+$0x0]  }
0x285: {  	(v2sf) =	vpush v1, $0x9;
	v5 =	vld [tilespmem:s21+$0x0]  }
0x286: {  	(v2sf) =	vpush v3, $0x4  }
0x287: {  	v6 =	vadd.f32 v6, v7;
	s1 =	spop (v2sf);
	(v2sf) =	vpush v2, $0x4  }
0x288: {  	s18 =	spop (v2sf)  }
0x289: {  	[tilespmem:s31+$0xFFFFF800] =	vst v6;
	s16 =	spop (v2sf)  }
0x28a: {  	v6 =	vld [tilespmem:s3+$0x0];
	(v2sf) =	vpush v0, $0xA;
	s17 =	spop (v2sf);
	v4 =	vadd.f32 v5, v4  }
0x28b: {  	(v2sf) =	vpush v1, $0xA;
	s14 =	spop (v2sf);
	v5 =	vld [tilespmem:s5+$0x0]  }
0x28c: {  	(v2sf) =	vpush v0, $0xB;
	[tilespmem:s31+$0x100] =	vst v4;
	s22 =	spop (v2sf)  }
0x28d: {  	(v2sf) =	vpush v1, $0xB;
	v4 =	vld [tilespmem:s22+$0x0];
	s23 =	spop (v2sf)  }
0x28e: {  	(v2sf) =	vpush v0, $0xC;
	v7 =	vld [tilespmem:s23+$0x0]  }
0x28f: {  	(v2sf) =	vpush v3, $0x5  }
0x290: {  	(v2sf) =	vpush v2, $0x5;
	s15 =	spop (v2sf);
	v5 =	vadd.f32 v5, v6  }
0x291: {  	s11 =	spop (v2sf)  }
0x292: {  	s10 =	spop (v2sf);
	[tilespmem:s31+$0xFFFFF880] =	vst v5  }
0x293: {  	(v2sf) =	vpush v1, $0xC;
	s0 =	spop (v2sf);
	v5 =	vld [tilespmem:s6+$0x0];
	v4 =	vadd.f32 v7, v4  }
0x294: {  	(v2sf) =	vpush v0, $0xD;
	v6 =	vld [tilespmem:s9+$0x0];
	s5 =	spop (v2sf)  }
0x295: {  	(v2sf) =	vpush v1, $0xD;
	s24 =	spop (v2sf);
	[tilespmem:s31+$0x180] =	vst v4  }
0x296: {  	(v2sf) =	vpush v0, $0xE;
	s25 =	spop (v2sf);
	v4 =	vld [tilespmem:s24+$0x0]  }
0x297: {  	(v2sf) =	vpush v1, $0xE;
	v7 =	vld [tilespmem:s25+$0x0]  }
0x298: {  	(v2sf) =	vpush v3, $0x6  }
0x299: {  	(v2sf) =	vpush v2, $0x6;
	s9 =	spop (v2sf);
	v5 =	vadd.f32 v6, v5  }
0x29a: {  	s26 =	simm.s32 $0x21B0;
	s4 =	spop (v2sf)  }
0x29b: {  	s8 =	spop (v2sf);
	v6 =	vld [tilespmem:s26+$0x0];
	[tilespmem:s31+$0xFFFFF900] =	vst v5  }
0x29c: {  	s22 =	simm.s32 $0x1DB0;
	v5 =	vld [tilespmem:s12+$0x0];
	s12 =	spop (v2sf);
	v4 =	vadd.f32 v7, v4  }
0x29d: {  	s25 =	simm.s32 $0x1FB0;
	s6 =	spop (v2sf);
	v7 =	vld [tilespmem:s22+$0x0]  }
0x29e: {  	(v2sf) =	vpush v0, $0xF;
	s23 =	spop (v2sf);
	[tilespmem:s31+$0x200] =	vst v4;
	v4 =	vld [tilespmem:s25+$0x0]  }
0x29f: {  	(v2sf) =	vpush v1, $0xF;
	s24 =	spop (v2sf);
	v0 =	vld [tilespmem:s23+$0x0]  }
0x2a0: {  	v1 =	vld [tilespmem:s24+$0x0]  }
0x2a1: {  	(v2sf) =	vpush v3, $0x7;
	v8 =	vld [tilespmem:s13+$0x0]  }
0x2a2: {  	v9 =	vld [tilespmem:s22+$0xFFFFFFF0];
	(v2sf) =	vpush v2, $0x7;
	s7 =	spop (v2sf)  }
0x2a3: {  	v11 =	vld [tilespmem:s26+$0xFFFFFFF0];
	s3 =	spop (v2sf);
	v7 =	vmul.u32 $0x1B, v7  }
0x2a4: {  	v10 =	vld [tilespmem:s25+$0xFFFFFFF0];
	s2 =	spop (v2sf)  }
0x2a5: {  	s13 =	spop (v2sf);
	v1 =	vadd.f32 v1, v0;
	v0 =	vadd.s32 v4, v7;
	v4 =	vshll.u32 v6, $0x4  }
0x2a6: {  	v5 =	vadd.f32 v8, v5;
	s25 =	spop (v2sf);
	v6 =	vshll.u32 v0, $0x4;
	v0 =	vadd.s32 $0x270, v4  }
0x2a7: {  	s26 =	spop (v2sf);
	v4 =	vmul.u32 $0x1B, v9;
	[tilespmem:s31+$0x280] =	vst v1;
	v1 =	vadd.s32 $0x300, v6;
	(v2sf) =	vpush v0, $0x0  }
0x2a8: {  	s22 =	spop (v2sf);
	v6 =	vld [tilespmem:s26+$0x0];
	(v2sf) =	vpush v1, $0x0  }
0x2a9: {  	[tilespmem:s31+$0xFFFFF980] =	vst v5;
	v5 =	vshll.u32 v11, $0x4;
	v7 =	vld [tilespmem:s22+$0x0];
	v4 =	vadd.s32 v10, v4;
	(v2sf) =	vpush v3, $0x8  }
0x2aa: {  	v8 =	vld [tilespmem:s20+$0x0];
	v9 =	vshll.u32 v4, $0x4;
	v4 =	vadd.s32 $0x270, v5;
	(v2sf) =	vpush v2, $0x8  }
0x2ab: {  	v10 =	vld [tilespmem:s19+$0x0];
	v5 =	vadd.s32 $0x300, v9;
	(v2sf) =	vpush v4, $0x0  }
0x2ac: {  	(v2sf) =	vpush v5, $0x0  }
0x2ad: {  	s23 =	spop (v2sf);
	(v2sf) =	vpush v5, $0x1  }
0x2ae: {  	[dreg:$0x9] =	wrdreg s23;
	s24 =	spop (v2sf);
	v6 =	vadd.f32 v7, v6;
	(v2sf) =	vpush v4, $0x1  }
0x2af: {  	[dreg:$0x7] =	wrdreg s24;
	(v2sf) =	vpush v5, $0x2  }
0x2b0: {  	s26 =	spop (v2sf);
	[tilespmem:s31+$0x300] =	vst v6;
	v6 =	vadd.f32 v10, v8;
	(v2sf) =	vpush v1, $0x1  }
0x2b1: {  	s20 =	spop (v2sf);
	v7 =	vld [tilespmem:s26+$0x0];
	(v2sf) =	vpush v0, $0x1  }
0x2b2: {  	v8 =	vld [tilespmem:s20+$0x0];
	[tilespmem:s31+$0xFFFFFA00] =	vst v6;
	(v2sf) =	vpush v3, $0x9  }
0x2b3: {  	v6 =	vld [tilespmem:s1+$0x0];
	(v2sf) =	vpush v2, $0x9  }
0x2b4: {  	v9 =	vld [tilespmem:s18+$0x0];
	(v2sf) =	vpush v4, $0x2  }
0x2b5: {  	(v2sf) =	vpush v5, $0x3  }
0x2b6: {  	(v2sf) =	vpush v4, $0x3;
	s21 =	spop (v2sf)  }
0x2b7: {  	v7 =	vadd.f32 v8, v7;
	(v2sf) =	vpush v5, $0x4;
	s22 =	spop (v2sf)  }
0x2b8: {  	v8 =	vld [tilespmem:s21+$0x0];
	(v2sf) =	vpush v4, $0x4;
	s23 =	spop (v2sf)  }
0x2b9: {  	[tilespmem:s31+$0x380] =	vst v7;
	v6 =	vadd.f32 v9, v6;
	v10 =	vld [tilespmem:s22+$0x0];
	(v2sf) =	vpush v1, $0x2;
	s24 =	spop (v2sf)  }
0x2ba: {  	v7 =	vld [tilespmem:s23+$0x0];
	s26 =	spop (v2sf);
	(v2sf) =	vpush v0, $0x2  }
0x2bb: {  	[tilespmem:s31+$0xFFFFFA80] =	vst v6;
	v9 =	vld [tilespmem:s24+$0x0];
	s19 =	spop (v2sf);
	(v2sf) =	vpush v3, $0xA  }
0x2bc: {  	v6 =	vld [tilespmem:s16+$0x0];
	s20 =	spop (v2sf);
	(v2sf) =	vpush v2, $0xA  }
0x2bd: {  	v11 =	vld [tilespmem:s17+$0x0];
	s24 =	spop (v2sf);
	(v2sf) =	vpush v5, $0x5  }
0x2be: {  	v12 =	vld [tilespmem:s19+$0x0];
	v8 =	vadd.f32 v8, v10;
	s17 =	spop (v2sf);
	(v2sf) =	vpush v4, $0x5  }
0x2bf: {  	s16 =	simm.s32 $0x10380;
	v10 =	vld [tilespmem:s26+$0x0];
	(v2sf) =	vpush v5, $0x6;
	s26 =	spop (v2sf)  }
0x2c0: {  	[tilespmem:s16+$0x0] =	vst v8;
	v7 =	vadd.f32 v9, v7;
	(v2sf) =	vpush v4, $0x6;
	s18 =	spop (v2sf)  }
0x2c1: {  	v8 =	vld [tilespmem:s26+$0x0];
	(v2sf) =	vpush v5, $0x7;
	s21 =	spop (v2sf)  }
0x2c2: {  	v6 =	vadd.f32 v11, v6;
	v9 =	vld [tilespmem:s18+$0x0];
	[tilespmem:s31+$0x400] =	vst v7;
	(v2sf) =	vpush v1, $0x3;
	s22 =	spop (v2sf)  }
0x2c3: {  	v7 =	vld [tilespmem:s21+$0x0];
	s23 =	spop (v2sf);
	(v2sf) =	vpush v0, $0x3  }
0x2c4: {  	[tilespmem:s31+$0xFFFFFB00] =	vst v6;
	v6 =	vadd.f32 v10, v12;
	v11 =	vld [tilespmem:s22+$0x0];
	s21 =	spop (v2sf);
	(v2sf) =	vpush v3, $0xB  }
0x2c5: {  	v10 =	vld [tilespmem:s14+$0x0];
	s14 =	spop (v2sf);
	(v2sf) =	vpush v2, $0xB  }
0x2c6: {  	v12 =	vld [tilespmem:s15+$0x0];
	[tilespmem:s16+$0xFFFFF800] =	vst v6;
	s18 =	spop (v2sf);
	(v2sf) =	vpush v4, $0x7  }
0x2c7: {  	v6 =	vadd.f32 v9, v8;
	v8 =	vld [tilespmem:s20+$0x0];
	s19 =	spop (v2sf);
	(v2sf) =	vpush v5, $0x8  }
0x2c8: {  	v9 =	vld [tilespmem:s24+$0x0];
	(v2sf) =	vpush v4, $0x8;
	s24 =	spop (v2sf)  }
0x2c9: {  	[tilespmem:s16+$0x80] =	vst v6;
	v6 =	vadd.f32 v11, v7;
	(v2sf) =	vpush v5, $0x9;
	s26 =	spop (v2sf)  }
0x2ca: {  	v7 =	vld [tilespmem:s24+$0x0];
	(v2sf) =	vpush v4, $0x9;
	s15 =	spop (v2sf)  }
0x2cb: {  	v11 =	vld [tilespmem:s26+$0x0];
	[tilespmem:s31+$0x480] =	vst v6;
	v6 =	vadd.f32 v12, v10;
	(v2sf) =	vpush v1, $0x4;
	s20 =	spop (v2sf)  }
0x2cc: {  	v10 =	vld [tilespmem:s15+$0x0];
	s1 =	spop (v2sf);
	(v2sf) =	vpush v0, $0x4  }
0x2cd: {  	v12 =	vld [tilespmem:s20+$0x0];
	[tilespmem:s31+$0xFFFFFB80] =	vst v6;
	v6 =	vadd.f32 v9, v8;
	s15 =	spop (v2sf);
	(v2sf) =	vpush v3, $0xC  }
0x2ce: {  	v8 =	vld [tilespmem:s11+$0x0];
	s30 =	spop (v2sf);
	(v2sf) =	vpush v2, $0xC  }
0x2cf: {  	v9 =	vld [tilespmem:s10+$0x0];
	[tilespmem:s16+$0xFFFFF880] =	vst v6;
	s10 =	spop (v2sf);
	(v2sf) =	vpush v5, $0xA  }
0x2d0: {  	v6 =	vadd.f32 v11, v7;
	v7 =	vld [tilespmem:s17+$0x0];
	s17 =	spop (v2sf);
	(v2sf) =	vpush v4, $0xA  }
0x2d1: {  	(v2sf) =	vpush v5, $0xB;
	s22 =	spop (v2sf)  }
0x2d2: {  	v11 =	vld [tilespmem:s23+$0x0];
	s23 =	spop (v2sf)  }
0x2d3: {  	[tilespmem:s16+$0x100] =	vst v6;
	v6 =	vadd.f32 v12, v10;
	(v2sf) =	vpush v4, $0xB;
	s24 =	spop (v2sf)  }
0x2d4: {  	v10 =	vld [tilespmem:s22+$0x0];
	s26 =	spop (v2sf)  }
0x2d5: {  	v12 =	vld [tilespmem:s23+$0x0];
	(v2sf) =	vpush v5, $0xC;
	[tilespmem:s31+$0x500] =	vst v6;
	v6 =	vadd.f32 v9, v8;
	s20 =	spop (v2sf)  }
0x2d6: {  	v8 =	vld [tilespmem:s24+$0x0];
	s29 =	spop (v2sf)  }
0x2d7: {  	v9 =	vld [tilespmem:s26+$0x0];
	[tilespmem:s31+$0xFFFFFC00] =	vst v6;
	v6 =	vadd.f32 v11, v7;
	s24 =	spop (v2sf)  }
0x2d8: {  	(v2sf) =	vpush v1, $0x5;
	v7 =	vld [tilespmem:s0+$0x0];
	s22 =	spop (v2sf)  }
0x2d9: {  	(v2sf) =	vpush v0, $0x5;
	v11 =	vld [tilespmem:s5+$0x0];
	[tilespmem:s16+$0xFFFFF900] =	vst v6;
	s5 =	spop (v2sf)  }
0x2da: {  	v6 =	vadd.f32 v12, v10;
	v10 =	vld [tilespmem:s21+$0x0];
	s11 =	spop (v2sf)  }
0x2db: {  	(v2sf) =	vpush v3, $0xD;
	v12 =	vld [tilespmem:s14+$0x0];
	s14 =	spop (v2sf)  }
0x2dc: {  	(v2sf) =	vpush v2, $0xD;
	[tilespmem:s16+$0x180] =	vst v6;
	v6 =	vadd.f32 v9, v8;
	s21 =	spop (v2sf)  }
0x2dd: {  	(v2sf) =	vpush v4, $0xC;
	v8 =	vld [tilespmem:s11+$0x0];
	s23 =	spop (v2sf)  }
0x2de: {  	(v2sf) =	vpush v5, $0xD;
	v7 =	vadd.f32 v11, v7;
	v9 =	vld [tilespmem:s14+$0x0];
	[tilespmem:s31+$0x580] =	vst v6;
	s11 =	spop (v2sf)  }
0x2df: {  	(v2sf) =	vpush v4, $0xD;
	v6 =	vld [tilespmem:s21+$0x0];
	s0 =	spop (v2sf)  }
0x2e0: {  	(v2sf) =	vpush v5, $0xE;
	[tilespmem:s31+$0xFFFFFC80] =	vst v7;
	v7 =	vadd.f32 v12, v10;
	v11 =	vld [tilespmem:s23+$0x0];
	s26 =	spop (v2sf)  }
0x2e1: {  	(v2sf) =	vpush v4, $0xE;
	v10 =	vld [tilespmem:s9+$0x0];
	[dreg:$0x13] =	wrdreg s26  }
0x2e2: {  	s14 =	spop (v2sf);
	[tilespmem:s16+$0xFFFFF980] =	vst v7  }
0x2e3: {  	(v2sf) =	vpush v1, $0x6;
	v12 =	vld [tilespmem:s4+$0x0];
	[dreg:$0x15] =	wrdreg s14  }
0x2e4: {  	(v2sf) =	vpush v0, $0x6;
	v7 =	vadd.f32 v9, v8;
	v8 =	vld [tilespmem:s18+$0x0];
	s18 =	spop (v2sf)  }
0x2e5: {  	[dreg:$0xe] =	wrdreg s18  }
0x2e6: {  	(v2sf) =	vpush v3, $0xE;
	s26 =	simm.s32 $0x21D0;
	v9 =	vld [tilespmem:s19+$0x0]  }
0x2e7: {  	(v2sf) =	vpush v2, $0xE;
	[tilespmem:s16+$0x200] =	vst v7;
	s19 =	spop (v2sf);
	v13 =	vld [tilespmem:s26+$0x0]  }
0x2e8: {  	v6 =	vadd.f32 v11, v6;
	v7 =	vld [tilespmem:s19+$0x0];
	s21 =	spop (v2sf)  }
0x2e9: {  	(v2sf) =	vpush v5, $0xF;
	v11 =	vld [tilespmem:s21+$0x0];
	s21 =	simm.s32 $0x1DD0  }
0x2ea: {  	[tilespmem:s31+$0x600] =	vst v6;
	s23 =	spop (v2sf);
	v5 =	vld [tilespmem:s21+$0x0]  }
0x2eb: {  	(v2sf) =	vpush v4, $0xF;
	v6 =	vld [tilespmem:s23+$0x0];
	s23 =	simm.s32 $0x1FD0;
	s14 =	spop (v2sf)  }
0x2ec: {  	(v2sf) =	vpush v1, $0x7;
	v4 =	vld [tilespmem:s23+$0x0];
	s19 =	spop (v2sf)  }
0x2ed: {  	(v2sf) =	vpush v0, $0x7;
	v14 =	vld [tilespmem:s14+$0x0];
	v8 =	vadd.f32 v9, v8;
	s18 =	spop (v2sf)  }
0x2ee: {  	v9 =	vld [tilespmem:s21+$0xFFFFFFF0];
	[dreg:$0x12] =	wrdreg s18;
	s28 =	spop (v2sf)  }
0x2ef: {  	(v2sf) =	vpush v3, $0xF;
	v15 =	vld [tilespmem:s26+$0xFFFFFFF0];
	[tilespmem:s16+$0xFFFFFA00] =	vst v8;
	s26 =	spop (v2sf);
	v3 =	vmul.u32 $0x1B, v5  }
0x2f0: {  	(v2sf) =	vpush v2, $0xF;
	v7 =	vadd.f32 v11, v7;
	v5 =	vld [tilespmem:s23+$0xFFFFFFF0];
	[dreg:$0xb] =	wrdreg s26;
	s9 =	spop (v2sf)  }
0x2f1: {  	v8 =	vld [tilespmem:s1+$0x0];
	[dreg:$0xf] =	wrdreg s9;
	v2 =	vadd.s32 v4, v3;
	v3 =	vshll.u32 v13, $0x4  }
0x2f2: {  	v6 =	vadd.f32 v14, v6;
	s14 =	spop (v2sf);
	v11 =	vld [tilespmem:s15+$0x0];
	[tilespmem:s16+$0x280] =	vst v7;
	v4 =	vshll.u32 v2, $0x4;
	v2 =	vadd.s32 $0x270, v3  }
0x2f3: {  	v9 =	vmul.u32 $0x1B, v9;
	s15 =	spop (v2sf);
	v7 =	vld [tilespmem:s14+$0x0];
	v3 =	vadd.s32 $0x300, v4;
	(v2sf) =	vpush v2, $0x0  }
0x2f4: {  	v10 =	vadd.f32 v12, v10;
	v13 =	vld [tilespmem:s15+$0x0];
	(v2sf) =	vpush v3, $0x0  }
0x2f5: {  	[tilespmem:s31+$0x680] =	vst v6;
	s18 =	spop (v2sf);
	v4 =	vadd.s32 v5, v9;
	v5 =	vshll.u32 v15, $0x4;
	(v2sf) =	vpush v1, $0x8  }
0x2f6: {  	v6 =	vld [tilespmem:s18+$0x0];
	s26 =	spop (v2sf);
	v9 =	vshll.u32 v4, $0x4;
	v4 =	vadd.s32 $0x270, v5;
	(v2sf) =	vpush v0, $0x8  }
0x2f7: {  	[tilespmem:s31+$0xFFFFFD00] =	vst v10;
	v12 =	vld [tilespmem:s26+$0x0];
	v5 =	vadd.s32 $0x300, v9;
	(v2sf) =	vpush v4, $0x0  }
0x2f8: {  	v10 =	vld [tilespmem:s12+$0x0];
	v8 =	vadd.f32 v11, v8;
	s4 =	spop (v2sf);
	(v2sf) =	vpush v5, $0x0  }
0x2f9: {  	v9 =	vld [tilespmem:s8+$0x0];
	v7 =	vadd.f32 v13, v7;
	[dreg:$0x17] =	wrdreg s4;
	(v2sf) =	vpush v5, $0x1  }
0x2fa: {  	s18 =	spop (v2sf);
	[tilespmem:s16+$0xFFFFFA80] =	vst v8;
	(v2sf) =	vpush v4, $0x1  }
0x2fb: {  	s8 =	spop (v2sf);
	v11 =	vld [tilespmem:s30+$0x0];
	[tilespmem:s16+$0x300] =	vst v7;
	(v2sf) =	vpush v5, $0x2  }
0x2fc: {  	s9 =	spop (v2sf);
	v7 =	vld [tilespmem:s8+$0x0];
	v6 =	vadd.f32 v12, v6;
	(v2sf) =	vpush v3, $0x1  }
0x2fd: {  	v12 =	vld [tilespmem:s9+$0x0];
	(v2sf) =	vpush v2, $0x1  }
0x2fe: {  	v13 =	vld [tilespmem:s10+$0x0];
	s12 =	spop (v2sf);
	v9 =	vadd.f32 v10, v9;
	[tilespmem:s31+$0x700] =	vst v6;
	(v2sf) =	vpush v1, $0x9  }
0x2ff: {  	s14 =	spop (v2sf);
	v6 =	vld [tilespmem:s12+$0x0];
	(v2sf) =	vpush v0, $0x9  }
0x300: {  	v8 =	vld [tilespmem:s14+$0x0];
	[tilespmem:s31+$0xFFFFFD80] =	vst v9;
	(v2sf) =	vpush v4, $0x2  }
0x301: {  	v9 =	vld [tilespmem:s6+$0x0];
	(v2sf) =	vpush v5, $0x3  }
0x302: {  	v10 =	vld [tilespmem:s7+$0x0];
	v7 =	vadd.f32 v12, v7;
	(v2sf) =	vpush v4, $0x3;
	s15 =	spop (v2sf)  }
0x303: {  	v12 =	vld [tilespmem:s15+$0x0];
	(v2sf) =	vpush v5, $0x4;
	s26 =	spop (v2sf)  }
0x304: {  	[tilespmem:s16+$0x380] =	vst v7;
	v14 =	vld [tilespmem:s26+$0x0];
	(v2sf) =	vpush v4, $0x4;
	s4 =	spop (v2sf)  }
0x305: {  	v7 =	vld [tilespmem:s4+$0x0];
	(v2sf) =	vpush v3, $0x2;
	s6 =	spop (v2sf)  }
0x306: {  	v11 =	vadd.f32 v13, v11;
	v15 =	vld [tilespmem:s6+$0x0];
	(v2sf) =	vpush v2, $0x2;
	s7 =	spop (v2sf)  }
0x307: {  	v13 =	vld [tilespmem:s7+$0x0];
	(v2sf) =	vpush v1, $0xA;
	s8 =	spop (v2sf)  }
0x308: {  	[tilespmem:s16+$0xFFFFFB00] =	vst v11;
	v9 =	vadd.f32 v10, v9;
	v16 =	vld [tilespmem:s8+$0x0];
	(v2sf) =	vpush v0, $0xA;
	s9 =	spop (v2sf)  }
0x309: {  	v10 =	vld [tilespmem:s17+$0x0];
	v11 =	vadd.f32 v12, v14;
	(v2sf) =	vpush v5, $0x5;
	s10 =	spop (v2sf)  }
0x30a: {  	[tilespmem:s31+$0xFFFFFE00] =	vst v9;
	v12 =	vld [tilespmem:s20+$0x0];
	s20 =	simm.s32 $0x11380;
	(v2sf) =	vpush v4, $0x5;
	s12 =	spop (v2sf)  }
0x30b: {  	v9 =	vld [tilespmem:s3+$0x0];
	[tilespmem:s20+$0x0] =	vst v11;
	(v2sf) =	vpush v5, $0x6;
	v7 =	vadd.f32 v15, v7;
	s14 =	spop (v2sf)  }
0x30c: {  	v11 =	vld [tilespmem:s14+$0x0];
	(v2sf) =	vpush v4, $0x6;
	s15 =	spop (v2sf)  }
0x30d: {  	v14 =	vld [tilespmem:s15+$0x0];
	v13 =	vadd.f32 v13, v16;
	(v2sf) =	vpush v5, $0x7;
	[tilespmem:s16+$0x400] =	vst v7;
	s17 =	spop (v2sf)  }
0x30e: {  	v7 =	vld [tilespmem:s17+$0x0];
	(v2sf) =	vpush v3, $0x3;
	s26 =	spop (v2sf)  }
0x30f: {  	v10 =	vadd.f32 v12, v10;
	v15 =	vld [tilespmem:s26+$0x0];
	[tilespmem:s20+$0xFFFFF800] =	vst v13;
	(v2sf) =	vpush v2, $0x3;
	s3 =	spop (v2sf)  }
0x310: {  	v12 =	vld [tilespmem:s9+$0x0];
	(v2sf) =	vpush v1, $0xB;
	s7 =	spop (v2sf)  }
0x311: {  	v13 =	vld [tilespmem:s10+$0x0];
	[tilespmem:s16+$0xFFFFFB80] =	vst v10;
	(v2sf) =	vpush v0, $0xB;
	s15 =	spop (v2sf)  }
0x312: {  	v10 =	vld [tilespmem:s29+$0x0];
	v11 =	vadd.f32 v14, v11;
	(v2sf) =	vpush v4, $0x7;
	s6 =	spop (v2sf)  }
0x313: {  	v14 =	vld [tilespmem:s24+$0x0];
	(v2sf) =	vpush v5, $0x8;
	s1 =	spop (v2sf)  }
0x314: {  	v62 =	vld [tilespmem:s2+$0x0];
	[tilespmem:s20+$0x80] =	vst v11;
	(v2sf) =	vpush v4, $0x8;
	v7 =	vadd.f32 v15, v7;
	s17 =	spop (v2sf)  }
0x315: {  	v11 =	vld [tilespmem:s17+$0x0];
	(v2sf) =	vpush v5, $0x9;
	s24 =	spop (v2sf)  }
0x316: {  	v12 =	vadd.f32 v13, v12;
	v15 =	vld [tilespmem:s24+$0x0];
	(v2sf) =	vpush v4, $0x9;
	[tilespmem:s16+$0x480] =	vst v7;
	s26 =	spop (v2sf)  }
0x317: {  	v7 =	vld [tilespmem:s26+$0x0];
	(v2sf) =	vpush v3, $0x4;
	s4 =	spop (v2sf)  }
0x318: {  	[tilespmem:s20+$0xFFFFF880] =	vst v12;
	v10 =	vadd.f32 v14, v10;
	v13 =	vld [tilespmem:s4+$0x0];
	(v2sf) =	vpush v2, $0x4;
	s30 =	spop (v2sf)  }
0x319: {  	v12 =	vld [tilespmem:s12+$0x0];
	(v2sf) =	vpush v1, $0xC;
	s4 =	spop (v2sf)  }
0x31a: {  	v9 =	vadd.f32 v62, v9;
	v14 =	vld [tilespmem:s3+$0x0];
	[tilespmem:s16+$0xFFFFFC00] =	vst v10;
	(v2sf) =	vpush v0, $0xC;
	s24 =	spop (v2sf)  }
0x31b: {  	v10 =	vld [tilespmem:s22+$0x0];
	v11 =	vadd.f32 v15, v11;
	(v2sf) =	vpush v5, $0xA;
	s29 =	spop (v2sf)  }
0x31c: {  	[tilespmem:s31+$0xFFFFFE80] =	vst v9;
	v15 =	vld [tilespmem:s5+$0x0];
	(v2sf) =	vpush v4, $0xA;
	s8 =	spop (v2sf)  }
0x31d: {  	v63 =	vld [tilespmem:s13+$0x0];
	[tilespmem:s20+$0x100] =	vst v11;
	(v2sf) =	vpush v5, $0xB;
	v7 =	vadd.f32 v13, v7;
	s10 =	spop (v2sf)  }
0x31e: {  	v9 =	vld [tilespmem:s10+$0x0];
	(v2sf) =	vpush v4, $0xB;
	s12 =	spop (v2sf)  }
0x31f: {  	v12 =	vadd.f32 v14, v12;
	v11 =	vld [tilespmem:s12+$0x0];
	(v2sf) =	vpush v5, $0xC;
	[tilespmem:s16+$0x500] =	vst v7;
	s13 =	spop (v2sf)  }
0x320: {  	v7 =	vld [tilespmem:s13+$0x0];
	(v2sf) =	vpush v3, $0x5;
	s14 =	spop (v2sf)  }
0x321: {  	[tilespmem:s20+$0xFFFFF900] =	vst v12;
	v10 =	vadd.f32 v15, v10;
	v13 =	vld [tilespmem:s14+$0x0];
	(v2sf) =	vpush v2, $0x5;
	s22 =	spop (v2sf)  }
0x322: {  	v12 =	vld [tilespmem:s7+$0x0];
	(v2sf) =	vpush v1, $0xD;
	s12 =	spop (v2sf)  }
0x323: {  	v14 =	vld [tilespmem:s15+$0x0];
	[tilespmem:s16+$0xFFFFFC80] =	vst v10;
	(v2sf) =	vpush v0, $0xD;
	s13 =	spop (v2sf)  }
0x324: {  	v15 =	vld [tilespmem:s11+$0x0];
	v9 =	vadd.f32 v11, v9;
	(v2sf) =	vpush v4, $0xC;
	s2 =	spop (v2sf)  }
0x325: {  	v11 =	vld [tilespmem:s0+$0x0];
	(v2sf) =	vpush v5, $0xD;
	s3 =	spop (v2sf)  }
0x326: {  	v17 =	vld [tilespmem:s25+$0x0];
	[tilespmem:s20+$0x180] =	vst v9;
	(v2sf) =	vpush v4, $0xD;
	v7 =	vadd.f32 v13, v7;
	s15 =	spop (v2sf)  }
0x327: {  	v9 =	vld [tilespmem:s15+$0x0];
	(v2sf) =	vpush v5, $0xE;
	s17 =	spop (v2sf)  }
0x328: {  	v12 =	vadd.f32 v14, v12;
	v10 =	vld [tilespmem:s17+$0x0];
	(v2sf) =	vpush v4, $0xE;
	[tilespmem:s16+$0x580] =	vst v7;
	s25 =	spop (v2sf)  }
0x329: {  	v6 =	vadd.f32 v8, v6;
	v7 =	vld [tilespmem:s25+$0x0];
	(v2sf) =	vpush v3, $0x6;
	s26 =	spop (v2sf)  }
0x32a: {  	[tilespmem:s20+$0xFFFFF980] =	vst v12;
	v13 =	vadd.f32 v11, v15;
	v8 =	vld [tilespmem:s26+$0x0];
	(v2sf) =	vpush v2, $0x6;
	s0 =	spop (v2sf)  }
0x32b: {  	[tilespmem:s31+$0x780] =	vst v6;
	s15 =	simm.s32 $0xF380;
	v12 =	vld [tilespmem:s1+$0x0];
	(v2sf) =	vpush v1, $0xE;
	s7 =	spop (v2sf)  }
0x32c: {  	v6 =	vadd.f32 v17, v63;
	v11 =	vld [tilespmem:s6+$0x0];
	s6 =	simm.s32 $0x4;
	s25 =	simm.s32 $0x21F0;
	[tilespmem:s16+$0xFFFFFD00] =	vst v13;
	(v2sf) =	vpush v0, $0xE;
	s9 =	spop (v2sf)  }
.LBB2_7:
0x32d: {  	v13 =	vld [tilespmem:s25+$0x0];
	s23 =	sadd.s32 $0x20, s23;
	s14 =	spop (v2sf);
	v9 =	vadd.f32 v10, v9  }
0x32e: {  	(v2sf) =	vpush v5, $0xF;
	s21 =	sadd.s32 $0x20, s21;
	[tilespmem:s15+$0xFFFFFF00] =	vst v6;
	v5 =	vld [tilespmem:s23+$0x0];
	s1 =	spop (v2sf)  }
0x32f: {  	(v2sf) =	vpush v4, $0xF;
	v4 =	vld [tilespmem:s21+$0x0];
	s5 =	spop (v2sf);
	v6 =	vadd.f32 v8, v7;
	[tilespmem:s20+$0x200] =	vst v9  }
0x330: {  	s10 =	spop (v2sf);
	v7 =	vld [tilespmem:s5+$0x0]  }
0x331: {  	v8 =	vadd.f32 v12, v11;
	s11 =	spop (v2sf);
	v9 =	vld [tilespmem:s10+$0x0];
	[tilespmem:s16+$0x600] =	vst v6  }
0x332: {  	s17 =	smov.u32 s15;
	s15 =	spop (v2sf);
	v6 =	vld [tilespmem:s11+$0x0]  }
0x333: {  	[tilespmem:s20+$0xFFFFFA00] =	vst v8;
	s11 =	spop (v2sf);
	v8 =	vld [tilespmem:s15+$0x0]  }
0x334: {  	v10 =	vld [tilespmem:s21+$0xFFFFFFF0];
	s10 =	spop (v2sf)  }
0x335: {  	(v2sf) =	vpush v3, $0x7;
	v11 =	vld [tilespmem:s23+$0xFFFFFFF0];
	s15 =	spop (v2sf)  }
0x336: {  	(v2sf) =	vpush v2, $0x7;
	v12 =	vld [tilespmem:s4+$0x0];
	s5 =	spop (v2sf);
	v7 =	vadd.f32 v9, v7  }
0x337: {  	(v2sf) =	vpush v1, $0xF;
	v1 =	vmov v3;
	v3 =	vmul.u32 $0x1B, v4;
	v4 =	vld [tilespmem:s25+$0xFFFFFFF0];
	s31 =	spop (v2sf)  }
0x338: {  	(v2sf) =	vpush v0, $0xF;
	v9 =	vld [tilespmem:s30+$0x0];
	s26 =	spop (v2sf);
	v6 =	vadd.f32 v8, v6;
	[tilespmem:s20+$0x280] =	vst v7  }
0x339: {  	v8 =	vld [tilespmem:s26+$0x0];
	s26 =	spop (v2sf)  }
0x33a: {  	v0 =	vmovc v2;
	v2 =	vadd.s32 v5, v3;
	v3 =	vshll.u32 v13, $0x4;
	v7 =	vmul.u32 $0x1B, v10;
	v10 =	vld [tilespmem:s26+$0x0];
	[tilespmem:s16+$0x680] =	vst v6;
	s26 =	spop (v2sf)  }
0x33b: {  	v5 =	vshll.u32 v2, $0x4;
	v2 =	vadd.s32 $0x270, v3;
	v6 =	vld [tilespmem:s26+$0x0];
	s26 =	spop (v2sf)  }
0x33c: {  	v3 =	vadd.s32 $0x300, v5;
	(v2sf) =	vpush v2, $0x0;
	v5 =	vadd.s32 v11, v7;
	v7 =	vld [tilespmem:s26+$0x0];
	s26 =	smov.u32 s18;
	s18 =	rddreg [dreg:$0x13]  }
0x33d: {  	(v2sf) =	vpush v3, $0x0;
	v11 =	vld [tilespmem:s18+$0x0];
	s18 =	smov.u32 s9  }
0x33e: {  	v4 =	vshll.u32 v4, $0x4;
	(v2sf) =	vpush v1, $0x8;
	v9 =	vadd.f32 v12, v9;
	[dreg:$0x13] =	wrdreg s18  }
0x33f: {  	v4 =	vadd.s32 $0x270, v4;
	v5 =	vshll.u32 v5, $0x4;
	s30 =	spop (v2sf);
	(v2sf) =	vpush v0, $0x8;
	s18 =	rddreg [dreg:$0x15]  }
0x340: {  	v5 =	vadd.s32 $0x300, v5;
	(v2sf) =	vpush v4, $0x0;
	s9 =	rddreg [dreg:$0x17];
	v12 =	vld [tilespmem:s18+$0x0];
	s18 =	smov.u32 s14;
	[tilespmem:s20+$0xFFFFFA80] =	vst v9  }
0x341: {  	s4 =	spop (v2sf);
	(v2sf) =	vpush v5, $0x0;
	v8 =	vadd.f32 v10, v8;
	[dreg:$0x15] =	wrdreg s18;
	v10 =	vld [tilespmem:s24+$0x0]  }
0x342: {  	(v2sf) =	vpush v5, $0x1;
	s18 =	rddreg [dreg:$0x9];
	v13 =	vld [tilespmem:s29+$0x0]  }
0x343: {  	(v2sf) =	vpush v4, $0x1;
	v9 =	vld [tilespmem:s18+$0x0];
	s18 =	smov.u32 s9  }
0x344: {  	s14 =	spop (v2sf);
	(v2sf) =	vpush v5, $0x2;
	[tilespmem:s20+$0x300] =	vst v8;
	v6 =	vadd.f32 v7, v6;
	[dreg:$0x9] =	wrdreg s18;
	s18 =	smov.u32 s30  }
0x345: {  	(v2sf) =	vpush v3, $0x1;
	v7 =	vld [tilespmem:s14+$0x0];
	[dreg:$0x17] =	wrdreg s18;
	s18 =	spop (v2sf)  }
0x346: {  	(v2sf) =	vpush v2, $0x1;
	v8 =	vld [tilespmem:s18+$0x0];
	v11 =	vadd.f32 v12, v11;
	[tilespmem:s16+$0x700] =	vst v6;
	s24 =	spop (v2sf)  }
0x347: {  	(v2sf) =	vpush v1, $0x9;
	v6 =	vld [tilespmem:s24+$0x0];
	s14 =	spop (v2sf)  }
0x348: {  	s18 =	rddreg [dreg:$0xe];
	(v2sf) =	vpush v0, $0x9;
	v10 =	vadd.f32 v13, v10;
	[tilespmem:s16+$0xFFFFFD80] =	vst v11;
	v11 =	vld [tilespmem:s14+$0x0]  }
0x349: {  	(v2sf) =	vpush v4, $0x2;
	v12 =	vld [tilespmem:s18+$0x0]  }
0x34a: {  	(v2sf) =	vpush v5, $0x3;
	v13 =	vld [tilespmem:s19+$0x0];
	[tilespmem:s20+$0xFFFFFB00] =	vst v10;
	s18 =	rddreg [dreg:$0x7]  }
0x34b: {  	s24 =	smov.u32 s1;
	s14 =	spop (v2sf);
	(v2sf) =	vpush v4, $0x3;
	v7 =	vadd.f32 v8, v7;
	v8 =	vld [tilespmem:s18+$0x0]  }
0x34c: {  	[dreg:$0xe] =	wrdreg s24;
	s24 =	smov.u32 s26;
	v10 =	vld [tilespmem:s14+$0x0];
	s26 =	spop (v2sf);
	(v2sf) =	vpush v5, $0x4  }
0x34d: {  	s18 =	smov.u32 s4;
	v14 =	vld [tilespmem:s26+$0x0];
	s4 =	spop (v2sf);
	(v2sf) =	vpush v4, $0x4;
	[tilespmem:s20+$0x380] =	vst v7  }
0x34e: {  	v6 =	vadd.f32 v11, v6;
	(v2sf) =	vpush v3, $0x2;
	s9 =	spop (v2sf);
	v7 =	vld [tilespmem:s4+$0x0]  }
0x34f: {  	s19 =	smov.u32 s11;
	s11 =	spop (v2sf);
	(v2sf) =	vpush v2, $0x2;
	v11 =	vld [tilespmem:s9+$0x0];
	v12 =	vadd.f32 v13, v12  }
0x350: {  	[tilespmem:s16+$0x780] =	vst v6;
	v6 =	vld [tilespmem:s11+$0x0];
	s14 =	spop (v2sf);
	(v2sf) =	vpush v1, $0xA;
	v8 =	vadd.f32 v8, v9  }
0x351: {  	[dreg:$0x7] =	wrdreg s24;
	v9 =	vld [tilespmem:s14+$0x0];
	s1 =	spop (v2sf);
	(v2sf) =	vpush v0, $0xA;
	[tilespmem:s16+$0xFFFFFE00] =	vst v12  }
0x352: {  	s24 =	rddreg [dreg:$0x12];
	v10 =	vadd.f32 v10, v14;
	s9 =	spop (v2sf);
	(v2sf) =	vpush v5, $0x5;
	v12 =	vld [tilespmem:s8+$0x0];
	[tilespmem:s17+$0xFFFFFF80] =	vst v8;
	s17 =	smov.u32 s16  }
0x353: {  	s16 =	smov.u32 s20;
	s4 =	spop (v2sf);
	(v2sf) =	vpush v4, $0x5;
	s20 =	sadd.s32 $0x1000, s20;
	v8 =	vld [tilespmem:s22+$0x0]  }
0x354: {  	[tilespmem:s20+$0x0] =	vst v10;
	(v2sf) =	vpush v5, $0x6;
	s22 =	spop (v2sf);
	v7 =	vadd.f32 v11, v7;
	v10 =	vld [tilespmem:s24+$0x0]  }
0x355: {  	s26 =	smov.u32 s10;
	v11 =	vld [tilespmem:s22+$0x0];
	(v2sf) =	vpush v4, $0x6;
	s10 =	spop (v2sf)  }
0x356: {  	v6 =	vadd.f32 v6, v9;
	v9 =	vld [tilespmem:s10+$0x0];
	(v2sf) =	vpush v5, $0x7;
	[tilespmem:s16+$0x400] =	vst v7;
	s11 =	spop (v2sf)  }
0x357: {  	(v2sf) =	vpush v3, $0x3;
	v7 =	vld [tilespmem:s11+$0x0];
	s14 =	spop (v2sf)  }
0x358: {  	[tilespmem:s20+$0xFFFFF800] =	vst v6;
	s22 =	spop (v2sf);
	(v2sf) =	vpush v2, $0x3;
	v6 =	vadd.f32 v8, v12;
	v8 =	vld [tilespmem:s14+$0x0]  }
0x359: {  	v12 =	vld [tilespmem:s1+$0x0];
	s1 =	spop (v2sf);
	(v2sf) =	vpush v1, $0xB  }
0x35a: {  	v13 =	vld [tilespmem:s9+$0x0];
	s11 =	spop (v2sf);
	(v2sf) =	vpush v0, $0xB;
	[tilespmem:s16+$0xFFFFFB80] =	vst v6  }
0x35b: {  	v6 =	vadd.f32 v9, v11;
	s10 =	spop (v2sf);
	(v2sf) =	vpush v4, $0x7;
	v9 =	vld [tilespmem:s12+$0x0]  }
0x35c: {  	s9 =	spop (v2sf);
	(v2sf) =	vpush v5, $0x8;
	v11 =	vld [tilespmem:s13+$0x0]  }
0x35d: {  	[tilespmem:s20+$0x80] =	vst v6;
	(v2sf) =	vpush v4, $0x8;
	s24 =	spop (v2sf);
	v6 =	vadd.f32 v8, v7;
	v7 =	vld [tilespmem:s28+$0x0]  }
0x35e: {  	[dreg:$0x12] =	wrdreg s26;
	v8 =	vld [tilespmem:s24+$0x0];
	(v2sf) =	vpush v5, $0x9;
	s26 =	spop (v2sf)  }
0x35f: {  	v12 =	vadd.f32 v13, v12;
	v13 =	vld [tilespmem:s26+$0x0];
	(v2sf) =	vpush v4, $0x9;
	s12 =	spop (v2sf);
	[tilespmem:s16+$0x480] =	vst v6  }
0x360: {  	(v2sf) =	vpush v3, $0x4;
	s13 =	spop (v2sf);
	v6 =	vld [tilespmem:s12+$0x0]  }
0x361: {  	[tilespmem:s20+$0xFFFFF880] =	vst v12;
	s30 =	spop (v2sf);
	(v2sf) =	vpush v2, $0x4;
	v9 =	vadd.f32 v11, v9;
	v11 =	vld [tilespmem:s13+$0x0]  }
0x362: {  	v12 =	vld [tilespmem:s4+$0x0];
	s4 =	spop (v2sf);
	(v2sf) =	vpush v1, $0xC;
	v7 =	vadd.f32 v7, v10  }
0x363: {  	v10 =	vld [tilespmem:s22+$0x0];
	s24 =	spop (v2sf);
	[tilespmem:s16+$0xFFFFFC00] =	vst v9;
	(v2sf) =	vpush v0, $0xC  }
0x364: {  	s28 =	smov.u32 s15;
	v8 =	vadd.f32 v13, v8;
	s29 =	spop (v2sf);
	(v2sf) =	vpush v5, $0xA;
	v9 =	vld [tilespmem:s2+$0x0];
	[tilespmem:s17+$0xFFFFFE80] =	vst v7  }
0x365: {  	s15 =	smov.u32 s17;
	s8 =	spop (v2sf);
	(v2sf) =	vpush v4, $0xA;
	s17 =	rddreg [dreg:$0xb];
	v7 =	vld [tilespmem:s3+$0x0]  }
0x366: {  	[tilespmem:s20+$0x100] =	vst v8;
	(v2sf) =	vpush v5, $0xB;
	s14 =	spop (v2sf);
	v6 =	vadd.f32 v11, v6;
	v13 =	vld [tilespmem:s17+$0x0]  }
0x367: {  	v8 =	vld [tilespmem:s14+$0x0];
	(v2sf) =	vpush v4, $0xB;
	s26 =	spop (v2sf)  }
0x368: {  	v10 =	vadd.f32 v10, v12;
	v11 =	vld [tilespmem:s26+$0x0];
	(v2sf) =	vpush v5, $0xC;
	[tilespmem:s16+$0x500] =	vst v6;
	s3 =	spop (v2sf)  }
0x369: {  	s22 =	smov.u32 s5;
	(v2sf) =	vpush v3, $0x5;
	v6 =	vld [tilespmem:s3+$0x0];
	s5 =	spop (v2sf)  }
0x36a: {  	[dreg:$0xb] =	wrdreg s22;
	[tilespmem:s20+$0xFFFFF900] =	vst v10;
	s22 =	spop (v2sf);
	(v2sf) =	vpush v2, $0x5;
	v7 =	vadd.f32 v7, v9;
	v9 =	vld [tilespmem:s5+$0x0]  }
0x36b: {  	v10 =	vld [tilespmem:s1+$0x0];
	s12 =	spop (v2sf);
	(v2sf) =	vpush v1, $0xD  }
0x36c: {  	v12 =	vld [tilespmem:s11+$0x0];
	s13 =	spop (v2sf);
	(v2sf) =	vpush v0, $0xD;
	[tilespmem:s16+$0xFFFFFC80] =	vst v7  }
0x36d: {  	v7 =	vadd.f32 v11, v8;
	s2 =	spop (v2sf);
	(v2sf) =	vpush v4, $0xC;
	v8 =	vld [tilespmem:s0+$0x0]  }
0x36e: {  	s11 =	rddreg [dreg:$0xf];
	s3 =	spop (v2sf);
	(v2sf) =	vpush v5, $0xD;
	v11 =	vld [tilespmem:s7+$0x0]  }
0x36f: {  	s6 =	sadd.s32 $0x2, s6;
	v14 =	vld [tilespmem:s11+$0x0];
	[tilespmem:s20+$0x180] =	vst v7;
	(v2sf) =	vpush v4, $0xD;
	s7 =	spop (v2sf);
	v6 =	vadd.f32 v9, v6  }
0x370: {  	p0 =	slt.u32 s6, $0x16;
	v9 =	vld [tilespmem:s7+$0x0];
	(v2sf) =	vpush v5, $0xE;
	s17 =	spop (v2sf)  }
.Ltmp2:
0x371: {  	v12 =	vadd.f32 v12, v10;
	v10 =	vld [tilespmem:s17+$0x0];
	(v2sf) =	vpush v4, $0xE;
	s26 =	spop (v2sf);
	[tilespmem:s16+$0x580] =	vst v6;
	(pc) =	sbr.rel @p0 .LBB2_7-.Ltmp2, $4  }
0x372: {  	s14 =	smov.u32 s31;
	(v2sf) =	vpush v3, $0x6;
	s31 =	spop (v2sf);
	v7 =	vld [tilespmem:s26+$0x0]  }
0x373: {  	[tilespmem:s20+$0xFFFFF980] =	vst v12;
	s0 =	spop (v2sf);
	(v2sf) =	vpush v2, $0x6;
	v15 =	vadd.f32 v11, v8;
	v8 =	vld [tilespmem:s31+$0x0]  }
0x374: {  	v11 =	vld [tilespmem:s10+$0x0];
	s7 =	spop (v2sf);
	(v2sf) =	vpush v1, $0xE  }
0x375: {  	s25 =	sadd.s32 $0x20, s25;
	[dreg:$0xf] =	wrdreg s14;
	v6 =	vadd.f32 v14, v13;
	v12 =	vld [tilespmem:s9+$0x0];
	s9 =	spop (v2sf);
	[tilespmem:s16+$0xFFFFFD00] =	vst v15;
	(v2sf) =	vpush v0, $0xE  }
0x376: {  	_ = 	snop  }
0x377: {  	v9 =	vadd.f32 v10, v9;
	s31 =	spop (v2sf)  }
0x378: {  	s21 =	spop (v2sf)  }
0x379: {  	[tilespmem:s20+$0x200] =	vst v9;
	s1 =	spop (v2sf)  }
0x37a: {  	(v2sf) =	vpush v5, $0xF;
	v9 =	vld [tilespmem:s1+$0x0];
	s25 =	spop (v2sf);
	v61 =	vadd.f32 v12, v11  }
0x37b: {  	(v2sf) =	vpush v4, $0xF;
	v62 =	vld [tilespmem:s25+$0x0];
	s23 =	spop (v2sf)  }
0x37c: {  	(v2sf) =	vpush v3, $0x7;
	s25 =	spop (v2sf);
	[tilespmem:s20+$0xFFFFFA00] =	vst v61  }
0x37d: {  	(v2sf) =	vpush v2, $0x7;
	v63 =	vld [tilespmem:s30+$0x0];
	s30 =	spop (v2sf)  }
0x37e: {  	v5 =	vld [tilespmem:s4+$0x0];
	s17 =	spop (v2sf)  }
0x37f: {  	s1 =	spop (v2sf)  }
0x380: {  	v9 =	vadd.f32 v62, v9;
	s4 =	spop (v2sf)  }
0x381: {  	s5 =	spop (v2sf)  }
0x382: {  	[tilespmem:s20+$0x280] =	vst v9;
	s6 =	spop (v2sf)  }
0x383: {  	(v2sf) =	vpush v1, $0xF;
	v12 =	vadd.f32 v5, v63;
	v9 =	vld [tilespmem:s6+$0x0];
	s26 =	spop (v2sf)  }
0x384: {  	(v2sf) =	vpush v0, $0xF;
	v13 =	vld [tilespmem:s26+$0x0]  }
0x385: {  	(v2sf) =	vpush v3, $0x8;
	[tilespmem:s20+$0xFFFFFA80] =	vst v12  }
0x386: {  	(v2sf) =	vpush v2, $0x8;
	v14 =	vld [tilespmem:s24+$0x0]  }
0x387: {  	s11 =	spop (v2sf);
	v1 =	vld [tilespmem:s29+$0x0]  }
0x388: {  	s24 =	spop (v2sf)  }
0x389: {  	s6 =	spop (v2sf);
	v4 =	vadd.f32 v13, v9  }
0x38a: {  	s10 =	spop (v2sf)  }
0x38b: {  	s14 =	spop (v2sf);
	[tilespmem:s20+$0x300] =	vst v4  }
0x38c: {  	s29 =	spop (v2sf);
	v0 =	vadd.f32 v1, v14;
	v4 =	vld [tilespmem:s14+$0x0]  }
0x38d: {  	v15 =	vld [tilespmem:s29+$0x0]  }
0x38e: {  	(v2sf) =	vpush v3, $0x9;
	[tilespmem:s20+$0xFFFFFB00] =	vst v0  }
0x38f: {  	(v2sf) =	vpush v2, $0x9;
	v0 =	vld [tilespmem:s8+$0x0]  }
0x390: {  	v16 =	vld [tilespmem:s22+$0x0];
	_ =	sdelay $0x1  }
0x391: {  	s22 =	spop (v2sf);
	v1 =	vadd.f32 v15, v4  }
0x392: {  	s8 =	spop (v2sf)  }
0x393: {  	s26 =	spop (v2sf);
	[tilespmem:s20+$0x380] =	vst v1  }
0x394: {  	s29 =	spop (v2sf);
	v0 =	vadd.f32 v16, v0;
	v1 =	vld [tilespmem:s26+$0x0]  }
0x395: {  	v17 =	vld [tilespmem:s29+$0x0]  }
0x396: {  	(v2sf) =	vpush v3, $0xA;
	[tilespmem:s20+$0xFFFFFB80] =	vst v0  }
0x397: {  	(v2sf) =	vpush v2, $0xA;
	v0 =	vld [tilespmem:s12+$0x0]  }
0x398: {  	v18 =	vld [tilespmem:s13+$0x0];
	_ =	sdelay $0x1  }
0x399: {  	v1 =	vadd.f32 v17, v1;
	_ =	sdelay $0x1  }
0x39a: {  	s14 =	spop (v2sf);
	[tilespmem:s20+$0x400] =	vst v1  }
0x39b: {  	s26 =	spop (v2sf);
	v0 =	vadd.f32 v18, v0;
	v1 =	vld [tilespmem:s14+$0x0]  }
0x39c: {  	v19 =	vld [tilespmem:s26+$0x0]  }
0x39d: {  	(v2sf) =	vpush v3, $0xB;
	[tilespmem:s20+$0xFFFFFC00] =	vst v0  }
0x39e: {  	(v2sf) =	vpush v2, $0xB;
	v0 =	vld [tilespmem:s2+$0x0]  }
0x39f: {  	v20 =	vld [tilespmem:s3+$0x0];
	_ =	sdelay $0x1  }
0x3a0: {  	v1 =	vadd.f32 v19, v1;
	_ =	sdelay $0x1  }
0x3a1: {  	s29 =	spop (v2sf);
	[tilespmem:s20+$0x480] =	vst v1  }
0x3a2: {  	s3 =	spop (v2sf);
	v0 =	vadd.f32 v20, v0;
	v1 =	vld [tilespmem:s29+$0x0]  }
0x3a3: {  	v21 =	vld [tilespmem:s3+$0x0]  }
0x3a4: {  	(v2sf) =	vpush v3, $0xC;
	[tilespmem:s20+$0xFFFFFC80] =	vst v0  }
0x3a5: {  	(v2sf) =	vpush v2, $0xC;
	v0 =	vld [tilespmem:s0+$0x0]  }
0x3a6: {  	v22 =	vld [tilespmem:s7+$0x0]  }
0x3a7: {  	s12 =	rddreg [dreg:$0x13]  }
0x3a8: {  	s13 =	rddreg [dreg:$0x15];
	v23 =	vld [tilespmem:s12+$0x0];
	v1 =	vadd.f32 v21, v1  }
0x3a9: {  	v24 =	vld [tilespmem:s13+$0x0]  }
0x3aa: {  	s14 =	spop (v2sf);
	[tilespmem:s20+$0x500] =	vst v1  }
0x3ab: {  	s26 =	spop (v2sf);
	v0 =	vadd.f32 v22, v0;
	v1 =	vld [tilespmem:s14+$0x0]  }
0x3ac: {  	v25 =	vld [tilespmem:s26+$0x0]  }
0x3ad: {  	(v2sf) =	vpush v3, $0xD;
	[tilespmem:s20+$0xFFFFFD00] =	vst v0  }
0x3ae: {  	(v2sf) =	vpush v2, $0xD;
	v4 =	vadd.f32 v24, v23;
	v0 =	vld [tilespmem:s9+$0x0]  }
0x3af: {  	v26 =	vld [tilespmem:s31+$0x0]  }
0x3b0: {  	[tilespmem:s16+$0xFFFFFD80] =	vst v4  }
0x3b1: {  	s29 =	rddreg [dreg:$0xe];
	v27 =	vld [tilespmem:s19+$0x0];
	v1 =	vadd.f32 v25, v1  }
0x3b2: {  	v4 =	vld [tilespmem:s29+$0x0]  }
0x3b3: {  	v7 =	vadd.f32 v8, v7;
	s31 =	spop (v2sf);
	[tilespmem:s20+$0x580] =	vst v1  }
0x3b4: {  	s2 =	spop (v2sf);
	v0 =	vadd.f32 v26, v0;
	v1 =	vld [tilespmem:s31+$0x0]  }
0x3b5: {  	[tilespmem:s16+$0x600] =	vst v7;
	v28 =	vld [tilespmem:s2+$0x0]  }
0x3b6: {  	(v2sf) =	vpush v3, $0xE;
	v30 =	vld [tilespmem:s23+$0x0];
	[tilespmem:s20+$0xFFFFFD80] =	vst v0  }
0x3b7: {  	(v2sf) =	vpush v2, $0xE;
	v4 =	vadd.f32 v27, v4;
	v0 =	vld [tilespmem:s21+$0x0]  }
0x3b8: {  	v29 =	vld [tilespmem:s30+$0x0]  }
0x3b9: {  	v7 =	vld [tilespmem:s25+$0x0];
	[tilespmem:s16+$0xFFFFFE00] =	vst v4  }
0x3ba: {  	s3 =	rddreg [dreg:$0x12];
	v31 =	vld [tilespmem:s28+$0x0];
	v1 =	vadd.f32 v28, v1  }
0x3bb: {  	v4 =	vld [tilespmem:s3+$0x0]  }
0x3bc: {  	s7 =	spop (v2sf);
	[tilespmem:s20+$0x600] =	vst v1  }
0x3bd: {  	s9 =	spop (v2sf);
	v0 =	vadd.f32 v29, v0;
	v1 =	vld [tilespmem:s7+$0x0]  }
0x3be: {  	v32 =	vld [tilespmem:s9+$0x0]  }
0x3bf: {  	v5 =	vadd.f32 v7, v30;
	[tilespmem:s20+$0xFFFFFE00] =	vst v0  }
0x3c0: {  	(v2sf) =	vpush v3, $0xF;
	v0 =	vld [tilespmem:s17+$0x0];
	v34 =	vadd.f32 v31, v4  }
0x3c1: {  	(v2sf) =	vpush v2, $0xF;
	[tilespmem:s16+$0x680] =	vst v5;
	v33 =	vld [tilespmem:s1+$0x0]  }
0x3c2: {  	v35 =	vld [tilespmem:s11+$0x0];
	[tilespmem:s16+$0xFFFFFE80] =	vst v34  }
0x3c3: {  	v5 =	vld [tilespmem:s24+$0x0];
	s11 =	rddreg [dreg:$0xb];
	v1 =	vadd.f32 v32, v1  }
0x3c4: {  	s12 =	rddreg [dreg:$0xf];
	v3 =	vld [tilespmem:s11+$0x0]  }
0x3c5: {  	s13 =	spop (v2sf);
	v36 =	vld [tilespmem:s12+$0x0];
	[tilespmem:s20+$0x680] =	vst v1  }
0x3c6: {  	s14 =	spop (v2sf);
	[tilespmem:s15+$0xFFFFFF00] =	vst v6;
	v0 =	vadd.f32 v33, v0;
	v1 =	vld [tilespmem:s13+$0x0]  }
0x3c7: {  	v37 =	vld [tilespmem:s14+$0x0];
	s17 =	rddreg [dreg:$0x9]  }
0x3c8: {  	v4 =	vadd.f32 v5, v35;
	[tilespmem:s20+$0xFFFFFE80] =	vst v0;
	v6 =	vld [tilespmem:s17+$0x0]  }
0x3c9: {  	v0 =	vld [tilespmem:s4+$0x0]  }
0x3ca: {  	[tilespmem:s16+$0x700] =	vst v4;
	v38 =	vld [tilespmem:s5+$0x0]  }
0x3cb: {  	v4 =	vld [tilespmem:s22+$0x0];
	v3 =	vadd.f32 v36, v3  }
0x3cc: {  	v39 =	vld [tilespmem:s8+$0x0];
	s19 =	rddreg [dreg:$0x7]  }
0x3cd: {  	v40 =	vld [tilespmem:s19+$0x0];
	[tilespmem:s16+$0xFFFFFF00] =	vst v3;
	v1 =	vadd.f32 v37, v1  }
0x3ce: {  	s21 =	rddreg [dreg:$0x17];
	v42 =	vld [tilespmem:s18+$0x0]  }
0x3cf: {  	s22 =	spop (v2sf);
	v3 =	vld [tilespmem:s21+$0x0];
	v0 =	vadd.f32 v38, v0;
	[tilespmem:s20+$0x700] =	vst v1  }
0x3d0: {  	s23 =	spop (v2sf);
	v1 =	vld [tilespmem:s22+$0x0]  }
0x3d1: {  	v41 =	vld [tilespmem:s23+$0x0];
	[tilespmem:s20+$0xFFFFFF00] =	vst v0  }
0x3d2: {  	v0 =	vld [tilespmem:s6+$0x0]  }
0x3d3: {  	v43 =	vld [tilespmem:s10+$0x0]  }
0x3d4: {  	v4 =	vadd.f32 v39, v4  }
0x3d5: {  	v2 =	vadd.f32 v40, v6  }
0x3d6: {  	[tilespmem:s16+$0x780] =	vst v4;
	v44 =	vadd.f32 v42, v3  }
0x3d7: {  	[tilespmem:s15+$0xFFFFFF80] =	vst v2;
	v1 =	vadd.f32 v41, v1  }
0x3d8: {  	[tilespmem:s16+$0xFFFFFF80] =	vst v44;
	v0 =	vadd.f32 v43, v0  }
0x3d9: {  	[tilespmem:s20+$0x780] =	vst v1  }
0x3da: {  	[tilespmem:s20+$0xFFFFFF80] =	vst v0  }
0x3db: {  	v0 =	vld [tilespmem:$0x1F00];
	_ =	sdelay $0x1  }
0x3dc: {  	v1 =	vld [tilespmem:$0x2100];
	_ =	sdelay $0x2  }
0x3dd: {  	v2 =	vld [tilespmem:$0x2300];
	v0 =	vmul.u32 $0x1B, v0;
	_ =	sdelay $0x1  }
0x3de: {  	v0 =	vadd.s32 v1, v0  }
0x3df: {  	v0 =	vshll.u32 v0, $0x4  }
0x3e0: {  	v0 =	vadd.s32 $0x300, v0  }
0x3e1: {  	v45 =	vshll.u32 v2, $0x4;
	(v2sf) =	vpush v0, $0x1  }
0x3e2: {  	v1 =	vadd.s32 $0x270, v45;
	(v2sf) =	vpush v0, $0x0  }
0x3e3: {  	(v2sf) =	vpush v1, $0x0;
	_ =	sdelay $0x8  }
0x3e4: {  	(v2sf) =	vpush v1, $0x1;
	_ =	sdelay $0x3  }
0x3e5: {  	s24 =	spop (v2sf)  }
0x3e6: {  	s25 =	spop (v2sf)  }
0x3e7: {  	v46 =	vld [tilespmem:s25+$0x0];
	s26 =	spop (v2sf)  }
0x3e8: {  	(v2sf) =	vpush v0, $0x3;
	v47 =	vld [tilespmem:s26+$0x0]  }
0x3e9: {  	(v2sf) =	vpush v0, $0x2  }
0x3ea: {  	(v2sf) =	vpush v1, $0x2;
	_ =	sdelay $0x2  }
0x3eb: {  	v2 =	vadd.f32 v47, v46;
	_ =	sdelay $0x1  }
0x3ec: {  	[tilespmem:$0x1AB80] =	vst v2  }
0x3ed: {  	s28 =	spop (v2sf);
	v2 =	vld [tilespmem:s24+$0x0]  }
0x3ee: {  	v48 =	vld [tilespmem:s28+$0x0];
	_ =	sdelay $0x1  }
0x3ef: {  	(v2sf) =	vpush v1, $0x3;
	_ =	sdelay $0x2  }
0x3f0: {  	v2 =	vadd.f32 v48, v2  }
0x3f1: {  	s29 =	spop (v2sf)  }
0x3f2: {  	s30 =	spop (v2sf);
	[tilespmem:$0x1AC00] =	vst v2  }
0x3f3: {  	s31 =	spop (v2sf);
	v2 =	vld [tilespmem:s30+$0x0]  }
0x3f4: {  	(v2sf) =	vpush v0, $0x5;
	v49 =	vld [tilespmem:s31+$0x0]  }
0x3f5: {  	(v2sf) =	vpush v0, $0x4  }
0x3f6: {  	(v2sf) =	vpush v1, $0x4;
	_ =	sdelay $0x2  }
0x3f7: {  	v2 =	vadd.f32 v49, v2;
	_ =	sdelay $0x1  }
0x3f8: {  	[tilespmem:$0x1AC80] =	vst v2  }
0x3f9: {  	s2 =	spop (v2sf);
	v2 =	vld [tilespmem:s29+$0x0]  }
0x3fa: {  	v50 =	vld [tilespmem:s2+$0x0];
	_ =	sdelay $0x1  }
0x3fb: {  	(v2sf) =	vpush v1, $0x5;
	_ =	sdelay $0x2  }
0x3fc: {  	v2 =	vadd.f32 v50, v2  }
0x3fd: {  	s3 =	spop (v2sf)  }
0x3fe: {  	s4 =	spop (v2sf);
	[tilespmem:$0x1AD00] =	vst v2  }
0x3ff: {  	s5 =	spop (v2sf);
	v2 =	vld [tilespmem:s4+$0x0]  }
0x400: {  	(v2sf) =	vpush v0, $0x7;
	v51 =	vld [tilespmem:s5+$0x0]  }
0x401: {  	(v2sf) =	vpush v0, $0x6  }
0x402: {  	(v2sf) =	vpush v1, $0x6;
	_ =	sdelay $0x2  }
0x403: {  	v2 =	vadd.f32 v51, v2;
	_ =	sdelay $0x1  }
0x404: {  	[tilespmem:$0x1AD80] =	vst v2  }
0x405: {  	s6 =	spop (v2sf);
	v2 =	vld [tilespmem:s3+$0x0]  }
0x406: {  	v52 =	vld [tilespmem:s6+$0x0];
	_ =	sdelay $0x1  }
0x407: {  	(v2sf) =	vpush v1, $0x7;
	_ =	sdelay $0x2  }
0x408: {  	v2 =	vadd.f32 v52, v2  }
0x409: {  	s7 =	spop (v2sf)  }
0x40a: {  	s8 =	spop (v2sf);
	[tilespmem:$0x1AE00] =	vst v2  }
0x40b: {  	s9 =	spop (v2sf);
	v2 =	vld [tilespmem:s8+$0x0]  }
0x40c: {  	(v2sf) =	vpush v0, $0x9;
	v53 =	vld [tilespmem:s9+$0x0]  }
0x40d: {  	(v2sf) =	vpush v0, $0x8  }
0x40e: {  	(v2sf) =	vpush v1, $0x8;
	_ =	sdelay $0x2  }
0x40f: {  	v2 =	vadd.f32 v53, v2;
	_ =	sdelay $0x1  }
0x410: {  	[tilespmem:$0x1AE80] =	vst v2  }
0x411: {  	s10 =	spop (v2sf);
	v2 =	vld [tilespmem:s7+$0x0]  }
0x412: {  	v54 =	vld [tilespmem:s10+$0x0];
	_ =	sdelay $0x1  }
0x413: {  	(v2sf) =	vpush v1, $0x9;
	_ =	sdelay $0x2  }
0x414: {  	v2 =	vadd.f32 v54, v2  }
0x415: {  	s11 =	spop (v2sf)  }
0x416: {  	s12 =	spop (v2sf);
	[tilespmem:$0x1AF00] =	vst v2  }
0x417: {  	s13 =	spop (v2sf);
	v2 =	vld [tilespmem:s12+$0x0]  }
0x418: {  	(v2sf) =	vpush v0, $0xB;
	v55 =	vld [tilespmem:s13+$0x0]  }
0x419: {  	(v2sf) =	vpush v0, $0xA  }
0x41a: {  	(v2sf) =	vpush v1, $0xA;
	_ =	sdelay $0x2  }
0x41b: {  	v2 =	vadd.f32 v55, v2;
	_ =	sdelay $0x1  }
0x41c: {  	[tilespmem:$0x1AF80] =	vst v2  }
0x41d: {  	s14 =	spop (v2sf);
	v2 =	vld [tilespmem:s11+$0x0]  }
0x41e: {  	v56 =	vld [tilespmem:s14+$0x0];
	_ =	sdelay $0x1  }
0x41f: {  	(v2sf) =	vpush v1, $0xB;
	_ =	sdelay $0x2  }
0x420: {  	v2 =	vadd.f32 v56, v2  }
0x421: {  	s15 =	spop (v2sf)  }
0x422: {  	s16 =	spop (v2sf);
	[tilespmem:$0x1B000] =	vst v2  }
0x423: {  	s17 =	spop (v2sf);
	v2 =	vld [tilespmem:s16+$0x0]  }
0x424: {  	(v2sf) =	vpush v0, $0xD;
	v57 =	vld [tilespmem:s17+$0x0]  }
0x425: {  	(v2sf) =	vpush v0, $0xC  }
0x426: {  	(v2sf) =	vpush v1, $0xC;
	_ =	sdelay $0x2  }
0x427: {  	v2 =	vadd.f32 v57, v2;
	_ =	sdelay $0x1  }
0x428: {  	[tilespmem:$0x1B080] =	vst v2  }
0x429: {  	s18 =	spop (v2sf);
	v2 =	vld [tilespmem:s15+$0x0]  }
0x42a: {  	v58 =	vld [tilespmem:s18+$0x0];
	_ =	sdelay $0x1  }
0x42b: {  	(v2sf) =	vpush v1, $0xD;
	_ =	sdelay $0x2  }
0x42c: {  	v2 =	vadd.f32 v58, v2  }
0x42d: {  	s19 =	spop (v2sf)  }
0x42e: {  	s20 =	spop (v2sf);
	[tilespmem:$0x1B100] =	vst v2  }
0x42f: {  	s21 =	spop (v2sf);
	v2 =	vld [tilespmem:s20+$0x0]  }
0x430: {  	(v2sf) =	vpush v0, $0xF;
	v59 =	vld [tilespmem:s21+$0x0]  }
0x431: {  	(v2sf) =	vpush v0, $0xE  }
0x432: {  	(v2sf) =	vpush v1, $0xE;
	_ =	sdelay $0x2  }
0x433: {  	v60 =	vadd.f32 v59, v2;
	_ =	sdelay $0x1  }
0x434: {  	[tilespmem:$0x1B180] =	vst v60  }
0x435: {  	s22 =	spop (v2sf);
	v0 =	vld [tilespmem:s19+$0x0]  }
0x436: {  	v61 =	vld [tilespmem:s22+$0x0];
	_ =	sdelay $0x1  }
0x437: {  	(v2sf) =	vpush v1, $0xF;
	_ =	sdelay $0x2  }
0x438: {  	v0 =	vadd.f32 v61, v0  }
0x439: {  	s23 =	spop (v2sf)  }
0x43a: {  	s24 =	spop (v2sf);
	[tilespmem:$0x1B200] =	vst v0  }
0x43b: {  	s25 =	spop (v2sf);
	v0 =	vld [tilespmem:s24+$0x0]  }
0x43c: {  	v62 =	vld [tilespmem:s25+$0x0];
	_ =	sdelay $0x4  }
0x43d: {  	v0 =	vadd.f32 v62, v0;
	_ =	sdelay $0x1  }
0x43e: {  	[tilespmem:$0x1B280] =	vst v0  }
0x43f: {  	s31 =	sld [smem:$0x7FA];
	s26 =	spop (v2sf);
	v0 =	vld [tilespmem:s23+$0x0]  }
0x440: {  	v63 =	vld [tilespmem:s26+$0x0];
	_ =	sdelay $0x1  }
0x441: {  	s3 =	sadd.s32 $0x1, s31  }
0x442: {  	s28 =	sld [smem:$0x7F9];
	p0 =	sne.s32 s3, $0x7D  }
.Ltmp3:
0x443: {  	_ = 	snop;
	(pc) =	sbr.rel @p0 .LBB2_4-.Ltmp3, $4  }
0x444: {  	v0 =	vadd.f32 v63, v0  }
0x445: {  	s0 =	sshll.u32 s28, $0x4;
	s29 =	rddreg [dreg:$0x19]  }
0x446: {  	s30 =	simm.s32 $0xEB80;
	s0 =	sadd.s32 s29, s0;
	s8 =	simm.s32 $0x0;
	[tilespmem:$0x1B300] =	vst v0  }
0x447: {  	[hbm4b:s0+s8] =	stream.linear.scatter [tilespmem:s30], [sflag:$0x4], $0xC800, $0x38;
	[tilespmem:$0x1B380] =	vst v63  }
0x448: {  	s0 =	simm.s32 $0x3  }
0x449: {  	_ =	swait.ge [sflag:s0], $0xC800  }
0x44a: {  	[sflag:s0] =	ssyncset.done $0x0  }
0x44b: {  	s1 =	simm.s32 $0x4;
	[sflag:s0] =	ssyncadd.s32 $0xFFFF3800  }
0x44c: {  	_ =	swait.ge [sflag:s1], $0xC800  }
0x44d: {  	s2 =	sld [smem:$0x7FD];
	_ =	sdelay $0x2  }
0x44e: {  	s31 =	rddreg [dreg:$0x1f];
	s2 =	sadd.s32 $0x1, s2  }
0x44f: {  	p0 =	sne.s32 s2, s31  }
.Ltmp4:
0x450: {  	_ = 	snop;
	(pc) =	sbr.rel @p0 .LBB2_1-.Ltmp4, $3  }
0x451: {  	_ =	sdelay $0x1  }
0x452: {  	[sflag:s1] =	ssyncset.done $0x0  }
0x453: {  	[sflag:s1] =	ssyncadd.s32 $0xFFFF3800  }
0x454: {  	_ =	sfence.sel $0x180000  }
0x455: {  	[bflag:$0x0] =	sbarrier.arrive $0xFFFF  }
0x456: {  	_ =	strace $0x90000047  }
0x457: {  	s0 =	stileid.u32;
	[bflag:$0x2] =	sbarrier.arrive $0xFFFF  }
0x458: {  	p0 =	sne.s32 s0, $0x0;
	s0 =	rddreg [dreg:$0x5]  }
0x459: {  	s0 =	sadd.s32 @!p0 $0x100000, s0  }
0x45a: {  	[sflag:s0] =	ssyncadd.tile.s32 @!p0 $0x1;
	_ =	shalt  }
.Lfunc_end2:
_tile_overlayer_lowered:
.L_overlay_start_2:
0x45b: {  	(tag) =	ssettag $0x2  }
0x45c: {  	s0 =	rddreg [dreg:$0x0];
	s2 =	stileid.u32  }
0x45d: {  	s1 =	rddreg [dreg:$0x1];
	p0 =	sne.s32 s2, $0x0  }
0x45e: {  	s3 =	rddreg [dreg:$0x2];
	[bflag:$0x3] =	sbarrier.arrive $0xFFFF;
	s2 =	simm.s32 @!p0 $0x1C05  }
0x45f: {  	[timem:s3], [sflag:s2] =	dma.local @!p0 [hbm:s0], s1  }
0x460: {  	s0 =	simm.s32 @!p0 $0x5  }
0x461: {  	_ =	swait.ge @!p0 [sflag:s0], s1  }
0x462: {  	s1 =	ssub.s32 @!p0 $0x0, s1;
	[sflag:s0] =	ssyncset.done @!p0 $0x0  }
0x463: {  	[sflag:s0] =	ssyncadd.s32 @!p0 s1  }
0x464: {  	[bflag:$0x3] =	sbarrier.arrive $0xFFFF  }
0x465: {  	_ =	shalt  }

</sc_bundles>
